<compile_context>
chip_gen: v7x
topology: tpu7x:2x2x1
jax: 0.10.2.dev20260603
libtpu: 0.0.44.dev20260713+nightly
codegen_flags: <defaults>
</compile_context>

<pallas_src>
import functools

import jax
import jax.numpy as jnp
from jax import lax
from jax.experimental import pallas as pl
from jax.experimental.pallas import tpu as pltpu
from jax.experimental.pallas import tpu_sc as plsc

N_NODES = 10000
R_PAD = 10240
NC, NS = 2, 16
NW = NC * NS
CHUNK = 128
ROWS_PT = R_PAD // NS
OUT_PT = N_NODES // NS
RB = 1000


def _lanes(dtype):
    return 32 if jnp.dtype(dtype).itemsize == 2 else 16


def _fill1d(ref, n, val):
    ln = _lanes(ref.dtype)
    def body(i, _):
        ref[pl.ds(i * ln, ln)] = jnp.full((ln,), val, ref.dtype)
        return 0
    lax.fori_loop(0, n // ln, body, 0)


def _fill2d(ref, rows, cols, val):
    ln = _lanes(ref.dtype)
    def body(i, _):
        r = i // (cols // ln)
        k = i % (cols // ln)
        ref[r, pl.ds(k * ln, ln)] = jnp.full((ln,), val, ref.dtype)
        return 0
    lax.fori_loop(0, rows * (cols // ln), body, 0)


def _deg_body(cpwd, dst3d, deg_out, dstv, ones_v, stage, deg_sh):
    c = lax.axis_index("c")
    s = lax.axis_index("s")
    wid = c * NS + s
    _fill1d(stage, ROWS_PT, 0.0)
    pltpu.sync_copy(stage, deg_sh.at[pl.ds(s * ROWS_PT, ROWS_PT)])
    plsc.subcore_barrier()
    _fill1d(ones_v, CHUNK, 1.0)
    pltpu.sync_copy(dst3d.at[wid], dstv)

    def body(j, _):
        pltpu.sync_copy(ones_v, deg_sh.at[dstv.at[j]], add=True)
        return 0
    lax.fori_loop(0, cpwd, body, 0)
    plsc.subcore_barrier()
    pltpu.sync_copy(deg_sh.at[pl.ds(s * ROWS_PT, ROWS_PT)], stage)
    pltpu.sync_copy(stage, deg_out.at[c, 0, pl.ds(s * ROWS_PT, ROWS_PT)])


def _sc_deg(dst3d_deg, cpwd):
    kern = pl.kernel(
        functools.partial(_deg_body, cpwd),
        out_type=jax.ShapeDtypeStruct((NC, 1, R_PAD), jnp.float32),
        mesh=plsc.VectorSubcoreMesh(core_axis_name="c", subcore_axis_name="s"),
        compiler_params=pltpu.CompilerParams(use_tc_tiling_on_sc=False),
        scratch_types=[
            pltpu.VMEM((cpwd, CHUNK), jnp.int32),
            pltpu.VMEM((CHUNK,), jnp.float32),
            pltpu.VMEM((ROWS_PT,), jnp.float32),
            pltpu.VMEM_SHARED((R_PAD,), jnp.float32),
        ],
    )
    return kern(dst3d_deg)


def _agg_body(cpt, d, staged, hs2, src3d, dst3d, out,
              srcv, dstv, buf0, buf1, buf2, buf3, acc_sh,
              gs0, gs1, gs2_, gs3, ss0, ss1, ss2, ss3, *maybe_tab):
    c = lax.axis_index("c")
    s = lax.axis_index("s")
    _fill2d(buf0, CHUNK, d, 0.0)
    for r in range(ROWS_PT // CHUNK):
        pltpu.sync_copy(buf0, acc_sh.at[pl.ds(s * ROWS_PT + r * CHUNK, CHUNK)])
    if staged:
        tab = maybe_tab[0]
        pltpu.sync_copy(hs2.at[c, pl.ds(s * OUT_PT, OUT_PT)],
                        tab.at[pl.ds(s * OUT_PT, OUT_PT)])
    else:
        tab = hs2.at[c]
    plsc.subcore_barrier()
    pltpu.sync_copy(src3d.at[s], srcv)
    pltpu.sync_copy(dst3d.at[s], dstv)

    bufs = (buf0, buf1, buf2, buf3)
    gsem = (gs0, gs1, gs2_, gs3)
    ssem = (ss0, ss1, ss2, ss3)
    for k in range(4):
        pltpu.async_copy(tab.at[srcv.at[k]], bufs[k], gsem[k])

    def group(jj, _):
        for k in range(4):
            j = 4 * jj + k
            pltpu.make_async_copy(tab.at[srcv.at[0]], bufs[k], gsem[k]).wait()
            pltpu.async_copy(bufs[k], acc_sh.at[dstv.at[j]], ssem[k], add=True)
            jn = jnp.where(j + 4 < cpt, j + 4, 0)
            pltpu.make_async_copy(bufs[k], acc_sh.at[dstv.at[0]],
                                  ssem[k]).wait()
            pltpu.async_copy(tab.at[srcv.at[jn]], bufs[k], gsem[k])
        return 0
    lax.fori_loop(0, cpt // 4, group, 0)
    for k in range(4):
        pltpu.make_async_copy(tab.at[srcv.at[0]], bufs[k], gsem[k]).wait()

    plsc.subcore_barrier()
    for r0, nr in ((0, CHUNK), (CHUNK, CHUNK), (2 * CHUNK, CHUNK),
                   (3 * CHUNK, CHUNK), (4 * CHUNK, OUT_PT - 4 * CHUNK)):
        row0 = s * OUT_PT + r0
        pltpu.sync_copy(acc_sh.at[pl.ds(row0, nr)], buf0.at[pl.ds(0, nr)])
        pltpu.sync_copy(buf0.at[pl.ds(0, nr)], out.at[c, pl.ds(row0, nr)])


def _sc_agg(hs2, src3d, dst3d, cpt, d, staged):
    scratch = [
        pltpu.VMEM((cpt, CHUNK), jnp.int32),
        pltpu.VMEM((cpt, CHUNK), jnp.int32),
        pltpu.VMEM((CHUNK, d), jnp.bfloat16),
        pltpu.VMEM((CHUNK, d), jnp.bfloat16),
        pltpu.VMEM((CHUNK, d), jnp.bfloat16),
        pltpu.VMEM((CHUNK, d), jnp.bfloat16),
        pltpu.VMEM_SHARED((R_PAD, d), jnp.bfloat16),
        pltpu.SemaphoreType.DMA,
        pltpu.SemaphoreType.DMA,
        pltpu.SemaphoreType.DMA,
        pltpu.SemaphoreType.DMA,
        pltpu.SemaphoreType.DMA,
        pltpu.SemaphoreType.DMA,
        pltpu.SemaphoreType.DMA,
        pltpu.SemaphoreType.DMA,
    ]
    if staged:
        scratch.append(pltpu.VMEM_SHARED((N_NODES, d), jnp.bfloat16))
    kern = pl.kernel(
        functools.partial(_agg_body, cpt, d, staged),
        out_type=jax.ShapeDtypeStruct((NC, N_NODES, d), jnp.bfloat16),
        mesh=plsc.VectorSubcoreMesh(core_axis_name="c", subcore_axis_name="s"),
        compiler_params=pltpu.CompilerParams(use_tc_tiling_on_sc=False),
        scratch_types=scratch,
    )
    return kern(hs2, src3d, dst3d)


def _dinv(deg_ref):
    return lax.rsqrt(deg_ref[0] + deg_ref[1] + 1.0)


def _mm1_body(x_ref, w_ref, deg_ref, o_ref):
    dinv = _dinv(deg_ref)
    h = jnp.dot(x_ref[...], w_ref[...], preferred_element_type=jnp.float32)
    hs = (h * dinv).astype(jnp.bfloat16)
    o_ref[0] = hs[:, :64]
    o_ref[1] = hs[:, 64:]


def _mm2_body(p_ref, h_ref, deg_ref, b_ref, w_ref, o_ref):
    dinv = _dinv(deg_ref)
    agg = jnp.concatenate([p_ref[0] + h_ref[0], p_ref[1] + h_ref[1]],
                          axis=1).astype(jnp.float32)
    h1 = jnp.maximum(agg * dinv + b_ref[...], 0.0)
    g = ((jnp.dot(h1, w_ref[...], preferred_element_type=jnp.float32) * dinv)
         .astype(jnp.bfloat16))
    o_ref[0] = g[:, :32]
    o_ref[1] = g[:, 32:]


def _fin_body(p_ref, g_ref, deg_ref, b_ref, o_ref):
    dinv = _dinv(deg_ref)
    agg = jnp.concatenate([p_ref[0] + g_ref[0], p_ref[1] + g_ref[1]],
                          axis=1).astype(jnp.float32)
    o_ref[...] = agg * dinv + b_ref[...]


def _tc_mm1(x, w1, deg3d):
    return pl.pallas_call(
        _mm1_body,
        grid=(N_NODES // RB,),
        in_specs=[
            pl.BlockSpec((RB, 128), lambda i: (i, 0)),
            pl.BlockSpec((128, 128), lambda i: (0, 0)),
            pl.BlockSpec((NC, RB, 1), lambda i: (0, i, 0)),
        ],
        out_specs=pl.BlockSpec((NC, RB, 64), lambda i: (0, i, 0)),
        out_shape=jax.ShapeDtypeStruct((NC, N_NODES, 64), jnp.bfloat16),
    )(x, w1, deg3d)


def _tc_mm2(part1, hs2, deg3d, b1, w2):
    return pl.pallas_call(
        _mm2_body,
        grid=(N_NODES // RB,),
        in_specs=[
            pl.BlockSpec((NC, RB, 64), lambda i: (0, i, 0)),
            pl.BlockSpec((NC, RB, 64), lambda i: (0, i, 0)),
            pl.BlockSpec((NC, RB, 1), lambda i: (0, i, 0)),
            pl.BlockSpec((1, 128), lambda i: (0, 0)),
            pl.BlockSpec((128, 64), lambda i: (0, 0)),
        ],
        out_specs=pl.BlockSpec((NC, RB, 32), lambda i: (0, i, 0)),
        out_shape=jax.ShapeDtypeStruct((NC, N_NODES, 32), jnp.bfloat16),
    )(part1, hs2, deg3d, b1, w2)


def _tc_fin(part2, gs2, deg3d, b2):
    return pl.pallas_call(
        _fin_body,
        grid=(N_NODES // RB,),
        in_specs=[
            pl.BlockSpec((NC, RB, 32), lambda i: (0, i, 0)),
            pl.BlockSpec((NC, RB, 32), lambda i: (0, i, 0)),
            pl.BlockSpec((NC, RB, 1), lambda i: (0, i, 0)),
            pl.BlockSpec((1, 64), lambda i: (0, 0)),
        ],
        out_specs=pl.BlockSpec((RB, 64), lambda i: (i, 0)),
        out_shape=jax.ShapeDtypeStruct((N_NODES, 64), jnp.float32),
    )(part2, gs2, deg3d, b2)


def kernel(x, edge_index, W1, b1, W2, b2):
    n = x.shape[0]
    e = edge_index.shape[1]
    cpt = -(-e // (NS * CHUNK))
    cpt += (-cpt) % 4
    e_padded = NS * cpt * CHUNK
    cpwd = cpt // 2
    npad = e_padded - e

    pad_src = jnp.arange(npad, dtype=jnp.int32) % n
    pad_dst = n + jnp.arange(npad, dtype=jnp.int32) % (R_PAD - n)
    src = jnp.concatenate([edge_index[0], pad_src])
    dst = jnp.concatenate([edge_index[1], pad_dst])
    src3d = src.reshape(NS, cpt, CHUNK)
    dst3d = dst.reshape(NS, cpt, CHUNK)
    dst3d_deg = dst.reshape(NW, cpwd, CHUNK)

    deg3d = _sc_deg(dst3d_deg, cpwd).reshape(NC, R_PAD, 1)
    hs2 = _tc_mm1(x, W1, deg3d)
    part1 = _sc_agg(hs2, src3d, dst3d, cpt, 64, True)
    gs2 = _tc_mm2(part1, hs2, deg3d, b1.reshape(1, 128), W2)
    part2 = _sc_agg(gs2, src3d, dst3d, cpt, 32, True)
    out = _tc_fin(part2, gs2, deg3d, b2.reshape(1, 64))
    return out

# --- scband reference (transcript-rebuilt; emitter-appended) ---
"""Pipeline reference for scband-graph-encoder-24653112279422 (READ-ONLY COPY).

The authoritative reference and input builder live on the scoring server;
editing this copy changes nothing except your own understanding.
"""

import jax, jax.numpy as jnp
import numpy as np

N = 10000
E = 320000
D_IN = 128
D_HID = 128
D_OUT = 64


def setup_inputs(seed: int = 0) -> dict:
    key = jax.random.key(seed)
    k1, k2, k3, k4 = jax.random.split(key, 4)
    x = jax.random.normal(k1, (N, D_IN), dtype=jnp.float32)
    edge_index = jax.random.randint(k2, (2, E), 0, N, dtype=jnp.int32)
    W1 = jax.random.normal(k3, (D_IN, D_HID), dtype=jnp.float32) * 0.05
    b1 = jnp.zeros((D_HID,), dtype=jnp.float32)
    W2 = jax.random.normal(k4, (D_HID, D_OUT), dtype=jnp.float32) * 0.05
    b2 = jnp.zeros((D_OUT,), dtype=jnp.float32)
    return {"x": x, "edge_index": edge_index, "W1": W1, "b1": b1, "W2": W2, "b2": b2}


def _gcn_conv(x, src, dst, W, b, num_nodes):
    # symmetric normalization D^{-1/2} (A+I) D^{-1/2} X W + b (self-loops already in src/dst)
    deg = jnp.zeros((num_nodes,), dtype=x.dtype).at[dst].add(1.0)
    dinv = jnp.where(deg > 0, jax.lax.rsqrt(deg), 0.0)
    norm = dinv[src] * dinv[dst]
    h = x @ W
    msg = h[src] * norm[:, None]
    out = jax.ops.segment_sum(msg, dst, num_segments=num_nodes)
    return out + b


def reference(x, edge_index, W1, b1, W2, b2):
    num_nodes = x.shape[0]
    loop = jnp.arange(num_nodes, dtype=edge_index.dtype)
    src = jnp.concatenate([edge_index[0], loop])
    dst = jnp.concatenate([edge_index[1], loop])
    h = _gcn_conv(x, src, dst, W1, b1, num_nodes)
    h = jax.nn.relu(h)
    # dropout is identity in eval mode
    out = _gcn_conv(h, src, dst, W2, b2, num_nodes)
    return out

if __name__ == "__main__":
    import jax
    _d = setup_inputs()
    print(jax.jit(kernel)(*tuple(_d.values())))

</pallas_src>

<mosaic_0001>
#map = affine_map<(d0, d1) -> (0, 0, 0)>
module attributes {stable_mosaic.version = 14 : i64} {
  func.func @_deg_body(%arg0: i32, %arg1: i32, %arg2: memref<32x80x128xi32, #tpu.memory_space<hbm>>, %arg3: memref<2x1x10240xf32, #tpu.memory_space<hbm>>, %arg4: memref<80x128xi32, #tpu.memory_space<vmem>>, %arg5: memref<128xf32, #tpu.memory_space<vmem>>, %arg6: memref<640xf32, #tpu.memory_space<vmem>>, %arg7: memref<10240xf32, #tpu.memory_space<vmem_shared>>) attributes {dimension_semantics = [#tpu.dimension_semantics<core_parallel>, #tpu.dimension_semantics<subcore_parallel>], iteration_bounds = array<i64: 2, 16>, scalar_prefetch = 0 : i64, scratch_operands = 4 : i64, tpu.core_type = #tpu.core_type<sc_vector_subcore>, window_params = [{transform_indices = #map}, {transform_indices = #map}]} {
    %mul3A = arith.constant 16 : i32
    %mul3A_0 = arith.muli %arg0, %mul3A : i32
    %add3A = arith.addi %mul3A_0, %arg1 : i32
    %scan3A = arith.constant 0 : i32
    %scan3A_1 = arith.constant 0 : i32
    %scan3A_2 = arith.constant 40 : i32
    %scan3A_3 = arith.addi %scan3A_1, %scan3A_2 : i32
    %scan3A_4 = arith.constant 1 : i32
    %scan3A_5 = scf.for %scan3A_28 = %scan3A_1 to %scan3A_3 step %scan3A_4 iter_args(%scan3A_29 = %scan3A) -> (i32)  : i32 {
      %broadcast_in_dim3A = arith.constant 0.000000e+00 : f32
      %broadcast_in_dim3A_30 = vector.broadcast %broadcast_in_dim3A : f32 to vector<16xf32>
      %mul3A_31 = arith.constant 16 : i32
      %mul3A_32 = arith.muli %scan3A_28, %mul3A_31 : i32
      %swap3A = arith.index_cast %mul3A_32 : i32 to index
      %swap3A_33 = tpu.vector_load %arg6[%swap3A] {strides = array<i32>} : memref<640xf32, #tpu.memory_space<vmem>>, vector<16xf32>,
      %swap3A_34 = vector.shape_cast %swap3A_33 : vector<16xf32> to vector<16xf32>
      %swap3A_35 = vector.shape_cast %broadcast_in_dim3A_30 : vector<16xf32> to vector<16xf32>
      tpu.vector_store %arg6[%swap3A], %swap3A_35 {strides = array<i32>} : memref<640xf32, #tpu.memory_space<vmem>>, vector<16xf32>,
      %scan3A_36 = arith.constant 0 : i32
      scf.yield %scan3A_36 : i32
    }
    %scan3A_6 = arith.constant 40 : i32
    %mul3A_7 = arith.constant 640 : i32
    %mul3A_8 = arith.muli %arg1, %mul3A_7 : i32
    "tpu.region"() ({
      %run_scoped3A_28 = tpu.sem_alloc : memref<!tpu.dma_semaphore, #tpu.memory_space<semaphore_mem>>
      %dma_start3A = tpu.memref_slice %arg7[%mul3A_8] : memref<10240xf32, #tpu.memory_space<vmem_shared>> -> memref<640xf32, #tpu.memory_space<vmem_shared>>
      %dma_start3A_29 = tpu.memref_slice %arg7[%mul3A_8] : memref<10240xf32, #tpu.memory_space<vmem_shared>> -> memref<640xf32, #tpu.memory_space<vmem_shared>>
      tpu.enqueue_dma source(%arg6 : memref<640xf32, #tpu.memory_space<vmem>>) target(%dma_start3A_29 : memref<640xf32, #tpu.memory_space<vmem_shared>>) target_semaphore(%run_scoped3A_28 : memref<!tpu.dma_semaphore, #tpu.memory_space<semaphore_mem>>)
      %dma_wait3A = tpu.memref_slice %arg7[%mul3A_8] : memref<10240xf32, #tpu.memory_space<vmem_shared>> -> memref<640xf32, #tpu.memory_space<vmem_shared>>
      %dma_wait3A_30 = tpu.memref_slice %arg7[%mul3A_8] : memref<10240xf32, #tpu.memory_space<vmem_shared>> -> memref<640xf32, #tpu.memory_space<vmem_shared>>
      tpu.wait_dma2 semaphore(%run_scoped3A_28 : memref<!tpu.dma_semaphore, #tpu.memory_space<semaphore_mem>>) src(%arg6 : memref<640xf32, #tpu.memory_space<vmem>>) dst(%dma_wait3A_30 : memref<640xf32, #tpu.memory_space<vmem_shared>>)
      tpu.yield
    }) : () -> ()
    %barrier3A = arith.constant 0 : index
    tpu.barrier barrier_id(%barrier3A)
    %scan3A_9 = arith.constant 0 : i32
    %scan3A_10 = arith.constant 0 : i32
    %scan3A_11 = arith.constant 8 : i32
    %scan3A_12 = arith.addi %scan3A_10, %scan3A_11 : i32
    %scan3A_13 = arith.constant 1 : i32
    %scan3A_14 = scf.for %scan3A_28 = %scan3A_10 to %scan3A_12 step %scan3A_13 iter_args(%scan3A_29 = %scan3A_9) -> (i32)  : i32 {
      %broadcast_in_dim3A = arith.constant 1.000000e+00 : f32
      %broadcast_in_dim3A_30 = vector.broadcast %broadcast_in_dim3A : f32 to vector<16xf32>
      %mul3A_31 = arith.constant 16 : i32
      %mul3A_32 = arith.muli %scan3A_28, %mul3A_31 : i32
      %swap3A = arith.index_cast %mul3A_32 : i32 to index
      %swap3A_33 = tpu.vector_load %arg5[%swap3A] {strides = array<i32>} : memref<128xf32, #tpu.memory_space<vmem>>, vector<16xf32>,
      %swap3A_34 = vector.shape_cast %swap3A_33 : vector<16xf32> to vector<16xf32>
      %swap3A_35 = vector.shape_cast %broadcast_in_dim3A_30 : vector<16xf32> to vector<16xf32>
      tpu.vector_store %arg5[%swap3A], %swap3A_35 {strides = array<i32>} : memref<128xf32, #tpu.memory_space<vmem>>, vector<16xf32>,
      %scan3A_36 = arith.constant 0 : i32
      scf.yield %scan3A_36 : i32
    }
    %scan3A_15 = arith.constant 8 : i32
    "tpu.region"() ({
      %run_scoped3A_28 = tpu.sem_alloc : memref<!tpu.dma_semaphore, #tpu.memory_space<semaphore_mem>>
      %dma_start3A = arith.constant 0 : i32
      %dma_start3A_29 = arith.constant 0 : i32
      %dma_start3A_30 = tpu.memref_slice %arg2[%add3A, %dma_start3A, %dma_start3A_29] : memref<32x80x128xi32, #tpu.memory_space<hbm>> -> memref<1x80x128xi32, #tpu.memory_space<hbm>>
      %dma_start3A_31 = tpu.memref_squeeze %dma_start3A_30 : memref<1x80x128xi32, #tpu.memory_space<hbm>> -> memref<80x128xi32, #tpu.memory_space<hbm>>
      %dma_start3A_32 = arith.constant 0 : i32
      %dma_start3A_33 = arith.constant 0 : i32
      %dma_start3A_34 = tpu.memref_slice %arg2[%add3A, %dma_start3A_32, %dma_start3A_33] : memref<32x80x128xi32, #tpu.memory_space<hbm>> -> memref<1x80x128xi32, #tpu.memory_space<hbm>>
      %dma_start3A_35 = tpu.memref_squeeze %dma_start3A_34 : memref<1x80x128xi32, #tpu.memory_space<hbm>> -> memref<80x128xi32, #tpu.memory_space<hbm>>
      tpu.enqueue_dma source(%dma_start3A_35 : memref<80x128xi32, #tpu.memory_space<hbm>>) target(%arg4 : memref<80x128xi32, #tpu.memory_space<vmem>>) target_semaphore(%run_scoped3A_28 : memref<!tpu.dma_semaphore, #tpu.memory_space<semaphore_mem>>)
      %dma_wait3A = arith.constant 0 : i32
      %dma_wait3A_36 = arith.constant 0 : i32
      %dma_wait3A_37 = tpu.memref_slice %arg2[%add3A, %dma_wait3A, %dma_wait3A_36] : memref<32x80x128xi32, #tpu.memory_space<hbm>> -> memref<1x80x128xi32, #tpu.memory_space<hbm>>
      %dma_wait3A_38 = tpu.memref_squeeze %dma_wait3A_37 : memref<1x80x128xi32, #tpu.memory_space<hbm>> -> memref<80x128xi32, #tpu.memory_space<hbm>>
      %dma_wait3A_39 = arith.constant 0 : i32
      %dma_wait3A_40 = arith.constant 0 : i32
      %dma_wait3A_41 = tpu.memref_slice %arg2[%add3A, %dma_wait3A_39, %dma_wait3A_40] : memref<32x80x128xi32, #tpu.memory_space<hbm>> -> memref<1x80x128xi32, #tpu.memory_space<hbm>>
      %dma_wait3A_42 = tpu.memref_squeeze %dma_wait3A_41 : memref<1x80x128xi32, #tpu.memory_space<hbm>> -> memref<80x128xi32, #tpu.memory_space<hbm>>
      tpu.wait_dma2 semaphore(%run_scoped3A_28 : memref<!tpu.dma_semaphore, #tpu.memory_space<semaphore_mem>>) src(%dma_wait3A_42 : memref<80x128xi32, #tpu.memory_space<hbm>>) dst(%arg4 : memref<80x128xi32, #tpu.memory_space<vmem>>)
      tpu.yield
    }) : () -> ()
    %scan3A_16 = arith.constant 0 : i32
    %scan3A_17 = arith.constant 0 : i32
    %scan3A_18 = arith.constant 80 : i32
    %scan3A_19 = arith.addi %scan3A_17, %scan3A_18 : i32
    %scan3A_20 = arith.constant 1 : i32
    %scan3A_21 = scf.for %scan3A_28 = %scan3A_17 to %scan3A_19 step %scan3A_20 iter_args(%scan3A_29 = %scan3A_16) -> (i32)  : i32 {
      "tpu.region"() ({
        %run_scoped3A_31 = tpu.sem_alloc : memref<!tpu.dma_semaphore, #tpu.memory_space<semaphore_mem>>
        %dma_start3A = arith.constant 0 : i32
        %dma_start3A_32 = tpu.memref_slice %arg4[%scan3A_28, %dma_start3A] : memref<80x128xi32, #tpu.memory_space<vmem>> -> memref<1x128xi32, #tpu.memory_space<vmem>>
        %dma_start3A_33 = tpu.memref_squeeze %dma_start3A_32 : memref<1x128xi32, #tpu.memory_space<vmem>> -> memref<128xi32, #tpu.memory_space<vmem>>
        %dma_start3A_34 = arith.constant 0 : i32
        %dma_start3A_35 = tpu.memref_slice %arg7[%dma_start3A_34] : memref<10240xf32, #tpu.memory_space<vmem_shared>> -> memref<10240xf32, #tpu.memory_space<vmem_shared>>
        tpu.enqueue_indirect_dma source(%arg5 : memref<128xf32, #tpu.memory_space<vmem>>) target(%dma_start3A_35 : memref<10240xf32, #tpu.memory_space<vmem_shared>>) offsets(%dma_start3A_33 : memref<128xi32, #tpu.memory_space<vmem>>) semaphore(%run_scoped3A_31 : memref<!tpu.dma_semaphore, #tpu.memory_space<semaphore_mem>>) {add = true}
        %dma_wait3A = arith.constant 0 : i32
        %dma_wait3A_36 = tpu.memref_slice %arg4[%scan3A_28, %dma_wait3A] : memref<80x128xi32, #tpu.memory_space<vmem>> -> memref<1x128xi32, #tpu.memory_space<vmem>>
        %dma_wait3A_37 = tpu.memref_squeeze %dma_wait3A_36 : memref<1x128xi32, #tpu.memory_space<vmem>> -> memref<128xi32, #tpu.memory_space<vmem>>
        %dma_wait3A_38 = arith.constant 0 : i32
        %dma_wait3A_39 = tpu.memref_slice %arg7[%dma_wait3A_38] : memref<10240xf32, #tpu.memory_space<vmem_shared>> -> memref<10240xf32, #tpu.memory_space<vmem_shared>>
        tpu.wait_indirect_dma semaphore(%run_scoped3A_31 : memref<!tpu.dma_semaphore, #tpu.memory_space<semaphore_mem>>) src(%arg5 : memref<128xf32, #tpu.memory_space<vmem>>) dst(%dma_wait3A_39 : memref<10240xf32, #tpu.memory_space<vmem_shared>>)
        tpu.yield
      }) : () -> ()
      %scan3A_30 = arith.constant 0 : i32
      scf.yield %scan3A_30 : i32
    }
    %scan3A_22 = arith.constant 80 : i32
    %barrier3A_23 = arith.constant 0 : index
    tpu.barrier barrier_id(%barrier3A_23)
    %mul3A_24 = arith.constant 640 : i32
    %mul3A_25 = arith.muli %arg1, %mul3A_24 : i32
    "tpu.region"() ({
      %run_scoped3A_28 = tpu.sem_alloc : memref<!tpu.dma_semaphore, #tpu.memory_space<semaphore_mem>>
      %dma_start3A = tpu.memref_slice %arg7[%mul3A_25] : memref<10240xf32, #tpu.memory_space<vmem_shared>> -> memref<640xf32, #tpu.memory_space<vmem_shared>>
      %dma_start3A_29 = tpu.memref_slice %arg7[%mul3A_25] : memref<10240xf32, #tpu.memory_space<vmem_shared>> -> memref<640xf32, #tpu.memory_space<vmem_shared>>
      tpu.enqueue_dma source(%dma_start3A_29 : memref<640xf32, #tpu.memory_space<vmem_shared>>) target(%arg6 : memref<640xf32, #tpu.memory_space<vmem>>) target_semaphore(%run_scoped3A_28 : memref<!tpu.dma_semaphore, #tpu.memory_space<semaphore_mem>>)
      %dma_wait3A = tpu.memref_slice %arg7[%mul3A_25] : memref<10240xf32, #tpu.memory_space<vmem_shared>> -> memref<640xf32, #tpu.memory_space<vmem_shared>>
      %dma_wait3A_30 = tpu.memref_slice %arg7[%mul3A_25] : memref<10240xf32, #tpu.memory_space<vmem_shared>> -> memref<640xf32, #tpu.memory_space<vmem_shared>>
      tpu.wait_dma2 semaphore(%run_scoped3A_28 : memref<!tpu.dma_semaphore, #tpu.memory_space<semaphore_mem>>) src(%dma_wait3A_30 : memref<640xf32, #tpu.memory_space<vmem_shared>>) dst(%arg6 : memref<640xf32, #tpu.memory_space<vmem>>)
      tpu.yield
    }) : () -> ()
    %mul3A_26 = arith.constant 640 : i32
    %mul3A_27 = arith.muli %arg1, %mul3A_26 : i32
    %run_scoped3A = arith.constant 0 : i32
    "tpu.region"() ({
      %run_scoped3A_28 = tpu.sem_alloc : memref<!tpu.dma_semaphore, #tpu.memory_space<semaphore_mem>>
      %dma_start3A = tpu.memref_slice %arg3[%arg0, %run_scoped3A, %mul3A_27] : memref<2x1x10240xf32, #tpu.memory_space<hbm>> -> memref<1x1x640xf32, #tpu.memory_space<hbm>>
      %dma_start3A_29 = tpu.memref_squeeze %dma_start3A : memref<1x1x640xf32, #tpu.memory_space<hbm>> -> memref<640xf32, #tpu.memory_space<hbm>>
      %dma_start3A_30 = tpu.memref_slice %arg3[%arg0, %run_scoped3A, %mul3A_27] : memref<2x1x10240xf32, #tpu.memory_space<hbm>> -> memref<1x1x640xf32, #tpu.memory_space<hbm>>
      %dma_start3A_31 = tpu.memref_squeeze %dma_start3A_30 : memref<1x1x640xf32, #tpu.memory_space<hbm>> -> memref<640xf32, #tpu.memory_space<hbm>>
      tpu.enqueue_dma source(%arg6 : memref<640xf32, #tpu.memory_space<vmem>>) target(%dma_start3A_31 : memref<640xf32, #tpu.memory_space<hbm>>) target_semaphore(%run_scoped3A_28 : memref<!tpu.dma_semaphore, #tpu.memory_space<semaphore_mem>>)
      %dma_wait3A = tpu.memref_slice %arg3[%arg0, %run_scoped3A, %mul3A_27] : memref<2x1x10240xf32, #tpu.memory_space<hbm>> -> memref<1x1x640xf32, #tpu.memory_space<hbm>>
      %dma_wait3A_32 = tpu.memref_squeeze %dma_wait3A : memref<1x1x640xf32, #tpu.memory_space<hbm>> -> memref<640xf32, #tpu.memory_space<hbm>>
      %dma_wait3A_33 = tpu.memref_slice %arg3[%arg0, %run_scoped3A, %mul3A_27] : memref<2x1x10240xf32, #tpu.memory_space<hbm>> -> memref<1x1x640xf32, #tpu.memory_space<hbm>>
      %dma_wait3A_34 = tpu.memref_squeeze %dma_wait3A_33 : memref<1x1x640xf32, #tpu.memory_space<hbm>> -> memref<640xf32, #tpu.memory_space<hbm>>
      tpu.wait_dma2 semaphore(%run_scoped3A_28 : memref<!tpu.dma_semaphore, #tpu.memory_space<semaphore_mem>>) src(%arg6 : memref<640xf32, #tpu.memory_space<vmem>>) dst(%dma_wait3A_34 : memref<640xf32, #tpu.memory_space<hbm>>)
      tpu.yield
    }) : () -> ()
    return
  }
}

#map = affine_map<(d0, d1) -> (0, 0, 0)>
module attributes {stable_mosaic.version = 14 : i64} {
  func.func @_agg_body(%arg0: i32, %arg1: i32, %arg2: memref<2x10000x64xbf16, #tpu.memory_space<hbm>>, %arg3: memref<16x160x128xi32, #tpu.memory_space<hbm>>, %arg4: memref<16x160x128xi32, #tpu.memory_space<hbm>>, %arg5: memref<2x10000x64xbf16, #tpu.memory_space<hbm>>, %arg6: memref<160x128xi32, #tpu.memory_space<vmem>>, %arg7: memref<160x128xi32, #tpu.memory_space<vmem>>, %arg8: memref<128x64xbf16, #tpu.memory_space<vmem>>, %arg9: memref<128x64xbf16, #tpu.memory_space<vmem>>, %arg10: memref<128x64xbf16, #tpu.memory_space<vmem>>, %arg11: memref<128x64xbf16, #tpu.memory_space<vmem>>, %arg12: memref<10240x64xbf16, #tpu.memory_space<vmem_shared>>, %arg13: memref<!tpu.dma_semaphore, #tpu.memory_space<semaphore_mem>>, %arg14: memref<!tpu.dma_semaphore, #tpu.memory_space<semaphore_mem>>, %arg15: memref<!tpu.dma_semaphore, #tpu.memory_space<semaphore_mem>>, %arg16: memref<!tpu.dma_semaphore, #tpu.memory_space<semaphore_mem>>, %arg17: memref<!tpu.dma_semaphore, #tpu.memory_space<semaphore_mem>>, %arg18: memref<!tpu.dma_semaphore, #tpu.memory_space<semaphore_mem>>, %arg19: memref<!tpu.dma_semaphore, #tpu.memory_space<semaphore_mem>>, %arg20: memref<!tpu.dma_semaphore, #tpu.memory_space<semaphore_mem>>, %arg21: memref<10000x64xbf16, #tpu.memory_space<vmem_shared>>) attributes {dimension_semantics = [#tpu.dimension_semantics<core_parallel>, #tpu.dimension_semantics<subcore_parallel>], iteration_bounds = array<i64: 2, 16>, scalar_prefetch = 0 : i64, scratch_operands = 16 : i64, tpu.core_type = #tpu.core_type<sc_vector_subcore>, window_params = [{transform_indices = #map}, {transform_indices = #map}, {transform_indices = #map}, {transform_indices = #map}]} {
    %scan3A = arith.constant 0 : i32
    %scan3A_0 = arith.constant 0 : i32
    %scan3A_1 = arith.constant 256 : i32
    %scan3A_2 = arith.addi %scan3A_0, %scan3A_1 : i32
    %scan3A_3 = arith.constant 1 : i32
    %scan3A_4 = scf.for %scan3A_110 = %scan3A_0 to %scan3A_2 step %scan3A_3 iter_args(%scan3A_111 = %scan3A) -> (i32)  : i32 {
      %jit3A = arith.constant 2 : i32
      %div3A = arith.divsi %scan3A_110, %jit3A : i32
      %sign3A = arith.constant 0 : i32
      %sign3A_112 = arith.cmpi sgt, %scan3A_110, %sign3A : i32
      %sign3A_113 = arith.extui %sign3A_112 : i1 to i32
      %sign3A_114 = arith.constant 0 : i32
      %sign3A_115 = arith.cmpi slt, %scan3A_110, %sign3A_114 : i32
      %sign3A_116 = arith.extui %sign3A_115 : i1 to i32
      %sign3A_117 = arith.subi %sign3A_113, %sign3A_116 : i32
      %sign3A_118 = arith.constant 0 : i32
      %sign3A_119 = arith.cmpi sgt, %jit3A, %sign3A_118 : i32
      %sign3A_120 = arith.extui %sign3A_119 : i1 to i32
      %sign3A_121 = arith.constant 0 : i32
      %sign3A_122 = arith.cmpi slt, %jit3A, %sign3A_121 : i32
      %sign3A_123 = arith.extui %sign3A_122 : i1 to i32
      %sign3A_124 = arith.subi %sign3A_120, %sign3A_123 : i32
      %ne3A = arith.cmpi ne, %sign3A_117, %sign3A_124 : i32
      %rem3A = arith.remsi %scan3A_110, %jit3A : i32
      %ne3A_125 = arith.constant 0 : i32
      %ne3A_126 = arith.cmpi ne, %rem3A, %ne3A_125 : i32
      %and3A = arith.andi %ne3A, %ne3A_126 : i1
      %sub3A = arith.constant 1 : i32
      %sub3A_127 = arith.subi %div3A, %sub3A : i32
      %select_n3A = arith.select %and3A, %sub3A_127, %div3A : i32
      %jit3A_128 = arith.constant 2 : i32
      %eq3A = arith.constant 0 : i32
      %eq3A_129 = arith.cmpi eq, %jit3A_128, %eq3A : i32
      %jit3A_130 = arith.constant 1 : i32
      %select_n3A_131 = arith.select %eq3A_129, %jit3A_130, %jit3A_128 : i32
      %rem3A_132 = arith.remsi %scan3A_110, %select_n3A_131 : i32
      %ne3A_133 = arith.constant 0 : i32
      %ne3A_134 = arith.cmpi ne, %rem3A_132, %ne3A_133 : i32
      %lt3A = arith.constant 0 : i32
      %lt3A_135 = arith.cmpi slt, %rem3A_132, %lt3A : i32
      %lt3A_136 = arith.constant 0 : i32
      %lt3A_137 = arith.cmpi slt, %select_n3A_131, %lt3A_136 : i32
      %ne3A_138 = arith.xori %lt3A_135, %lt3A_137 : i1
      %and3A_139 = arith.andi %ne3A_138, %ne3A_134 : i1
      %add3A_140 = arith.addi %rem3A_132, %select_n3A_131 : i32
      %select_n3A_141 = arith.select %and3A_139, %add3A_140, %rem3A_132 : i32
      %broadcast_in_dim3A = arith.constant 0.000000e+00 : bf16
      %broadcast_in_dim3A_142 = vector.broadcast %broadcast_in_dim3A : bf16 to vector<32xbf16>
      %mul3A_143 = arith.constant 32 : i32
      %mul3A_144 = arith.muli %select_n3A_141, %mul3A_143 : i32
      %swap3A = arith.index_cast %select_n3A : i32 to index
      %swap3A_145 = arith.index_cast %mul3A_144 : i32 to index
      %swap3A_146 = tpu.vector_load %arg8[%swap3A, %swap3A_145] {strides = array<i32>} : memref<128x64xbf16, #tpu.memory_space<vmem>>, vector<1x32xbf16>,
      %swap3A_147 = vector.shape_cast %swap3A_146 : vector<1x32xbf16> to vector<32xbf16>
      %swap3A_148 = vector.shape_cast %broadcast_in_dim3A_142 : vector<32xbf16> to vector<1x32xbf16>
      tpu.vector_store %arg8[%swap3A, %swap3A_145], %swap3A_148 {strides = array<i32>} : memref<128x64xbf16, #tpu.memory_space<vmem>>, vector<1x32xbf16>,
      %scan3A_149 = arith.constant 0 : i32
      scf.yield %scan3A_149 : i32
    }
    %scan3A_5 = arith.constant 256 : i32
    %mul3A = arith.constant 640 : i32
    %mul3A_6 = arith.muli %arg1, %mul3A : i32
    %add3A = arith.constant 0 : i32
    %add3A_7 = arith.addi %mul3A_6, %add3A : i32
    "tpu.region"() ({
      %run_scoped3A = tpu.sem_alloc : memref<!tpu.dma_semaphore, #tpu.memory_space<semaphore_mem>>
      %dma_start3A_110 = arith.constant 0 : i32
      %dma_start3A_111 = tpu.memref_slice %arg12[%add3A_7, %dma_start3A_110] : memref<10240x64xbf16, #tpu.memory_space<vmem_shared>> -> memref<128x64xbf16, #tpu.memory_space<vmem_shared>>
      %dma_start3A_112 = arith.constant 0 : i32
      %dma_start3A_113 = tpu.memref_slice %arg12[%add3A_7, %dma_start3A_112] : memref<10240x64xbf16, #tpu.memory_space<vmem_shared>> -> memref<128x64xbf16, #tpu.memory_space<vmem_shared>>
      tpu.enqueue_dma source(%arg8 : memref<128x64xbf16, #tpu.memory_space<vmem>>) target(%dma_start3A_113 : memref<128x64xbf16, #tpu.memory_space<vmem_shared>>) target_semaphore(%run_scoped3A : memref<!tpu.dma_semaphore, #tpu.memory_space<semaphore_mem>>)
      %dma_wait3A_114 = arith.constant 0 : i32
      %dma_wait3A_115 = tpu.memref_slice %arg12[%add3A_7, %dma_wait3A_114] : memref<10240x64xbf16, #tpu.memory_space<vmem_shared>> -> memref<128x64xbf16, #tpu.memory_space<vmem_shared>>
      %dma_wait3A_116 = arith.constant 0 : i32
      %dma_wait3A_117 = tpu.memref_slice %arg12[%add3A_7, %dma_wait3A_116] : memref<10240x64xbf16, #tpu.memory_space<vmem_shared>> -> memref<128x64xbf16, #tpu.memory_space<vmem_shared>>
      tpu.wait_dma2 semaphore(%run_scoped3A : memref<!tpu.dma_semaphore, #tpu.memory_space<semaphore_mem>>) src(%arg8 : memref<128x64xbf16, #tpu.memory_space<vmem>>) dst(%dma_wait3A_117 : memref<128x64xbf16, #tpu.memory_space<vmem_shared>>)
      tpu.yield
    }) : () -> ()
    %mul3A_8 = arith.constant 640 : i32
    %mul3A_9 = arith.muli %arg1, %mul3A_8 : i32
    %add3A_10 = arith.constant 128 : i32
    %add3A_11 = arith.addi %mul3A_9, %add3A_10 : i32
    "tpu.region"() ({
      %run_scoped3A = tpu.sem_alloc : memref<!tpu.dma_semaphore, #tpu.memory_space<semaphore_mem>>
      %dma_start3A_110 = arith.constant 0 : i32
      %dma_start3A_111 = tpu.memref_slice %arg12[%add3A_11, %dma_start3A_110] : memref<10240x64xbf16, #tpu.memory_space<vmem_shared>> -> memref<128x64xbf16, #tpu.memory_space<vmem_shared>>
      %dma_start3A_112 = arith.constant 0 : i32
      %dma_start3A_113 = tpu.memref_slice %arg12[%add3A_11, %dma_start3A_112] : memref<10240x64xbf16, #tpu.memory_space<vmem_shared>> -> memref<128x64xbf16, #tpu.memory_space<vmem_shared>>
      tpu.enqueue_dma source(%arg8 : memref<128x64xbf16, #tpu.memory_space<vmem>>) target(%dma_start3A_113 : memref<128x64xbf16, #tpu.memory_space<vmem_shared>>) target_semaphore(%run_scoped3A : memref<!tpu.dma_semaphore, #tpu.memory_space<semaphore_mem>>)
      %dma_wait3A_114 = arith.constant 0 : i32
      %dma_wait3A_115 = tpu.memref_slice %arg12[%add3A_11, %dma_wait3A_114] : memref<10240x64xbf16, #tpu.memory_space<vmem_shared>> -> memref<128x64xbf16, #tpu.memory_space<vmem_shared>>
      %dma_wait3A_116 = arith.constant 0 : i32
      %dma_wait3A_117 = tpu.memref_slice %arg12[%add3A_11, %dma_wait3A_116] : memref<10240x64xbf16, #tpu.memory_space<vmem_shared>> -> memref<128x64xbf16, #tpu.memory_space<vmem_shared>>
      tpu.wait_dma2 semaphore(%run_scoped3A : memref<!tpu.dma_semaphore, #tpu.memory_space<semaphore_mem>>) src(%arg8 : memref<128x64xbf16, #tpu.memory_space<vmem>>) dst(%dma_wait3A_117 : memref<128x64xbf16, #tpu.memory_space<vmem_shared>>)
      tpu.yield
    }) : () -> ()
    %mul3A_12 = arith.constant 640 : i32
    %mul3A_13 = arith.muli %arg1, %mul3A_12 : i32
    %add3A_14 = arith.constant 256 : i32
    %add3A_15 = arith.addi %mul3A_13, %add3A_14 : i32
    "tpu.region"() ({
      %run_scoped3A = tpu.sem_alloc : memref<!tpu.dma_semaphore, #tpu.memory_space<semaphore_mem>>
      %dma_start3A_110 = arith.constant 0 : i32
      %dma_start3A_111 = tpu.memref_slice %arg12[%add3A_15, %dma_start3A_110] : memref<10240x64xbf16, #tpu.memory_space<vmem_shared>> -> memref<128x64xbf16, #tpu.memory_space<vmem_shared>>
      %dma_start3A_112 = arith.constant 0 : i32
      %dma_start3A_113 = tpu.memref_slice %arg12[%add3A_15, %dma_start3A_112] : memref<10240x64xbf16, #tpu.memory_space<vmem_shared>> -> memref<128x64xbf16, #tpu.memory_space<vmem_shared>>
      tpu.enqueue_dma source(%arg8 : memref<128x64xbf16, #tpu.memory_space<vmem>>) target(%dma_start3A_113 : memref<128x64xbf16, #tpu.memory_space<vmem_shared>>) target_semaphore(%run_scoped3A : memref<!tpu.dma_semaphore, #tpu.memory_space<semaphore_mem>>)
      %dma_wait3A_114 = arith.constant 0 : i32
      %dma_wait3A_115 = tpu.memref_slice %arg12[%add3A_15, %dma_wait3A_114] : memref<10240x64xbf16, #tpu.memory_space<vmem_shared>> -> memref<128x64xbf16, #tpu.memory_space<vmem_shared>>
      %dma_wait3A_116 = arith.constant 0 : i32
      %dma_wait3A_117 = tpu.memref_slice %arg12[%add3A_15, %dma_wait3A_116] : memref<10240x64xbf16, #tpu.memory_space<vmem_shared>> -> memref<128x64xbf16, #tpu.memory_space<vmem_shared>>
      tpu.wait_dma2 semaphore(%run_scoped3A : memref<!tpu.dma_semaphore, #tpu.memory_space<semaphore_mem>>) src(%arg8 : memref<128x64xbf16, #tpu.memory_space<vmem>>) dst(%dma_wait3A_117 : memref<128x64xbf16, #tpu.memory_space<vmem_shared>>)
      tpu.yield
    }) : () -> ()
    %mul3A_16 = arith.constant 640 : i32
    %mul3A_17 = arith.muli %arg1, %mul3A_16 : i32
    %add3A_18 = arith.constant 384 : i32
    %add3A_19 = arith.addi %mul3A_17, %add3A_18 : i32
    "tpu.region"() ({
      %run_scoped3A = tpu.sem_alloc : memref<!tpu.dma_semaphore, #tpu.memory_space<semaphore_mem>>
      %dma_start3A_110 = arith.constant 0 : i32
      %dma_start3A_111 = tpu.memref_slice %arg12[%add3A_19, %dma_start3A_110] : memref<10240x64xbf16, #tpu.memory_space<vmem_shared>> -> memref<128x64xbf16, #tpu.memory_space<vmem_shared>>
      %dma_start3A_112 = arith.constant 0 : i32
      %dma_start3A_113 = tpu.memref_slice %arg12[%add3A_19, %dma_start3A_112] : memref<10240x64xbf16, #tpu.memory_space<vmem_shared>> -> memref<128x64xbf16, #tpu.memory_space<vmem_shared>>
      tpu.enqueue_dma source(%arg8 : memref<128x64xbf16, #tpu.memory_space<vmem>>) target(%dma_start3A_113 : memref<128x64xbf16, #tpu.memory_space<vmem_shared>>) target_semaphore(%run_scoped3A : memref<!tpu.dma_semaphore, #tpu.memory_space<semaphore_mem>>)
      %dma_wait3A_114 = arith.constant 0 : i32
      %dma_wait3A_115 = tpu.memref_slice %arg12[%add3A_19, %dma_wait3A_114] : memref<10240x64xbf16, #tpu.memory_space<vmem_shared>> -> memref<128x64xbf16, #tpu.memory_space<vmem_shared>>
      %dma_wait3A_116 = arith.constant 0 : i32
      %dma_wait3A_117 = tpu.memref_slice %arg12[%add3A_19, %dma_wait3A_116] : memref<10240x64xbf16, #tpu.memory_space<vmem_shared>> -> memref<128x64xbf16, #tpu.memory_space<vmem_shared>>
      tpu.wait_dma2 semaphore(%run_scoped3A : memref<!tpu.dma_semaphore, #tpu.memory_space<semaphore_mem>>) src(%arg8 : memref<128x64xbf16, #tpu.memory_space<vmem>>) dst(%dma_wait3A_117 : memref<128x64xbf16, #tpu.memory_space<vmem_shared>>)
      tpu.yield
    }) : () -> ()
    %mul3A_20 = arith.constant 640 : i32
    %mul3A_21 = arith.muli %arg1, %mul3A_20 : i32
    %add3A_22 = arith.constant 512 : i32
    %add3A_23 = arith.addi %mul3A_21, %add3A_22 : i32
    "tpu.region"() ({
      %run_scoped3A = tpu.sem_alloc : memref<!tpu.dma_semaphore, #tpu.memory_space<semaphore_mem>>
      %dma_start3A_110 = arith.constant 0 : i32
      %dma_start3A_111 = tpu.memref_slice %arg12[%add3A_23, %dma_start3A_110] : memref<10240x64xbf16, #tpu.memory_space<vmem_shared>> -> memref<128x64xbf16, #tpu.memory_space<vmem_shared>>
      %dma_start3A_112 = arith.constant 0 : i32
      %dma_start3A_113 = tpu.memref_slice %arg12[%add3A_23, %dma_start3A_112] : memref<10240x64xbf16, #tpu.memory_space<vmem_shared>> -> memref<128x64xbf16, #tpu.memory_space<vmem_shared>>
      tpu.enqueue_dma source(%arg8 : memref<128x64xbf16, #tpu.memory_space<vmem>>) target(%dma_start3A_113 : memref<128x64xbf16, #tpu.memory_space<vmem_shared>>) target_semaphore(%run_scoped3A : memref<!tpu.dma_semaphore, #tpu.memory_space<semaphore_mem>>)
      %dma_wait3A_114 = arith.constant 0 : i32
      %dma_wait3A_115 = tpu.memref_slice %arg12[%add3A_23, %dma_wait3A_114] : memref<10240x64xbf16, #tpu.memory_space<vmem_shared>> -> memref<128x64xbf16, #tpu.memory_space<vmem_shared>>
      %dma_wait3A_116 = arith.constant 0 : i32
      %dma_wait3A_117 = tpu.memref_slice %arg12[%add3A_23, %dma_wait3A_116] : memref<10240x64xbf16, #tpu.memory_space<vmem_shared>> -> memref<128x64xbf16, #tpu.memory_space<vmem_shared>>
      tpu.wait_dma2 semaphore(%run_scoped3A : memref<!tpu.dma_semaphore, #tpu.memory_space<semaphore_mem>>) src(%arg8 : memref<128x64xbf16, #tpu.memory_space<vmem>>) dst(%dma_wait3A_117 : memref<128x64xbf16, #tpu.memory_space<vmem_shared>>)
      tpu.yield
    }) : () -> ()
    %mul3A_24 = arith.constant 625 : i32
    %mul3A_25 = arith.muli %arg1, %mul3A_24 : i32
    %mul3A_26 = arith.constant 625 : i32
    %mul3A_27 = arith.muli %arg1, %mul3A_26 : i32
    "tpu.region"() ({
      %run_scoped3A = tpu.sem_alloc : memref<!tpu.dma_semaphore, #tpu.memory_space<semaphore_mem>>
      %dma_start3A_110 = arith.constant 0 : i32
      %dma_start3A_111 = tpu.memref_slice %arg21[%mul3A_27, %dma_start3A_110] : memref<10000x64xbf16, #tpu.memory_space<vmem_shared>> -> memref<625x64xbf16, #tpu.memory_space<vmem_shared>>
      %dma_start3A_112 = arith.constant 0 : i32
      %dma_start3A_113 = tpu.memref_slice %arg2[%arg0, %mul3A_25, %dma_start3A_112] : memref<2x10000x64xbf16, #tpu.memory_space<hbm>> -> memref<1x625x64xbf16, #tpu.memory_space<hbm>>
      %dma_start3A_114 = tpu.memref_squeeze %dma_start3A_113 : memref<1x625x64xbf16, #tpu.memory_space<hbm>> -> memref<625x64xbf16, #tpu.memory_space<hbm>>
      tpu.enqueue_dma source(%dma_start3A_114 : memref<625x64xbf16, #tpu.memory_space<hbm>>) target(%dma_start3A_111 : memref<625x64xbf16, #tpu.memory_space<vmem_shared>>) target_semaphore(%run_scoped3A : memref<!tpu.dma_semaphore, #tpu.memory_space<semaphore_mem>>)
      %dma_wait3A_115 = arith.constant 0 : i32
      %dma_wait3A_116 = tpu.memref_slice %arg21[%mul3A_27, %dma_wait3A_115] : memref<10000x64xbf16, #tpu.memory_space<vmem_shared>> -> memref<625x64xbf16, #tpu.memory_space<vmem_shared>>
      %dma_wait3A_117 = arith.constant 0 : i32
      %dma_wait3A_118 = tpu.memref_slice %arg2[%arg0, %mul3A_25, %dma_wait3A_117] : memref<2x10000x64xbf16, #tpu.memory_space<hbm>> -> memref<1x625x64xbf16, #tpu.memory_space<hbm>>
      %dma_wait3A_119 = tpu.memref_squeeze %dma_wait3A_118 : memref<1x625x64xbf16, #tpu.memory_space<hbm>> -> memref<625x64xbf16, #tpu.memory_space<hbm>>
      tpu.wait_dma2 semaphore(%run_scoped3A : memref<!tpu.dma_semaphore, #tpu.memory_space<semaphore_mem>>) src(%dma_wait3A_119 : memref<625x64xbf16, #tpu.memory_space<hbm>>) dst(%dma_wait3A_116 : memref<625x64xbf16, #tpu.memory_space<vmem_shared>>)
      tpu.yield
    }) : () -> ()
    %barrier3A = arith.constant 0 : index
    tpu.barrier barrier_id(%barrier3A)
    "tpu.region"() ({
      %run_scoped3A = tpu.sem_alloc : memref<!tpu.dma_semaphore, #tpu.memory_space<semaphore_mem>>
      %dma_start3A_110 = arith.constant 0 : i32
      %dma_start3A_111 = arith.constant 0 : i32
      %dma_start3A_112 = tpu.memref_slice %arg3[%arg1, %dma_start3A_110, %dma_start3A_111] : memref<16x160x128xi32, #tpu.memory_space<hbm>> -> memref<1x160x128xi32, #tpu.memory_space<hbm>>
      %dma_start3A_113 = tpu.memref_squeeze %dma_start3A_112 : memref<1x160x128xi32, #tpu.memory_space<hbm>> -> memref<160x128xi32, #tpu.memory_space<hbm>>
      %dma_start3A_114 = arith.constant 0 : i32
      %dma_start3A_115 = arith.constant 0 : i32
      %dma_start3A_116 = tpu.memref_slice %arg3[%arg1, %dma_start3A_114, %dma_start3A_115] : memref<16x160x128xi32, #tpu.memory_space<hbm>> -> memref<1x160x128xi32, #tpu.memory_space<hbm>>
      %dma_start3A_117 = tpu.memref_squeeze %dma_start3A_116 : memref<1x160x128xi32, #tpu.memory_space<hbm>> -> memref<160x128xi32, #tpu.memory_space<hbm>>
      tpu.enqueue_dma source(%dma_start3A_117 : memref<160x128xi32, #tpu.memory_space<hbm>>) target(%arg6 : memref<160x128xi32, #tpu.memory_space<vmem>>) target_semaphore(%run_scoped3A : memref<!tpu.dma_semaphore, #tpu.memory_space<semaphore_mem>>)
      %dma_wait3A_118 = arith.constant 0 : i32
      %dma_wait3A_119 = arith.constant 0 : i32
      %dma_wait3A_120 = tpu.memref_slice %arg3[%arg1, %dma_wait3A_118, %dma_wait3A_119] : memref<16x160x128xi32, #tpu.memory_space<hbm>> -> memref<1x160x128xi32, #tpu.memory_space<hbm>>
      %dma_wait3A_121 = tpu.memref_squeeze %dma_wait3A_120 : memref<1x160x128xi32, #tpu.memory_space<hbm>> -> memref<160x128xi32, #tpu.memory_space<hbm>>
      %dma_wait3A_122 = arith.constant 0 : i32
      %dma_wait3A_123 = arith.constant 0 : i32
      %dma_wait3A_124 = tpu.memref_slice %arg3[%arg1, %dma_wait3A_122, %dma_wait3A_123] : memref<16x160x128xi32, #tpu.memory_space<hbm>> -> memref<1x160x128xi32, #tpu.memory_space<hbm>>
      %dma_wait3A_125 = tpu.memref_squeeze %dma_wait3A_124 : memref<1x160x128xi32, #tpu.memory_space<hbm>> -> memref<160x128xi32, #tpu.memory_space<hbm>>
      tpu.wait_dma2 semaphore(%run_scoped3A : memref<!tpu.dma_semaphore, #tpu.memory_space<semaphore_mem>>) src(%dma_wait3A_125 : memref<160x128xi32, #tpu.memory_space<hbm>>) dst(%arg6 : memref<160x128xi32, #tpu.memory_space<vmem>>)
      tpu.yield
    }) : () -> ()
    "tpu.region"() ({
      %run_scoped3A = tpu.sem_alloc : memref<!tpu.dma_semaphore, #tpu.memory_space<semaphore_mem>>
      %dma_start3A_110 = arith.constant 0 : i32
      %dma_start3A_111 = arith.constant 0 : i32
      %dma_start3A_112 = tpu.memref_slice %arg4[%arg1, %dma_start3A_110, %dma_start3A_111] : memref<16x160x128xi32, #tpu.memory_space<hbm>> -> memref<1x160x128xi32, #tpu.memory_space<hbm>>
      %dma_start3A_113 = tpu.memref_squeeze %dma_start3A_112 : memref<1x160x128xi32, #tpu.memory_space<hbm>> -> memref<160x128xi32, #tpu.memory_space<hbm>>
      %dma_start3A_114 = arith.constant 0 : i32
      %dma_start3A_115 = arith.constant 0 : i32
      %dma_start3A_116 = tpu.memref_slice %arg4[%arg1, %dma_start3A_114, %dma_start3A_115] : memref<16x160x128xi32, #tpu.memory_space<hbm>> -> memref<1x160x128xi32, #tpu.memory_space<hbm>>
      %dma_start3A_117 = tpu.memref_squeeze %dma_start3A_116 : memref<1x160x128xi32, #tpu.memory_space<hbm>> -> memref<160x128xi32, #tpu.memory_space<hbm>>
      tpu.enqueue_dma source(%dma_start3A_117 : memref<160x128xi32, #tpu.memory_space<hbm>>) target(%arg7 : memref<160x128xi32, #tpu.memory_space<vmem>>) target_semaphore(%run_scoped3A : memref<!tpu.dma_semaphore, #tpu.memory_space<semaphore_mem>>)
      %dma_wait3A_118 = arith.constant 0 : i32
      %dma_wait3A_119 = arith.constant 0 : i32
      %dma_wait3A_120 = tpu.memref_slice %arg4[%arg1, %dma_wait3A_118, %dma_wait3A_119] : memref<16x160x128xi32, #tpu.memory_space<hbm>> -> memref<1x160x128xi32, #tpu.memory_space<hbm>>
      %dma_wait3A_121 = tpu.memref_squeeze %dma_wait3A_120 : memref<1x160x128xi32, #tpu.memory_space<hbm>> -> memref<160x128xi32, #tpu.memory_space<hbm>>
      %dma_wait3A_122 = arith.constant 0 : i32
      %dma_wait3A_123 = arith.constant 0 : i32
      %dma_wait3A_124 = tpu.memref_slice %arg4[%arg1, %dma_wait3A_122, %dma_wait3A_123] : memref<16x160x128xi32, #tpu.memory_space<hbm>> -> memref<1x160x128xi32, #tpu.memory_space<hbm>>
      %dma_wait3A_125 = tpu.memref_squeeze %dma_wait3A_124 : memref<1x160x128xi32, #tpu.memory_space<hbm>> -> memref<160x128xi32, #tpu.memory_space<hbm>>
      tpu.wait_dma2 semaphore(%run_scoped3A : memref<!tpu.dma_semaphore, #tpu.memory_space<semaphore_mem>>) src(%dma_wait3A_125 : memref<160x128xi32, #tpu.memory_space<hbm>>) dst(%arg7 : memref<160x128xi32, #tpu.memory_space<vmem>>)
      tpu.yield
    }) : () -> ()
    %dma_start3A = arith.constant 0 : i32
    %dma_start3A_28 = arith.constant 0 : i32
    %dma_start3A_29 = tpu.memref_slice %arg6[%dma_start3A, %dma_start3A_28] : memref<160x128xi32, #tpu.memory_space<vmem>> -> memref<1x128xi32, #tpu.memory_space<vmem>>
    %dma_start3A_30 = tpu.memref_squeeze %dma_start3A_29 : memref<1x128xi32, #tpu.memory_space<vmem>> -> memref<128xi32, #tpu.memory_space<vmem>>
    %dma_start3A_31 = arith.constant 0 : i32
    %dma_start3A_32 = arith.constant 0 : i32
    %dma_start3A_33 = tpu.memref_slice %arg21[%dma_start3A_31, %dma_start3A_32] : memref<10000x64xbf16, #tpu.memory_space<vmem_shared>> -> memref<10000x64xbf16, #tpu.memory_space<vmem_shared>>
    tpu.enqueue_indirect_dma source(%dma_start3A_33 : memref<10000x64xbf16, #tpu.memory_space<vmem_shared>>) target(%arg8 : memref<128x64xbf16, #tpu.memory_space<vmem>>) offsets(%dma_start3A_30 : memref<128xi32, #tpu.memory_space<vmem>>) semaphore(%arg13 : memref<!tpu.dma_semaphore, #tpu.memory_space<semaphore_mem>>)
    %dma_start3A_34 = arith.constant 1 : i32
    %dma_start3A_35 = arith.constant 0 : i32
    %dma_start3A_36 = tpu.memref_slice %arg6[%dma_start3A_34, %dma_start3A_35] : memref<160x128xi32, #tpu.memory_space<vmem>> -> memref<1x128xi32, #tpu.memory_space<vmem>>
    %dma_start3A_37 = tpu.memref_squeeze %dma_start3A_36 : memref<1x128xi32, #tpu.memory_space<vmem>> -> memref<128xi32, #tpu.memory_space<vmem>>
    %dma_start3A_38 = arith.constant 0 : i32
    %dma_start3A_39 = arith.constant 0 : i32
    %dma_start3A_40 = tpu.memref_slice %arg21[%dma_start3A_38, %dma_start3A_39] : memref<10000x64xbf16, #tpu.memory_space<vmem_shared>> -> memref<10000x64xbf16, #tpu.memory_space<vmem_shared>>
    tpu.enqueue_indirect_dma source(%dma_start3A_40 : memref<10000x64xbf16, #tpu.memory_space<vmem_shared>>) target(%arg9 : memref<128x64xbf16, #tpu.memory_space<vmem>>) offsets(%dma_start3A_37 : memref<128xi32, #tpu.memory_space<vmem>>) semaphore(%arg14 : memref<!tpu.dma_semaphore, #tpu.memory_space<semaphore_mem>>)
    %dma_start3A_41 = arith.constant 2 : i32
    %dma_start3A_42 = arith.constant 0 : i32
    %dma_start3A_43 = tpu.memref_slice %arg6[%dma_start3A_41, %dma_start3A_42] : memref<160x128xi32, #tpu.memory_space<vmem>> -> memref<1x128xi32, #tpu.memory_space<vmem>>
    %dma_start3A_44 = tpu.memref_squeeze %dma_start3A_43 : memref<1x128xi32, #tpu.memory_space<vmem>> -> memref<128xi32, #tpu.memory_space<vmem>>
    %dma_start3A_45 = arith.constant 0 : i32
    %dma_start3A_46 = arith.constant 0 : i32
    %dma_start3A_47 = tpu.memref_slice %arg21[%dma_start3A_45, %dma_start3A_46] : memref<10000x64xbf16, #tpu.memory_space<vmem_shared>> -> memref<10000x64xbf16, #tpu.memory_space<vmem_shared>>
    tpu.enqueue_indirect_dma source(%dma_start3A_47 : memref<10000x64xbf16, #tpu.memory_space<vmem_shared>>) target(%arg10 : memref<128x64xbf16, #tpu.memory_space<vmem>>) offsets(%dma_start3A_44 : memref<128xi32, #tpu.memory_space<vmem>>) semaphore(%arg15 : memref<!tpu.dma_semaphore, #tpu.memory_space<semaphore_mem>>)
    %dma_start3A_48 = arith.constant 3 : i32
    %dma_start3A_49 = arith.constant 0 : i32
    %dma_start3A_50 = tpu.memref_slice %arg6[%dma_start3A_48, %dma_start3A_49] : memref<160x128xi32, #tpu.memory_space<vmem>> -> memref<1x128xi32, #tpu.memory_space<vmem>>
    %dma_start3A_51 = tpu.memref_squeeze %dma_start3A_50 : memref<1x128xi32, #tpu.memory_space<vmem>> -> memref<128xi32, #tpu.memory_space<vmem>>
    %dma_start3A_52 = arith.constant 0 : i32
    %dma_start3A_53 = arith.constant 0 : i32
    %dma_start3A_54 = tpu.memref_slice %arg21[%dma_start3A_52, %dma_start3A_53] : memref<10000x64xbf16, #tpu.memory_space<vmem_shared>> -> memref<10000x64xbf16, #tpu.memory_space<vmem_shared>>
    tpu.enqueue_indirect_dma source(%dma_start3A_54 : memref<10000x64xbf16, #tpu.memory_space<vmem_shared>>) target(%arg11 : memref<128x64xbf16, #tpu.memory_space<vmem>>) offsets(%dma_start3A_51 : memref<128xi32, #tpu.memory_space<vmem>>) semaphore(%arg16 : memref<!tpu.dma_semaphore, #tpu.memory_space<semaphore_mem>>)
    %scan3A_55 = arith.constant 0 : i32
    %scan3A_56 = arith.constant 0 : i32
    %scan3A_57 = arith.constant 40 : i32
    %scan3A_58 = arith.addi %scan3A_56, %scan3A_57 : i32
    %scan3A_59 = arith.constant 1 : i32
    %scan3A_60 = scf.for %scan3A_110 = %scan3A_56 to %scan3A_58 step %scan3A_59 iter_args(%scan3A_111 = %scan3A_55) -> (i32)  : i32 {
      %mul3A_112 = arith.constant 4 : i32
      %mul3A_113 = arith.muli %mul3A_112, %scan3A_110 : i32
      %add3A_114 = arith.constant 0 : i32
      %add3A_115 = arith.addi %mul3A_113, %add3A_114 : i32
      %dma_wait3A_116 = arith.constant 0 : i32
      %dma_wait3A_117 = arith.constant 0 : i32
      %dma_wait3A_118 = tpu.memref_slice %arg6[%dma_wait3A_116, %dma_wait3A_117] : memref<160x128xi32, #tpu.memory_space<vmem>> -> memref<1x128xi32, #tpu.memory_space<vmem>>
      %dma_wait3A_119 = tpu.memref_squeeze %dma_wait3A_118 : memref<1x128xi32, #tpu.memory_space<vmem>> -> memref<128xi32, #tpu.memory_space<vmem>>
      %dma_wait3A_120 = arith.constant 0 : i32
      %dma_wait3A_121 = arith.constant 0 : i32
      %dma_wait3A_122 = tpu.memref_slice %arg21[%dma_wait3A_120, %dma_wait3A_121] : memref<10000x64xbf16, #tpu.memory_space<vmem_shared>> -> memref<10000x64xbf16, #tpu.memory_space<vmem_shared>>
      tpu.wait_indirect_dma semaphore(%arg13 : memref<!tpu.dma_semaphore, #tpu.memory_space<semaphore_mem>>) src(%dma_wait3A_122 : memref<10000x64xbf16, #tpu.memory_space<vmem_shared>>) dst(%arg8 : memref<128x64xbf16, #tpu.memory_space<vmem>>)
      %dma_start3A_123 = arith.constant 0 : i32
      %dma_start3A_124 = tpu.memref_slice %arg7[%add3A_115, %dma_start3A_123] : memref<160x128xi32, #tpu.memory_space<vmem>> -> memref<1x128xi32, #tpu.memory_space<vmem>>
      %dma_start3A_125 = tpu.memref_squeeze %dma_start3A_124 : memref<1x128xi32, #tpu.memory_space<vmem>> -> memref<128xi32, #tpu.memory_space<vmem>>
      %dma_start3A_126 = arith.constant 0 : i32
      %dma_start3A_127 = arith.constant 0 : i32
      %dma_start3A_128 = tpu.memref_slice %arg12[%dma_start3A_126, %dma_start3A_127] : memref<10240x64xbf16, #tpu.memory_space<vmem_shared>> -> memref<10240x64xbf16, #tpu.memory_space<vmem_shared>>
      tpu.enqueue_indirect_dma source(%arg8 : memref<128x64xbf16, #tpu.memory_space<vmem>>) target(%dma_start3A_128 : memref<10240x64xbf16, #tpu.memory_space<vmem_shared>>) offsets(%dma_start3A_125 : memref<128xi32, #tpu.memory_space<vmem>>) semaphore(%arg17 : memref<!tpu.dma_semaphore, #tpu.memory_space<semaphore_mem>>) {add = true}
      %add3A_129 = arith.constant 4 : i32
      %add3A_130 = arith.addi %add3A_115, %add3A_129 : i32
      %lt3A = arith.constant 160 : i32
      %lt3A_131 = arith.cmpi slt, %add3A_130, %lt3A : i32
      %add3A_132 = arith.constant 4 : i32
      %add3A_133 = arith.addi %add3A_115, %add3A_132 : i32
      %jit3A = arith.constant 0 : i32
      %select_n3A = arith.select %lt3A_131, %add3A_133, %jit3A : i32
      %dma_wait3A_134 = arith.constant 0 : i32
      %dma_wait3A_135 = arith.constant 0 : i32
      %dma_wait3A_136 = tpu.memref_slice %arg7[%dma_wait3A_134, %dma_wait3A_135] : memref<160x128xi32, #tpu.memory_space<vmem>> -> memref<1x128xi32, #tpu.memory_space<vmem>>
      %dma_wait3A_137 = tpu.memref_squeeze %dma_wait3A_136 : memref<1x128xi32, #tpu.memory_space<vmem>> -> memref<128xi32, #tpu.memory_space<vmem>>
      %dma_wait3A_138 = arith.constant 0 : i32
      %dma_wait3A_139 = arith.constant 0 : i32
      %dma_wait3A_140 = tpu.memref_slice %arg12[%dma_wait3A_138, %dma_wait3A_139] : memref<10240x64xbf16, #tpu.memory_space<vmem_shared>> -> memref<10240x64xbf16, #tpu.memory_space<vmem_shared>>
      tpu.wait_indirect_dma semaphore(%arg17 : memref<!tpu.dma_semaphore, #tpu.memory_space<semaphore_mem>>) src(%arg8 : memref<128x64xbf16, #tpu.memory_space<vmem>>) dst(%dma_wait3A_140 : memref<10240x64xbf16, #tpu.memory_space<vmem_shared>>)
      %dma_start3A_141 = arith.constant 0 : i32
      %dma_start3A_142 = tpu.memref_slice %arg6[%select_n3A, %dma_start3A_141] : memref<160x128xi32, #tpu.memory_space<vmem>> -> memref<1x128xi32, #tpu.memory_space<vmem>>
      %dma_start3A_143 = tpu.memref_squeeze %dma_start3A_142 : memref<1x128xi32, #tpu.memory_space<vmem>> -> memref<128xi32, #tpu.memory_space<vmem>>
      %dma_start3A_144 = arith.constant 0 : i32
      %dma_start3A_145 = arith.constant 0 : i32
      %dma_start3A_146 = tpu.memref_slice %arg21[%dma_start3A_144, %dma_start3A_145] : memref<10000x64xbf16, #tpu.memory_space<vmem_shared>> -> memref<10000x64xbf16, #tpu.memory_space<vmem_shared>>
      tpu.enqueue_indirect_dma source(%dma_start3A_146 : memref<10000x64xbf16, #tpu.memory_space<vmem_shared>>) target(%arg8 : memref<128x64xbf16, #tpu.memory_space<vmem>>) offsets(%dma_start3A_143 : memref<128xi32, #tpu.memory_space<vmem>>) semaphore(%arg13 : memref<!tpu.dma_semaphore, #tpu.memory_space<semaphore_mem>>)
      %mul3A_147 = arith.constant 4 : i32
      %mul3A_148 = arith.muli %mul3A_147, %scan3A_110 : i32
      %add3A_149 = arith.constant 1 : i32
      %add3A_150 = arith.addi %mul3A_148, %add3A_149 : i32
      %dma_wait3A_151 = arith.constant 0 : i32
      %dma_wait3A_152 = arith.constant 0 : i32
      %dma_wait3A_153 = tpu.memref_slice %arg6[%dma_wait3A_151, %dma_wait3A_152] : memref<160x128xi32, #tpu.memory_space<vmem>> -> memref<1x128xi32, #tpu.memory_space<vmem>>
      %dma_wait3A_154 = tpu.memref_squeeze %dma_wait3A_153 : memref<1x128xi32, #tpu.memory_space<vmem>> -> memref<128xi32, #tpu.memory_space<vmem>>
      %dma_wait3A_155 = arith.constant 0 : i32
      %dma_wait3A_156 = arith.constant 0 : i32
      %dma_wait3A_157 = tpu.memref_slice %arg21[%dma_wait3A_155, %dma_wait3A_156] : memref<10000x64xbf16, #tpu.memory_space<vmem_shared>> -> memref<10000x64xbf16, #tpu.memory_space<vmem_shared>>
      tpu.wait_indirect_dma semaphore(%arg14 : memref<!tpu.dma_semaphore, #tpu.memory_space<semaphore_mem>>) src(%dma_wait3A_157 : memref<10000x64xbf16, #tpu.memory_space<vmem_shared>>) dst(%arg9 : memref<128x64xbf16, #tpu.memory_space<vmem>>)
      %dma_start3A_158 = arith.constant 0 : i32
      %dma_start3A_159 = tpu.memref_slice %arg7[%add3A_150, %dma_start3A_158] : memref<160x128xi32, #tpu.memory_space<vmem>> -> memref<1x128xi32, #tpu.memory_space<vmem>>
      %dma_start3A_160 = tpu.memref_squeeze %dma_start3A_159 : memref<1x128xi32, #tpu.memory_space<vmem>> -> memref<128xi32, #tpu.memory_space<vmem>>
      %dma_start3A_161 = arith.constant 0 : i32
      %dma_start3A_162 = arith.constant 0 : i32
      %dma_start3A_163 = tpu.memref_slice %arg12[%dma_start3A_161, %dma_start3A_162] : memref<10240x64xbf16, #tpu.memory_space<vmem_shared>> -> memref<10240x64xbf16, #tpu.memory_space<vmem_shared>>
      tpu.enqueue_indirect_dma source(%arg9 : memref<128x64xbf16, #tpu.memory_space<vmem>>) target(%dma_start3A_163 : memref<10240x64xbf16, #tpu.memory_space<vmem_shared>>) offsets(%dma_start3A_160 : memref<128xi32, #tpu.memory_space<vmem>>) semaphore(%arg18 : memref<!tpu.dma_semaphore, #tpu.memory_space<semaphore_mem>>) {add = true}
      %add3A_164 = arith.constant 4 : i32
      %add3A_165 = arith.addi %add3A_150, %add3A_164 : i32
      %lt3A_166 = arith.constant 160 : i32
      %lt3A_167 = arith.cmpi slt, %add3A_165, %lt3A_166 : i32
      %add3A_168 = arith.constant 4 : i32
      %add3A_169 = arith.addi %add3A_150, %add3A_168 : i32
      %jit3A_170 = arith.constant 0 : i32
      %select_n3A_171 = arith.select %lt3A_167, %add3A_169, %jit3A_170 : i32
      %dma_wait3A_172 = arith.constant 0 : i32
      %dma_wait3A_173 = arith.constant 0 : i32
      %dma_wait3A_174 = tpu.memref_slice %arg7[%dma_wait3A_172, %dma_wait3A_173] : memref<160x128xi32, #tpu.memory_space<vmem>> -> memref<1x128xi32, #tpu.memory_space<vmem>>
      %dma_wait3A_175 = tpu.memref_squeeze %dma_wait3A_174 : memref<1x128xi32, #tpu.memory_space<vmem>> -> memref<128xi32, #tpu.memory_space<vmem>>
      %dma_wait3A_176 = arith.constant 0 : i32
      %dma_wait3A_177 = arith.constant 0 : i32
      %dma_wait3A_178 = tpu.memref_slice %arg12[%dma_wait3A_176, %dma_wait3A_177] : memref<10240x64xbf16, #tpu.memory_space<vmem_shared>> -> memref<10240x64xbf16, #tpu.memory_space<vmem_shared>>
      tpu.wait_indirect_dma semaphore(%arg18 : memref<!tpu.dma_semaphore, #tpu.memory_space<semaphore_mem>>) src(%arg9 : memref<128x64xbf16, #tpu.memory_space<vmem>>) dst(%dma_wait3A_178 : memref<10240x64xbf16, #tpu.memory_space<vmem_shared>>)
      %dma_start3A_179 = arith.constant 0 : i32
      %dma_start3A_180 = tpu.memref_slice %arg6[%select_n3A_171, %dma_start3A_179] : memref<160x128xi32, #tpu.memory_space<vmem>> -> memref<1x128xi32, #tpu.memory_space<vmem>>
      %dma_start3A_181 = tpu.memref_squeeze %dma_start3A_180 : memref<1x128xi32, #tpu.memory_space<vmem>> -> memref<128xi32, #tpu.memory_space<vmem>>
      %dma_start3A_182 = arith.constant 0 : i32
      %dma_start3A_183 = arith.constant 0 : i32
      %dma_start3A_184 = tpu.memref_slice %arg21[%dma_start3A_182, %dma_start3A_183] : memref<10000x64xbf16, #tpu.memory_space<vmem_shared>> -> memref<10000x64xbf16, #tpu.memory_space<vmem_shared>>
      tpu.enqueue_indirect_dma source(%dma_start3A_184 : memref<10000x64xbf16, #tpu.memory_space<vmem_shared>>) target(%arg9 : memref<128x64xbf16, #tpu.memory_space<vmem>>) offsets(%dma_start3A_181 : memref<128xi32, #tpu.memory_space<vmem>>) semaphore(%arg14 : memref<!tpu.dma_semaphore, #tpu.memory_space<semaphore_mem>>)
      %mul3A_185 = arith.constant 4 : i32
      %mul3A_186 = arith.muli %mul3A_185, %scan3A_110 : i32
      %add3A_187 = arith.constant 2 : i32
      %add3A_188 = arith.addi %mul3A_186, %add3A_187 : i32
      %dma_wait3A_189 = arith.constant 0 : i32
      %dma_wait3A_190 = arith.constant 0 : i32
      %dma_wait3A_191 = tpu.memref_slice %arg6[%dma_wait3A_189, %dma_wait3A_190] : memref<160x128xi32, #tpu.memory_space<vmem>> -> memref<1x128xi32, #tpu.memory_space<vmem>>
      %dma_wait3A_192 = tpu.memref_squeeze %dma_wait3A_191 : memref<1x128xi32, #tpu.memory_space<vmem>> -> memref<128xi32, #tpu.memory_space<vmem>>
      %dma_wait3A_193 = arith.constant 0 : i32
      %dma_wait3A_194 = arith.constant 0 : i32
      %dma_wait3A_195 = tpu.memref_slice %arg21[%dma_wait3A_193, %dma_wait3A_194] : memref<10000x64xbf16, #tpu.memory_space<vmem_shared>> -> memref<10000x64xbf16, #tpu.memory_space<vmem_shared>>
      tpu.wait_indirect_dma semaphore(%arg15 : memref<!tpu.dma_semaphore, #tpu.memory_space<semaphore_mem>>) src(%dma_wait3A_195 : memref<10000x64xbf16, #tpu.memory_space<vmem_shared>>) dst(%arg10 : memref<128x64xbf16, #tpu.memory_space<vmem>>)
      %dma_start3A_196 = arith.constant 0 : i32
      %dma_start3A_197 = tpu.memref_slice %arg7[%add3A_188, %dma_start3A_196] : memref<160x128xi32, #tpu.memory_space<vmem>> -> memref<1x128xi32, #tpu.memory_space<vmem>>
      %dma_start3A_198 = tpu.memref_squeeze %dma_start3A_197 : memref<1x128xi32, #tpu.memory_space<vmem>> -> memref<128xi32, #tpu.memory_space<vmem>>
      %dma_start3A_199 = arith.constant 0 : i32
      %dma_start3A_200 = arith.constant 0 : i32
      %dma_start3A_201 = tpu.memref_slice %arg12[%dma_start3A_199, %dma_start3A_200] : memref<10240x64xbf16, #tpu.memory_space<vmem_shared>> -> memref<10240x64xbf16, #tpu.memory_space<vmem_shared>>
      tpu.enqueue_indirect_dma source(%arg10 : memref<128x64xbf16, #tpu.memory_space<vmem>>) target(%dma_start3A_201 : memref<10240x64xbf16, #tpu.memory_space<vmem_shared>>) offsets(%dma_start3A_198 : memref<128xi32, #tpu.memory_space<vmem>>) semaphore(%arg19 : memref<!tpu.dma_semaphore, #tpu.memory_space<semaphore_mem>>) {add = true}
      %add3A_202 = arith.constant 4 : i32
      %add3A_203 = arith.addi %add3A_188, %add3A_202 : i32
      %lt3A_204 = arith.constant 160 : i32
      %lt3A_205 = arith.cmpi slt, %add3A_203, %lt3A_204 : i32
      %add3A_206 = arith.constant 4 : i32
      %add3A_207 = arith.addi %add3A_188, %add3A_206 : i32
      %jit3A_208 = arith.constant 0 : i32
      %select_n3A_209 = arith.select %lt3A_205, %add3A_207, %jit3A_208 : i32
      %dma_wait3A_210 = arith.constant 0 : i32
      %dma_wait3A_211 = arith.constant 0 : i32
      %dma_wait3A_212 = tpu.memref_slice %arg7[%dma_wait3A_210, %dma_wait3A_211] : memref<160x128xi32, #tpu.memory_space<vmem>> -> memref<1x128xi32, #tpu.memory_space<vmem>>
      %dma_wait3A_213 = tpu.memref_squeeze %dma_wait3A_212 : memref<1x128xi32, #tpu.memory_space<vmem>> -> memref<128xi32, #tpu.memory_space<vmem>>
      %dma_wait3A_214 = arith.constant 0 : i32
      %dma_wait3A_215 = arith.constant 0 : i32
      %dma_wait3A_216 = tpu.memref_slice %arg12[%dma_wait3A_214, %dma_wait3A_215] : memref<10240x64xbf16, #tpu.memory_space<vmem_shared>> -> memref<10240x64xbf16, #tpu.memory_space<vmem_shared>>
      tpu.wait_indirect_dma semaphore(%arg19 : memref<!tpu.dma_semaphore, #tpu.memory_space<semaphore_mem>>) src(%arg10 : memref<128x64xbf16, #tpu.memory_space<vmem>>) dst(%dma_wait3A_216 : memref<10240x64xbf16, #tpu.memory_space<vmem_shared>>)
      %dma_start3A_217 = arith.constant 0 : i32
      %dma_start3A_218 = tpu.memref_slice %arg6[%select_n3A_209, %dma_start3A_217] : memref<160x128xi32, #tpu.memory_space<vmem>> -> memref<1x128xi32, #tpu.memory_space<vmem>>
      %dma_start3A_219 = tpu.memref_squeeze %dma_start3A_218 : memref<1x128xi32, #tpu.memory_space<vmem>> -> memref<128xi32, #tpu.memory_space<vmem>>
      %dma_start3A_220 = arith.constant 0 : i32
      %dma_start3A_221 = arith.constant 0 : i32
      %dma_start3A_222 = tpu.memref_slice %arg21[%dma_start3A_220, %dma_start3A_221] : memref<10000x64xbf16, #tpu.memory_space<vmem_shared>> -> memref<10000x64xbf16, #tpu.memory_space<vmem_shared>>
      tpu.enqueue_indirect_dma source(%dma_start3A_222 : memref<10000x64xbf16, #tpu.memory_space<vmem_shared>>) target(%arg10 : memref<128x64xbf16, #tpu.memory_space<vmem>>) offsets(%dma_start3A_219 : memref<128xi32, #tpu.memory_space<vmem>>) semaphore(%arg15 : memref<!tpu.dma_semaphore, #tpu.memory_space<semaphore_mem>>)
      %mul3A_223 = arith.constant 4 : i32
      %mul3A_224 = arith.muli %mul3A_223, %scan3A_110 : i32
      %add3A_225 = arith.constant 3 : i32
      %add3A_226 = arith.addi %mul3A_224, %add3A_225 : i32
      %dma_wait3A_227 = arith.constant 0 : i32
      %dma_wait3A_228 = arith.constant 0 : i32
      %dma_wait3A_229 = tpu.memref_slice %arg6[%dma_wait3A_227, %dma_wait3A_228] : memref<160x128xi32, #tpu.memory_space<vmem>> -> memref<1x128xi32, #tpu.memory_space<vmem>>
      %dma_wait3A_230 = tpu.memref_squeeze %dma_wait3A_229 : memref<1x128xi32, #tpu.memory_space<vmem>> -> memref<128xi32, #tpu.memory_space<vmem>>
      %dma_wait3A_231 = arith.constant 0 : i32
      %dma_wait3A_232 = arith.constant 0 : i32
      %dma_wait3A_233 = tpu.memref_slice %arg21[%dma_wait3A_231, %dma_wait3A_232] : memref<10000x64xbf16, #tpu.memory_space<vmem_shared>> -> memref<10000x64xbf16, #tpu.memory_space<vmem_shared>>
      tpu.wait_indirect_dma semaphore(%arg16 : memref<!tpu.dma_semaphore, #tpu.memory_space<semaphore_mem>>) src(%dma_wait3A_233 : memref<10000x64xbf16, #tpu.memory_space<vmem_shared>>) dst(%arg11 : memref<128x64xbf16, #tpu.memory_space<vmem>>)
      %dma_start3A_234 = arith.constant 0 : i32
      %dma_start3A_235 = tpu.memref_slice %arg7[%add3A_226, %dma_start3A_234] : memref<160x128xi32, #tpu.memory_space<vmem>> -> memref<1x128xi32, #tpu.memory_space<vmem>>
      %dma_start3A_236 = tpu.memref_squeeze %dma_start3A_235 : memref<1x128xi32, #tpu.memory_space<vmem>> -> memref<128xi32, #tpu.memory_space<vmem>>
      %dma_start3A_237 = arith.constant 0 : i32
      %dma_start3A_238 = arith.constant 0 : i32
      %dma_start3A_239 = tpu.memref_slice %arg12[%dma_start3A_237, %dma_start3A_238] : memref<10240x64xbf16, #tpu.memory_space<vmem_shared>> -> memref<10240x64xbf16, #tpu.memory_space<vmem_shared>>
      tpu.enqueue_indirect_dma source(%arg11 : memref<128x64xbf16, #tpu.memory_space<vmem>>) target(%dma_start3A_239 : memref<10240x64xbf16, #tpu.memory_space<vmem_shared>>) offsets(%dma_start3A_236 : memref<128xi32, #tpu.memory_space<vmem>>) semaphore(%arg20 : memref<!tpu.dma_semaphore, #tpu.memory_space<semaphore_mem>>) {add = true}
      %add3A_240 = arith.constant 4 : i32
      %add3A_241 = arith.addi %add3A_226, %add3A_240 : i32
      %lt3A_242 = arith.constant 160 : i32
      %lt3A_243 = arith.cmpi slt, %add3A_241, %lt3A_242 : i32
      %add3A_244 = arith.constant 4 : i32
      %add3A_245 = arith.addi %add3A_226, %add3A_244 : i32
      %jit3A_246 = arith.constant 0 : i32
      %select_n3A_247 = arith.select %lt3A_243, %add3A_245, %jit3A_246 : i32
      %dma_wait3A_248 = arith.constant 0 : i32
      %dma_wait3A_249 = arith.constant 0 : i32
      %dma_wait3A_250 = tpu.memref_slice %arg7[%dma_wait3A_248, %dma_wait3A_249] : memref<160x128xi32, #tpu.memory_space<vmem>> -> memref<1x128xi32, #tpu.memory_space<vmem>>
      %dma_wait3A_251 = tpu.memref_squeeze %dma_wait3A_250 : memref<1x128xi32, #tpu.memory_space<vmem>> -> memref<128xi32, #tpu.memory_space<vmem>>
      %dma_wait3A_252 = arith.constant 0 : i32
      %dma_wait3A_253 = arith.constant 0 : i32
      %dma_wait3A_254 = tpu.memref_slice %arg12[%dma_wait3A_252, %dma_wait3A_253] : memref<10240x64xbf16, #tpu.memory_space<vmem_shared>> -> memref<10240x64xbf16, #tpu.memory_space<vmem_shared>>
      tpu.wait_indirect_dma semaphore(%arg20 : memref<!tpu.dma_semaphore, #tpu.memory_space<semaphore_mem>>) src(%arg11 : memref<128x64xbf16, #tpu.memory_space<vmem>>) dst(%dma_wait3A_254 : memref<10240x64xbf16, #tpu.memory_space<vmem_shared>>)
      %dma_start3A_255 = arith.constant 0 : i32
      %dma_start3A_256 = tpu.memref_slice %arg6[%select_n3A_247, %dma_start3A_255] : memref<160x128xi32, #tpu.memory_space<vmem>> -> memref<1x128xi32, #tpu.memory_space<vmem>>
      %dma_start3A_257 = tpu.memref_squeeze %dma_start3A_256 : memref<1x128xi32, #tpu.memory_space<vmem>> -> memref<128xi32, #tpu.memory_space<vmem>>
      %dma_start3A_258 = arith.constant 0 : i32
      %dma_start3A_259 = arith.constant 0 : i32
      %dma_start3A_260 = tpu.memref_slice %arg21[%dma_start3A_258, %dma_start3A_259] : memref<10000x64xbf16, #tpu.memory_space<vmem_shared>> -> memref<10000x64xbf16, #tpu.memory_space<vmem_shared>>
      tpu.enqueue_indirect_dma source(%dma_start3A_260 : memref<10000x64xbf16, #tpu.memory_space<vmem_shared>>) target(%arg11 : memref<128x64xbf16, #tpu.memory_space<vmem>>) offsets(%dma_start3A_257 : memref<128xi32, #tpu.memory_space<vmem>>) semaphore(%arg16 : memref<!tpu.dma_semaphore, #tpu.memory_space<semaphore_mem>>)
      %scan3A_261 = arith.constant 0 : i32
      scf.yield %scan3A_261 : i32
    }
    %scan3A_61 = arith.constant 40 : i32
    %dma_wait3A = arith.constant 0 : i32
    %dma_wait3A_62 = arith.constant 0 : i32
    %dma_wait3A_63 = tpu.memref_slice %arg6[%dma_wait3A, %dma_wait3A_62] : memref<160x128xi32, #tpu.memory_space<vmem>> -> memref<1x128xi32, #tpu.memory_space<vmem>>
    %dma_wait3A_64 = tpu.memref_squeeze %dma_wait3A_63 : memref<1x128xi32, #tpu.memory_space<vmem>> -> memref<128xi32, #tpu.memory_space<vmem>>
    %dma_wait3A_65 = arith.constant 0 : i32
    %dma_wait3A_66 = arith.constant 0 : i32
    %dma_wait3A_67 = tpu.memref_slice %arg21[%dma_wait3A_65, %dma_wait3A_66] : memref<10000x64xbf16, #tpu.memory_space<vmem_shared>> -> memref<10000x64xbf16, #tpu.memory_space<vmem_shared>>
    tpu.wait_indirect_dma semaphore(%arg13 : memref<!tpu.dma_semaphore, #tpu.memory_space<semaphore_mem>>) src(%dma_wait3A_67 : memref<10000x64xbf16, #tpu.memory_space<vmem_shared>>) dst(%arg8 : memref<128x64xbf16, #tpu.memory_space<vmem>>)
    %dma_wait3A_68 = arith.constant 0 : i32
    %dma_wait3A_69 = arith.constant 0 : i32
    %dma_wait3A_70 = tpu.memref_slice %arg6[%dma_wait3A_68, %dma_wait3A_69] : memref<160x128xi32, #tpu.memory_space<vmem>> -> memref<1x128xi32, #tpu.memory_space<vmem>>
    %dma_wait3A_71 = tpu.memref_squeeze %dma_wait3A_70 : memref<1x128xi32, #tpu.memory_space<vmem>> -> memref<128xi32, #tpu.memory_space<vmem>>
    %dma_wait3A_72 = arith.constant 0 : i32
    %dma_wait3A_73 = arith.constant 0 : i32
    %dma_wait3A_74 = tpu.memref_slice %arg21[%dma_wait3A_72, %dma_wait3A_73] : memref<10000x64xbf16, #tpu.memory_space<vmem_shared>> -> memref<10000x64xbf16, #tpu.memory_space<vmem_shared>>
    tpu.wait_indirect_dma semaphore(%arg14 : memref<!tpu.dma_semaphore, #tpu.memory_space<semaphore_mem>>) src(%dma_wait3A_74 : memref<10000x64xbf16, #tpu.memory_space<vmem_shared>>) dst(%arg9 : memref<128x64xbf16, #tpu.memory_space<vmem>>)
    %dma_wait3A_75 = arith.constant 0 : i32
    %dma_wait3A_76 = arith.constant 0 : i32
    %dma_wait3A_77 = tpu.memref_slice %arg6[%dma_wait3A_75, %dma_wait3A_76] : memref<160x128xi32, #tpu.memory_space<vmem>> -> memref<1x128xi32, #tpu.memory_space<vmem>>
    %dma_wait3A_78 = tpu.memref_squeeze %dma_wait3A_77 : memref<1x128xi32, #tpu.memory_space<vmem>> -> memref<128xi32, #tpu.memory_space<vmem>>
    %dma_wait3A_79 = arith.constant 0 : i32
    %dma_wait3A_80 = arith.constant 0 : i32
    %dma_wait3A_81 = tpu.memref_slice %arg21[%dma_wait3A_79, %dma_wait3A_80] : memref<10000x64xbf16, #tpu.memory_space<vmem_shared>> -> memref<10000x64xbf16, #tpu.memory_space<vmem_shared>>
    tpu.wait_indirect_dma semaphore(%arg15 : memref<!tpu.dma_semaphore, #tpu.memory_space<semaphore_mem>>) src(%dma_wait3A_81 : memref<10000x64xbf16, #tpu.memory_space<vmem_shared>>) dst(%arg10 : memref<128x64xbf16, #tpu.memory_space<vmem>>)
    %dma_wait3A_82 = arith.constant 0 : i32
    %dma_wait3A_83 = arith.constant 0 : i32
    %dma_wait3A_84 = tpu.memref_slice %arg6[%dma_wait3A_82, %dma_wait3A_83] : memref<160x128xi32, #tpu.memory_space<vmem>> -> memref<1x128xi32, #tpu.memory_space<vmem>>
    %dma_wait3A_85 = tpu.memref_squeeze %dma_wait3A_84 : memref<1x128xi32, #tpu.memory_space<vmem>> -> memref<128xi32, #tpu.memory_space<vmem>>
    %dma_wait3A_86 = arith.constant 0 : i32
    %dma_wait3A_87 = arith.constant 0 : i32
    %dma_wait3A_88 = tpu.memref_slice %arg21[%dma_wait3A_86, %dma_wait3A_87] : memref<10000x64xbf16, #tpu.memory_space<vmem_shared>> -> memref<10000x64xbf16, #tpu.memory_space<vmem_shared>>
    tpu.wait_indirect_dma semaphore(%arg16 : memref<!tpu.dma_semaphore, #tpu.memory_space<semaphore_mem>>) src(%dma_wait3A_88 : memref<10000x64xbf16, #tpu.memory_space<vmem_shared>>) dst(%arg11 : memref<128x64xbf16, #tpu.memory_space<vmem>>)
    %barrier3A_89 = arith.constant 0 : index
    tpu.barrier barrier_id(%barrier3A_89)
    %mul3A_90 = arith.constant 625 : i32
    %mul3A_91 = arith.muli %arg1, %mul3A_90 : i32
    %add3A_92 = arith.constant 0 : i32
    %add3A_93 = arith.addi %mul3A_91, %add3A_92 : i32
    "tpu.region"() ({
      %run_scoped3A = tpu.sem_alloc : memref<!tpu.dma_semaphore, #tpu.memory_space<semaphore_mem>>
      %dma_start3A_110 = arith.constant 0 : i32
      %dma_start3A_111 = arith.constant 0 : i32
      %dma_start3A_112 = tpu.memref_slice %arg8[%dma_start3A_110, %dma_start3A_111] : memref<128x64xbf16, #tpu.memory_space<vmem>> -> memref<128x64xbf16, #tpu.memory_space<vmem>>
      %dma_start3A_113 = arith.constant 0 : i32
      %dma_start3A_114 = tpu.memref_slice %arg12[%add3A_93, %dma_start3A_113] : memref<10240x64xbf16, #tpu.memory_space<vmem_shared>> -> memref<128x64xbf16, #tpu.memory_space<vmem_shared>>
      %dma_start3A_115 = arith.constant 0 : i32
      %dma_start3A_116 = arith.constant 0 : i32
      %dma_start3A_117 = tpu.memref_slice %arg8[%dma_start3A_115, %dma_start3A_116] : memref<128x64xbf16, #tpu.memory_space<vmem>> -> memref<128x64xbf16, #tpu.memory_space<vmem>>
      %dma_start3A_118 = arith.constant 0 : i32
      %dma_start3A_119 = tpu.memref_slice %arg12[%add3A_93, %dma_start3A_118] : memref<10240x64xbf16, #tpu.memory_space<vmem_shared>> -> memref<128x64xbf16, #tpu.memory_space<vmem_shared>>
      tpu.enqueue_dma source(%dma_start3A_119 : memref<128x64xbf16, #tpu.memory_space<vmem_shared>>) target(%dma_start3A_117 : memref<128x64xbf16, #tpu.memory_space<vmem>>) target_semaphore(%run_scoped3A : memref<!tpu.dma_semaphore, #tpu.memory_space<semaphore_mem>>)
      %dma_wait3A_120 = arith.constant 0 : i32
      %dma_wait3A_121 = arith.constant 0 : i32
      %dma_wait3A_122 = tpu.memref_slice %arg8[%dma_wait3A_120, %dma_wait3A_121] : memref<128x64xbf16, #tpu.memory_space<vmem>> -> memref<128x64xbf16, #tpu.memory_space<vmem>>
      %dma_wait3A_123 = arith.constant 0 : i32
      %dma_wait3A_124 = tpu.memref_slice %arg12[%add3A_93, %dma_wait3A_123] : memref<10240x64xbf16, #tpu.memory_space<vmem_shared>> -> memref<128x64xbf16, #tpu.memory_space<vmem_shared>>
      %dma_wait3A_125 = arith.constant 0 : i32
      %dma_wait3A_126 = arith.constant 0 : i32
      %dma_wait3A_127 = tpu.memref_slice %arg8[%dma_wait3A_125, %dma_wait3A_126] : memref<128x64xbf16, #tpu.memory_space<vmem>> -> memref<128x64xbf16, #tpu.memory_space<vmem>>
      %dma_wait3A_128 = arith.constant 0 : i32
      %dma_wait3A_129 = tpu.memref_slice %arg12[%add3A_93, %dma_wait3A_128] : memref<10240x64xbf16, #tpu.memory_space<vmem_shared>> -> memref<128x64xbf16, #tpu.memory_space<vmem_shared>>
      tpu.wait_dma2 semaphore(%run_scoped3A : memref<!tpu.dma_semaphore, #tpu.memory_space<semaphore_mem>>) src(%dma_wait3A_129 : memref<128x64xbf16, #tpu.memory_space<vmem_shared>>) dst(%dma_wait3A_127 : memref<128x64xbf16, #tpu.memory_space<vmem>>)
      tpu.yield
    }) : () -> ()
    "tpu.region"() ({
      %run_scoped3A = tpu.sem_alloc : memref<!tpu.dma_semaphore, #tpu.memory_space<semaphore_mem>>
      %dma_start3A_110 = arith.constant 0 : i32
      %dma_start3A_111 = arith.constant 0 : i32
      %dma_start3A_112 = tpu.memref_slice %arg8[%dma_start3A_110, %dma_start3A_111] : memref<128x64xbf16, #tpu.memory_space<vmem>> -> memref<128x64xbf16, #tpu.memory_space<vmem>>
      %dma_start3A_113 = arith.constant 0 : i32
      %dma_start3A_114 = tpu.memref_slice %arg5[%arg0, %add3A_93, %dma_start3A_113] : memref<2x10000x64xbf16, #tpu.memory_space<hbm>> -> memref<1x128x64xbf16, #tpu.memory_space<hbm>>
      %dma_start3A_115 = tpu.memref_squeeze %dma_start3A_114 : memref<1x128x64xbf16, #tpu.memory_space<hbm>> -> memref<128x64xbf16, #tpu.memory_space<hbm>>
      %dma_start3A_116 = arith.constant 0 : i32
      %dma_start3A_117 = tpu.memref_slice %arg5[%arg0, %add3A_93, %dma_start3A_116] : memref<2x10000x64xbf16, #tpu.memory_space<hbm>> -> memref<1x128x64xbf16, #tpu.memory_space<hbm>>
      %dma_start3A_118 = tpu.memref_squeeze %dma_start3A_117 : memref<1x128x64xbf16, #tpu.memory_space<hbm>> -> memref<128x64xbf16, #tpu.memory_space<hbm>>
      %dma_start3A_119 = arith.constant 0 : i32
      %dma_start3A_120 = arith.constant 0 : i32
      %dma_start3A_121 = tpu.memref_slice %arg8[%dma_start3A_119, %dma_start3A_120] : memref<128x64xbf16, #tpu.memory_space<vmem>> -> memref<128x64xbf16, #tpu.memory_space<vmem>>
      tpu.enqueue_dma source(%dma_start3A_121 : memref<128x64xbf16, #tpu.memory_space<vmem>>) target(%dma_start3A_118 : memref<128x64xbf16, #tpu.memory_space<hbm>>) target_semaphore(%run_scoped3A : memref<!tpu.dma_semaphore, #tpu.memory_space<semaphore_mem>>)
      %dma_wait3A_122 = arith.constant 0 : i32
      %dma_wait3A_123 = arith.constant 0 : i32
      %dma_wait3A_124 = tpu.memref_slice %arg8[%dma_wait3A_122, %dma_wait3A_123] : memref<128x64xbf16, #tpu.memory_space<vmem>> -> memref<128x64xbf16, #tpu.memory_space<vmem>>
      %dma_wait3A_125 = arith.constant 0 : i32
      %dma_wait3A_126 = tpu.memref_slice %arg5[%arg0, %add3A_93, %dma_wait3A_125] : memref<2x10000x64xbf16, #tpu.memory_space<hbm>> -> memref<1x128x64xbf16, #tpu.memory_space<hbm>>
      %dma_wait3A_127 = tpu.memref_squeeze %dma_wait3A_126 : memref<1x128x64xbf16, #tpu.memory_space<hbm>> -> memref<128x64xbf16, #tpu.memory_space<hbm>>
      %dma_wait3A_128 = arith.constant 0 : i32
      %dma_wait3A_129 = tpu.memref_slice %arg5[%arg0, %add3A_93, %dma_wait3A_128] : memref<2x10000x64xbf16, #tpu.memory_space<hbm>> -> memref<1x128x64xbf16, #tpu.memory_space<hbm>>
      %dma_wait3A_130 = tpu.memref_squeeze %dma_wait3A_129 : memref<1x128x64xbf16, #tpu.memory_space<hbm>> -> memref<128x64xbf16, #tpu.memory_space<hbm>>
      %dma_wait3A_131 = arith.constant 0 : i32
      %dma_wait3A_132 = arith.constant 0 : i32
      %dma_wait3A_133 = tpu.memref_slice %arg8[%dma_wait3A_131, %dma_wait3A_132] : memref<128x64xbf16, #tpu.memory_space<vmem>> -> memref<128x64xbf16, #tpu.memory_space<vmem>>
      tpu.wait_dma2 semaphore(%run_scoped3A : memref<!tpu.dma_semaphore, #tpu.memory_space<semaphore_mem>>) src(%dma_wait3A_133 : memref<128x64xbf16, #tpu.memory_space<vmem>>) dst(%dma_wait3A_130 : memref<128x64xbf16, #tpu.memory_space<hbm>>)
      tpu.yield
    }) : () -> ()
    %mul3A_94 = arith.constant 625 : i32
    %mul3A_95 = arith.muli %arg1, %mul3A_94 : i32
    %add3A_96 = arith.constant 128 : i32
    %add3A_97 = arith.addi %mul3A_95, %add3A_96 : i32
    "tpu.region"() ({
      %run_scoped3A = tpu.sem_alloc : memref<!tpu.dma_semaphore, #tpu.memory_space<semaphore_mem>>
      %dma_start3A_110 = arith.constant 0 : i32
      %dma_start3A_111 = arith.constant 0 : i32
      %dma_start3A_112 = tpu.memref_slice %arg8[%dma_start3A_110, %dma_start3A_111] : memref<128x64xbf16, #tpu.memory_space<vmem>> -> memref<128x64xbf16, #tpu.memory_space<vmem>>
      %dma_start3A_113 = arith.constant 0 : i32
      %dma_start3A_114 = tpu.memref_slice %arg12[%add3A_97, %dma_start3A_113] : memref<10240x64xbf16, #tpu.memory_space<vmem_shared>> -> memref<128x64xbf16, #tpu.memory_space<vmem_shared>>
      %dma_start3A_115 = arith.constant 0 : i32
      %dma_start3A_116 = arith.constant 0 : i32
      %dma_start3A_117 = tpu.memref_slice %arg8[%dma_start3A_115, %dma_start3A_116] : memref<128x64xbf16, #tpu.memory_space<vmem>> -> memref<128x64xbf16, #tpu.memory_space<vmem>>
      %dma_start3A_118 = arith.constant 0 : i32
      %dma_start3A_119 = tpu.memref_slice %arg12[%add3A_97, %dma_start3A_118] : memref<10240x64xbf16, #tpu.memory_space<vmem_shared>> -> memref<128x64xbf16, #tpu.memory_space<vmem_shared>>
      tpu.enqueue_dma source(%dma_start3A_119 : memref<128x64xbf16, #tpu.memory_space<vmem_shared>>) target(%dma_start3A_117 : memref<128x64xbf16, #tpu.memory_space<vmem>>) target_semaphore(%run_scoped3A : memref<!tpu.dma_semaphore, #tpu.memory_space<semaphore_mem>>)
      %dma_wait3A_120 = arith.constant 0 : i32
      %dma_wait3A_121 = arith.constant 0 : i32
      %dma_wait3A_122 = tpu.memref_slice %arg8[%dma_wait3A_120, %dma_wait3A_121] : memref<128x64xbf16, #tpu.memory_space<vmem>> -> memref<128x64xbf16, #tpu.memory_space<vmem>>
      %dma_wait3A_123 = arith.constant 0 : i32
      %dma_wait3A_124 = tpu.memref_slice %arg12[%add3A_97, %dma_wait3A_123] : memref<10240x64xbf16, #tpu.memory_space<vmem_shared>> -> memref<128x64xbf16, #tpu.memory_space<vmem_shared>>
      %dma_wait3A_125 = arith.constant 0 : i32
      %dma_wait3A_126 = arith.constant 0 : i32
      %dma_wait3A_127 = tpu.memref_slice %arg8[%dma_wait3A_125, %dma_wait3A_126] : memref<128x64xbf16, #tpu.memory_space<vmem>> -> memref<128x64xbf16, #tpu.memory_space<vmem>>
      %dma_wait3A_128 = arith.constant 0 : i32
      %dma_wait3A_129 = tpu.memref_slice %arg12[%add3A_97, %dma_wait3A_128] : memref<10240x64xbf16, #tpu.memory_space<vmem_shared>> -> memref<128x64xbf16, #tpu.memory_space<vmem_shared>>
      tpu.wait_dma2 semaphore(%run_scoped3A : memref<!tpu.dma_semaphore, #tpu.memory_space<semaphore_mem>>) src(%dma_wait3A_129 : memref<128x64xbf16, #tpu.memory_space<vmem_shared>>) dst(%dma_wait3A_127 : memref<128x64xbf16, #tpu.memory_space<vmem>>)
      tpu.yield
    }) : () -> ()
    "tpu.region"() ({
      %run_scoped3A = tpu.sem_alloc : memref<!tpu.dma_semaphore, #tpu.memory_space<semaphore_mem>>
      %dma_start3A_110 = arith.constant 0 : i32
      %dma_start3A_111 = arith.constant 0 : i32
      %dma_start3A_112 = tpu.memref_slice %arg8[%dma_start3A_110, %dma_start3A_111] : memref<128x64xbf16, #tpu.memory_space<vmem>> -> memref<128x64xbf16, #tpu.memory_space<vmem>>
      %dma_start3A_113 = arith.constant 0 : i32
      %dma_start3A_114 = tpu.memref_slice %arg5[%arg0, %add3A_97, %dma_start3A_113] : memref<2x10000x64xbf16, #tpu.memory_space<hbm>> -> memref<1x128x64xbf16, #tpu.memory_space<hbm>>
      %dma_start3A_115 = tpu.memref_squeeze %dma_start3A_114 : memref<1x128x64xbf16, #tpu.memory_space<hbm>> -> memref<128x64xbf16, #tpu.memory_space<hbm>>
      %dma_start3A_116 = arith.constant 0 : i32
      %dma_start3A_117 = tpu.memref_slice %arg5[%arg0, %add3A_97, %dma_start3A_116] : memref<2x10000x64xbf16, #tpu.memory_space<hbm>> -> memref<1x128x64xbf16, #tpu.memory_space<hbm>>
      %dma_start3A_118 = tpu.memref_squeeze %dma_start3A_117 : memref<1x128x64xbf16, #tpu.memory_space<hbm>> -> memref<128x64xbf16, #tpu.memory_space<hbm>>
      %dma_start3A_119 = arith.constant 0 : i32
      %dma_start3A_120 = arith.constant 0 : i32
      %dma_start3A_121 = tpu.memref_slice %arg8[%dma_start3A_119, %dma_start3A_120] : memref<128x64xbf16, #tpu.memory_space<vmem>> -> memref<128x64xbf16, #tpu.memory_space<vmem>>
      tpu.enqueue_dma source(%dma_start3A_121 : memref<128x64xbf16, #tpu.memory_space<vmem>>) target(%dma_start3A_118 : memref<128x64xbf16, #tpu.memory_space<hbm>>) target_semaphore(%run_scoped3A : memref<!tpu.dma_semaphore, #tpu.memory_space<semaphore_mem>>)
      %dma_wait3A_122 = arith.constant 0 : i32
      %dma_wait3A_123 = arith.constant 0 : i32
      %dma_wait3A_124 = tpu.memref_slice %arg8[%dma_wait3A_122, %dma_wait3A_123] : memref<128x64xbf16, #tpu.memory_space<vmem>> -> memref<128x64xbf16, #tpu.memory_space<vmem>>
      %dma_wait3A_125 = arith.constant 0 : i32
      %dma_wait3A_126 = tpu.memref_slice %arg5[%arg0, %add3A_97, %dma_wait3A_125] : memref<2x10000x64xbf16, #tpu.memory_space<hbm>> -> memref<1x128x64xbf16, #tpu.memory_space<hbm>>
      %dma_wait3A_127 = tpu.memref_squeeze %dma_wait3A_126 : memref<1x128x64xbf16, #tpu.memory_space<hbm>> -> memref<128x64xbf16, #tpu.memory_space<hbm>>
      %dma_wait3A_128 = arith.constant 0 : i32
      %dma_wait3A_129 = tpu.memref_slice %arg5[%arg0, %add3A_97, %dma_wait3A_128] : memref<2x10000x64xbf16, #tpu.memory_space<hbm>> -> memref<1x128x64xbf16, #tpu.memory_space<hbm>>
      %dma_wait3A_130 = tpu.memref_squeeze %dma_wait3A_129 : memref<1x128x64xbf16, #tpu.memory_space<hbm>> -> memref<128x64xbf16, #tpu.memory_space<hbm>>
      %dma_wait3A_131 = arith.constant 0 : i32
      %dma_wait3A_132 = arith.constant 0 : i32
      %dma_wait3A_133 = tpu.memref_slice %arg8[%dma_wait3A_131, %dma_wait3A_132] : memref<128x64xbf16, #tpu.memory_space<vmem>> -> memref<128x64xbf16, #tpu.memory_space<vmem>>
      tpu.wait_dma2 semaphore(%run_scoped3A : memref<!tpu.dma_semaphore, #tpu.memory_space<semaphore_mem>>) src(%dma_wait3A_133 : memref<128x64xbf16, #tpu.memory_space<vmem>>) dst(%dma_wait3A_130 : memref<128x64xbf16, #tpu.memory_space<hbm>>)
      tpu.yield
    }) : () -> ()
    %mul3A_98 = arith.constant 625 : i32
    %mul3A_99 = arith.muli %arg1, %mul3A_98 : i32
    %add3A_100 = arith.constant 256 : i32
    %add3A_101 = arith.addi %mul3A_99, %add3A_100 : i32
    "tpu.region"() ({
      %run_scoped3A = tpu.sem_alloc : memref<!tpu.dma_semaphore, #tpu.memory_space<semaphore_mem>>
      %dma_start3A_110 = arith.constant 0 : i32
      %dma_start3A_111 = arith.constant 0 : i32
      %dma_start3A_112 = tpu.memref_slice %arg8[%dma_start3A_110, %dma_start3A_111] : memref<128x64xbf16, #tpu.memory_space<vmem>> -> memref<128x64xbf16, #tpu.memory_space<vmem>>
      %dma_start3A_113 = arith.constant 0 : i32
      %dma_start3A_114 = tpu.memref_slice %arg12[%add3A_101, %dma_start3A_113] : memref<10240x64xbf16, #tpu.memory_space<vmem_shared>> -> memref<128x64xbf16, #tpu.memory_space<vmem_shared>>
      %dma_start3A_115 = arith.constant 0 : i32
      %dma_start3A_116 = arith.constant 0 : i32
      %dma_start3A_117 = tpu.memref_slice %arg8[%dma_start3A_115, %dma_start3A_116] : memref<128x64xbf16, #tpu.memory_space<vmem>> -> memref<128x64xbf16, #tpu.memory_space<vmem>>
      %dma_start3A_118 = arith.constant 0 : i32
      %dma_start3A_119 = tpu.memref_slice %arg12[%add3A_101, %dma_start3A_118] : memref<10240x64xbf16, #tpu.memory_space<vmem_shared>> -> memref<128x64xbf16, #tpu.memory_space<vmem_shared>>
      tpu.enqueue_dma source(%dma_start3A_119 : memref<128x64xbf16, #tpu.memory_space<vmem_shared>>) target(%dma_start3A_117 : memref<128x64xbf16, #tpu.memory_space<vmem>>) target_semaphore(%run_scoped3A : memref<!tpu.dma_semaphore, #tpu.memory_space<semaphore_mem>>)
      %dma_wait3A_120 = arith.constant 0 : i32
      %dma_wait3A_121 = arith.constant 0 : i32
      %dma_wait3A_122 = tpu.memref_slice %arg8[%dma_wait3A_120, %dma_wait3A_121] : memref<128x64xbf16, #tpu.memory_space<vmem>> -> memref<128x64xbf16, #tpu.memory_space<vmem>>
      %dma_wait3A_123 = arith.constant 0 : i32
      %dma_wait3A_124 = tpu.memref_slice %arg12[%add3A_101, %dma_wait3A_123] : memref<10240x64xbf16, #tpu.memory_space<vmem_shared>> -> memref<128x64xbf16, #tpu.memory_space<vmem_shared>>
      %dma_wait3A_125 = arith.constant 0 : i32
      %dma_wait3A_126 = arith.constant 0 : i32
      %dma_wait3A_127 = tpu.memref_slice %arg8[%dma_wait3A_125, %dma_wait3A_126] : memref<128x64xbf16, #tpu.memory_space<vmem>> -> memref<128x64xbf16, #tpu.memory_space<vmem>>
      %dma_wait3A_128 = arith.constant 0 : i32
      %dma_wait3A_129 = tpu.memref_slice %arg12[%add3A_101, %dma_wait3A_128] : memref<10240x64xbf16, #tpu.memory_space<vmem_shared>> -> memref<128x64xbf16, #tpu.memory_space<vmem_shared>>
      tpu.wait_dma2 semaphore(%run_scoped3A : memref<!tpu.dma_semaphore, #tpu.memory_space<semaphore_mem>>) src(%dma_wait3A_129 : memref<128x64xbf16, #tpu.memory_space<vmem_shared>>) dst(%dma_wait3A_127 : memref<128x64xbf16, #tpu.memory_space<vmem>>)
      tpu.yield
    }) : () -> ()
    "tpu.region"() ({
      %run_scoped3A = tpu.sem_alloc : memref<!tpu.dma_semaphore, #tpu.memory_space<semaphore_mem>>
      %dma_start3A_110 = arith.constant 0 : i32
      %dma_start3A_111 = arith.constant 0 : i32
      %dma_start3A_112 = tpu.memref_slice %arg8[%dma_start3A_110, %dma_start3A_111] : memref<128x64xbf16, #tpu.memory_space<vmem>> -> memref<128x64xbf16, #tpu.memory_space<vmem>>
      %dma_start3A_113 = arith.constant 0 : i32
      %dma_start3A_114 = tpu.memref_slice %arg5[%arg0, %add3A_101, %dma_start3A_113] : memref<2x10000x64xbf16, #tpu.memory_space<hbm>> -> memref<1x128x64xbf16, #tpu.memory_space<hbm>>
      %dma_start3A_115 = tpu.memref_squeeze %dma_start3A_114 : memref<1x128x64xbf16, #tpu.memory_space<hbm>> -> memref<128x64xbf16, #tpu.memory_space<hbm>>
      %dma_start3A_116 = arith.constant 0 : i32
      %dma_start3A_117 = tpu.memref_slice %arg5[%arg0, %add3A_101, %dma_start3A_116] : memref<2x10000x64xbf16, #tpu.memory_space<hbm>> -> memref<1x128x64xbf16, #tpu.memory_space<hbm>>
      %dma_start3A_118 = tpu.memref_squeeze %dma_start3A_117 : memref<1x128x64xbf16, #tpu.memory_space<hbm>> -> memref<128x64xbf16, #tpu.memory_space<hbm>>
      %dma_start3A_119 = arith.constant 0 : i32
      %dma_start3A_120 = arith.constant 0 : i32
      %dma_start3A_121 = tpu.memref_slice %arg8[%dma_start3A_119, %dma_start3A_120] : memref<128x64xbf16, #tpu.memory_space<vmem>> -> memref<128x64xbf16, #tpu.memory_space<vmem>>
      tpu.enqueue_dma source(%dma_start3A_121 : memref<128x64xbf16, #tpu.memory_space<vmem>>) target(%dma_start3A_118 : memref<128x64xbf16, #tpu.memory_space<hbm>>) target_semaphore(%run_scoped3A : memref<!tpu.dma_semaphore, #tpu.memory_space<semaphore_mem>>)
      %dma_wait3A_122 = arith.constant 0 : i32
      %dma_wait3A_123 = arith.constant 0 : i32
      %dma_wait3A_124 = tpu.memref_slice %arg8[%dma_wait3A_122, %dma_wait3A_123] : memref<128x64xbf16, #tpu.memory_space<vmem>> -> memref<128x64xbf16, #tpu.memory_space<vmem>>
      %dma_wait3A_125 = arith.constant 0 : i32
      %dma_wait3A_126 = tpu.memref_slice %arg5[%arg0, %add3A_101, %dma_wait3A_125] : memref<2x10000x64xbf16, #tpu.memory_space<hbm>> -> memref<1x128x64xbf16, #tpu.memory_space<hbm>>
      %dma_wait3A_127 = tpu.memref_squeeze %dma_wait3A_126 : memref<1x128x64xbf16, #tpu.memory_space<hbm>> -> memref<128x64xbf16, #tpu.memory_space<hbm>>
      %dma_wait3A_128 = arith.constant 0 : i32
      %dma_wait3A_129 = tpu.memref_slice %arg5[%arg0, %add3A_101, %dma_wait3A_128] : memref<2x10000x64xbf16, #tpu.memory_space<hbm>> -> memref<1x128x64xbf16, #tpu.memory_space<hbm>>
      %dma_wait3A_130 = tpu.memref_squeeze %dma_wait3A_129 : memref<1x128x64xbf16, #tpu.memory_space<hbm>> -> memref<128x64xbf16, #tpu.memory_space<hbm>>
      %dma_wait3A_131 = arith.constant 0 : i32
      %dma_wait3A_132 = arith.constant 0 : i32
      %dma_wait3A_133 = tpu.memref_slice %arg8[%dma_wait3A_131, %dma_wait3A_132] : memref<128x64xbf16, #tpu.memory_space<vmem>> -> memref<128x64xbf16, #tpu.memory_space<vmem>>
      tpu.wait_dma2 semaphore(%run_scoped3A : memref<!tpu.dma_semaphore, #tpu.memory_space<semaphore_mem>>) src(%dma_wait3A_133 : memref<128x64xbf16, #tpu.memory_space<vmem>>) dst(%dma_wait3A_130 : memref<128x64xbf16, #tpu.memory_space<hbm>>)
      tpu.yield
    }) : () -> ()
    %mul3A_102 = arith.constant 625 : i32
    %mul3A_103 = arith.muli %arg1, %mul3A_102 : i32
    %add3A_104 = arith.constant 384 : i32
    %add3A_105 = arith.addi %mul3A_103, %add3A_104 : i32
    "tpu.region"() ({
      %run_scoped3A = tpu.sem_alloc : memref<!tpu.dma_semaphore, #tpu.memory_space<semaphore_mem>>
      %dma_start3A_110 = arith.constant 0 : i32
      %dma_start3A_111 = arith.constant 0 : i32
      %dma_start3A_112 = tpu.memref_slice %arg8[%dma_start3A_110, %dma_start3A_111] : memref<128x64xbf16, #tpu.memory_space<vmem>> -> memref<128x64xbf16, #tpu.memory_space<vmem>>
      %dma_start3A_113 = arith.constant 0 : i32
      %dma_start3A_114 = tpu.memref_slice %arg12[%add3A_105, %dma_start3A_113] : memref<10240x64xbf16, #tpu.memory_space<vmem_shared>> -> memref<128x64xbf16, #tpu.memory_space<vmem_shared>>
      %dma_start3A_115 = arith.constant 0 : i32
      %dma_start3A_116 = arith.constant 0 : i32
      %dma_start3A_117 = tpu.memref_slice %arg8[%dma_start3A_115, %dma_start3A_116] : memref<128x64xbf16, #tpu.memory_space<vmem>> -> memref<128x64xbf16, #tpu.memory_space<vmem>>
      %dma_start3A_118 = arith.constant 0 : i32
      %dma_start3A_119 = tpu.memref_slice %arg12[%add3A_105, %dma_start3A_118] : memref<10240x64xbf16, #tpu.memory_space<vmem_shared>> -> memref<128x64xbf16, #tpu.memory_space<vmem_shared>>
      tpu.enqueue_dma source(%dma_start3A_119 : memref<128x64xbf16, #tpu.memory_space<vmem_shared>>) target(%dma_start3A_117 : memref<128x64xbf16, #tpu.memory_space<vmem>>) target_semaphore(%run_scoped3A : memref<!tpu.dma_semaphore, #tpu.memory_space<semaphore_mem>>)
      %dma_wait3A_120 = arith.constant 0 : i32
      %dma_wait3A_121 = arith.constant 0 : i32
      %dma_wait3A_122 = tpu.memref_slice %arg8[%dma_wait3A_120, %dma_wait3A_121] : memref<128x64xbf16, #tpu.memory_space<vmem>> -> memref<128x64xbf16, #tpu.memory_space<vmem>>
      %dma_wait3A_123 = arith.constant 0 : i32
      %dma_wait3A_124 = tpu.memref_slice %arg12[%add3A_105, %dma_wait3A_123] : memref<10240x64xbf16, #tpu.memory_space<vmem_shared>> -> memref<128x64xbf16, #tpu.memory_space<vmem_shared>>
      %dma_wait3A_125 = arith.constant 0 : i32
      %dma_wait3A_126 = arith.constant 0 : i32
      %dma_wait3A_127 = tpu.memref_slice %arg8[%dma_wait3A_125, %dma_wait3A_126] : memref<128x64xbf16, #tpu.memory_space<vmem>> -> memref<128x64xbf16, #tpu.memory_space<vmem>>
      %dma_wait3A_128 = arith.constant 0 : i32
      %dma_wait3A_129 = tpu.memref_slice %arg12[%add3A_105, %dma_wait3A_128] : memref<10240x64xbf16, #tpu.memory_space<vmem_shared>> -> memref<128x64xbf16, #tpu.memory_space<vmem_shared>>
      tpu.wait_dma2 semaphore(%run_scoped3A : memref<!tpu.dma_semaphore, #tpu.memory_space<semaphore_mem>>) src(%dma_wait3A_129 : memref<128x64xbf16, #tpu.memory_space<vmem_shared>>) dst(%dma_wait3A_127 : memref<128x64xbf16, #tpu.memory_space<vmem>>)
      tpu.yield
    }) : () -> ()
    "tpu.region"() ({
      %run_scoped3A = tpu.sem_alloc : memref<!tpu.dma_semaphore, #tpu.memory_space<semaphore_mem>>
      %dma_start3A_110 = arith.constant 0 : i32
      %dma_start3A_111 = arith.constant 0 : i32
      %dma_start3A_112 = tpu.memref_slice %arg8[%dma_start3A_110, %dma_start3A_111] : memref<128x64xbf16, #tpu.memory_space<vmem>> -> memref<128x64xbf16, #tpu.memory_space<vmem>>
      %dma_start3A_113 = arith.constant 0 : i32
      %dma_start3A_114 = tpu.memref_slice %arg5[%arg0, %add3A_105, %dma_start3A_113] : memref<2x10000x64xbf16, #tpu.memory_space<hbm>> -> memref<1x128x64xbf16, #tpu.memory_space<hbm>>
      %dma_start3A_115 = tpu.memref_squeeze %dma_start3A_114 : memref<1x128x64xbf16, #tpu.memory_space<hbm>> -> memref<128x64xbf16, #tpu.memory_space<hbm>>
      %dma_start3A_116 = arith.constant 0 : i32
      %dma_start3A_117 = tpu.memref_slice %arg5[%arg0, %add3A_105, %dma_start3A_116] : memref<2x10000x64xbf16, #tpu.memory_space<hbm>> -> memref<1x128x64xbf16, #tpu.memory_space<hbm>>
      %dma_start3A_118 = tpu.memref_squeeze %dma_start3A_117 : memref<1x128x64xbf16, #tpu.memory_space<hbm>> -> memref<128x64xbf16, #tpu.memory_space<hbm>>
      %dma_start3A_119 = arith.constant 0 : i32
      %dma_start3A_120 = arith.constant 0 : i32
      %dma_start3A_121 = tpu.memref_slice %arg8[%dma_start3A_119, %dma_start3A_120] : memref<128x64xbf16, #tpu.memory_space<vmem>> -> memref<128x64xbf16, #tpu.memory_space<vmem>>
      tpu.enqueue_dma source(%dma_start3A_121 : memref<128x64xbf16, #tpu.memory_space<vmem>>) target(%dma_start3A_118 : memref<128x64xbf16, #tpu.memory_space<hbm>>) target_semaphore(%run_scoped3A : memref<!tpu.dma_semaphore, #tpu.memory_space<semaphore_mem>>)
      %dma_wait3A_122 = arith.constant 0 : i32
      %dma_wait3A_123 = arith.constant 0 : i32
      %dma_wait3A_124 = tpu.memref_slice %arg8[%dma_wait3A_122, %dma_wait3A_123] : memref<128x64xbf16, #tpu.memory_space<vmem>> -> memref<128x64xbf16, #tpu.memory_space<vmem>>
      %dma_wait3A_125 = arith.constant 0 : i32
      %dma_wait3A_126 = tpu.memref_slice %arg5[%arg0, %add3A_105, %dma_wait3A_125] : memref<2x10000x64xbf16, #tpu.memory_space<hbm>> -> memref<1x128x64xbf16, #tpu.memory_space<hbm>>
      %dma_wait3A_127 = tpu.memref_squeeze %dma_wait3A_126 : memref<1x128x64xbf16, #tpu.memory_space<hbm>> -> memref<128x64xbf16, #tpu.memory_space<hbm>>
      %dma_wait3A_128 = arith.constant 0 : i32
      %dma_wait3A_129 = tpu.memref_slice %arg5[%arg0, %add3A_105, %dma_wait3A_128] : memref<2x10000x64xbf16, #tpu.memory_space<hbm>> -> memref<1x128x64xbf16, #tpu.memory_space<hbm>>
      %dma_wait3A_130 = tpu.memref_squeeze %dma_wait3A_129 : memref<1x128x64xbf16, #tpu.memory_space<hbm>> -> memref<128x64xbf16, #tpu.memory_space<hbm>>
      %dma_wait3A_131 = arith.constant 0 : i32
      %dma_wait3A_132 = arith.constant 0 : i32
      %dma_wait3A_133 = tpu.memref_slice %arg8[%dma_wait3A_131, %dma_wait3A_132] : memref<128x64xbf16, #tpu.memory_space<vmem>> -> memref<128x64xbf16, #tpu.memory_space<vmem>>
      tpu.wait_dma2 semaphore(%run_scoped3A : memref<!tpu.dma_semaphore, #tpu.memory_space<semaphore_mem>>) src(%dma_wait3A_133 : memref<128x64xbf16, #tpu.memory_space<vmem>>) dst(%dma_wait3A_130 : memref<128x64xbf16, #tpu.memory_space<hbm>>)
      tpu.yield
    }) : () -> ()
    %mul3A_106 = arith.constant 625 : i32
    %mul3A_107 = arith.muli %arg1, %mul3A_106 : i32
    %add3A_108 = arith.constant 512 : i32
    %add3A_109 = arith.addi %mul3A_107, %add3A_108 : i32
    "tpu.region"() ({
      %run_scoped3A = tpu.sem_alloc : memref<!tpu.dma_semaphore, #tpu.memory_space<semaphore_mem>>
      %dma_start3A_110 = arith.constant 0 : i32
      %dma_start3A_111 = arith.constant 0 : i32
      %dma_start3A_112 = tpu.memref_slice %arg8[%dma_start3A_110, %dma_start3A_111] : memref<128x64xbf16, #tpu.memory_space<vmem>> -> memref<113x64xbf16, #tpu.memory_space<vmem>>
      %dma_start3A_113 = arith.constant 0 : i32
      %dma_start3A_114 = tpu.memref_slice %arg12[%add3A_109, %dma_start3A_113] : memref<10240x64xbf16, #tpu.memory_space<vmem_shared>> -> memref<113x64xbf16, #tpu.memory_space<vmem_shared>>
      %dma_start3A_115 = arith.constant 0 : i32
      %dma_start3A_116 = arith.constant 0 : i32
      %dma_start3A_117 = tpu.memref_slice %arg8[%dma_start3A_115, %dma_start3A_116] : memref<128x64xbf16, #tpu.memory_space<vmem>> -> memref<113x64xbf16, #tpu.memory_space<vmem>>
      %dma_start3A_118 = arith.constant 0 : i32
      %dma_start3A_119 = tpu.memref_slice %arg12[%add3A_109, %dma_start3A_118] : memref<10240x64xbf16, #tpu.memory_space<vmem_shared>> -> memref<113x64xbf16, #tpu.memory_space<vmem_shared>>
      tpu.enqueue_dma source(%dma_start3A_119 : memref<113x64xbf16, #tpu.memory_space<vmem_shared>>) target(%dma_start3A_117 : memref<113x64xbf16, #tpu.memory_space<vmem>>) target_semaphore(%run_scoped3A : memref<!tpu.dma_semaphore, #tpu.memory_space<semaphore_mem>>)
      %dma_wait3A_120 = arith.constant 0 : i32
      %dma_wait3A_121 = arith.constant 0 : i32
      %dma_wait3A_122 = tpu.memref_slice %arg8[%dma_wait3A_120, %dma_wait3A_121] : memref<128x64xbf16, #tpu.memory_space<vmem>> -> memref<113x64xbf16, #tpu.memory_space<vmem>>
      %dma_wait3A_123 = arith.constant 0 : i32
      %dma_wait3A_124 = tpu.memref_slice %arg12[%add3A_109, %dma_wait3A_123] : memref<10240x64xbf16, #tpu.memory_space<vmem_shared>> -> memref<113x64xbf16, #tpu.memory_space<vmem_shared>>
      %dma_wait3A_125 = arith.constant 0 : i32
      %dma_wait3A_126 = arith.constant 0 : i32
      %dma_wait3A_127 = tpu.memref_slice %arg8[%dma_wait3A_125, %dma_wait3A_126] : memref<128x64xbf16, #tpu.memory_space<vmem>> -> memref<113x64xbf16, #tpu.memory_space<vmem>>
      %dma_wait3A_128 = arith.constant 0 : i32
      %dma_wait3A_129 = tpu.memref_slice %arg12[%add3A_109, %dma_wait3A_128] : memref<10240x64xbf16, #tpu.memory_space<vmem_shared>> -> memref<113x64xbf16, #tpu.memory_space<vmem_shared>>
      tpu.wait_dma2 semaphore(%run_scoped3A : memref<!tpu.dma_semaphore, #tpu.memory_space<semaphore_mem>>) src(%dma_wait3A_129 : memref<113x64xbf16, #tpu.memory_space<vmem_shared>>) dst(%dma_wait3A_127 : memref<113x64xbf16, #tpu.memory_space<vmem>>)
      tpu.yield
    }) : () -> ()
    "tpu.region"() ({
      %run_scoped3A = tpu.sem_alloc : memref<!tpu.dma_semaphore, #tpu.memory_space<semaphore_mem>>
      %dma_start3A_110 = arith.constant 0 : i32
      %dma_start3A_111 = arith.constant 0 : i32
      %dma_start3A_112 = tpu.memref_slice %arg8[%dma_start3A_110, %dma_start3A_111] : memref<128x64xbf16, #tpu.memory_space<vmem>> -> memref<113x64xbf16, #tpu.memory_space<vmem>>
      %dma_start3A_113 = arith.constant 0 : i32
      %dma_start3A_114 = tpu.memref_slice %arg5[%arg0, %add3A_109, %dma_start3A_113] : memref<2x10000x64xbf16, #tpu.memory_space<hbm>> -> memref<1x113x64xbf16, #tpu.memory_space<hbm>>
      %dma_start3A_115 = tpu.memref_squeeze %dma_start3A_114 : memref<1x113x64xbf16, #tpu.memory_space<hbm>> -> memref<113x64xbf16, #tpu.memory_space<hbm>>
      %dma_start3A_116 = arith.constant 0 : i32
      %dma_start3A_117 = tpu.memref_slice %arg5[%arg0, %add3A_109, %dma_start3A_116] : memref<2x10000x64xbf16, #tpu.memory_space<hbm>> -> memref<1x113x64xbf16, #tpu.memory_space<hbm>>
      %dma_start3A_118 = tpu.memref_squeeze %dma_start3A_117 : memref<1x113x64xbf16, #tpu.memory_space<hbm>> -> memref<113x64xbf16, #tpu.memory_space<hbm>>
      %dma_start3A_119 = arith.constant 0 : i32
      %dma_start3A_120 = arith.constant 0 : i32
      %dma_start3A_121 = tpu.memref_slice %arg8[%dma_start3A_119, %dma_start3A_120] : memref<128x64xbf16, #tpu.memory_space<vmem>> -> memref<113x64xbf16, #tpu.memory_space<vmem>>
      tpu.enqueue_dma source(%dma_start3A_121 : memref<113x64xbf16, #tpu.memory_space<vmem>>) target(%dma_start3A_118 : memref<113x64xbf16, #tpu.memory_space<hbm>>) target_semaphore(%run_scoped3A : memref<!tpu.dma_semaphore, #tpu.memory_space<semaphore_mem>>)
      %dma_wait3A_122 = arith.constant 0 : i32
      %dma_wait3A_123 = arith.constant 0 : i32
      %dma_wait3A_124 = tpu.memref_slice %arg8[%dma_wait3A_122, %dma_wait3A_123] : memref<128x64xbf16, #tpu.memory_space<vmem>> -> memref<113x64xbf16, #tpu.memory_space<vmem>>
      %dma_wait3A_125 = arith.constant 0 : i32
      %dma_wait3A_126 = tpu.memref_slice %arg5[%arg0, %add3A_109, %dma_wait3A_125] : memref<2x10000x64xbf16, #tpu.memory_space<hbm>> -> memref<1x113x64xbf16, #tpu.memory_space<hbm>>
      %dma_wait3A_127 = tpu.memref_squeeze %dma_wait3A_126 : memref<1x113x64xbf16, #tpu.memory_space<hbm>> -> memref<113x64xbf16, #tpu.memory_space<hbm>>
      %dma_wait3A_128 = arith.constant 0 : i32
      %dma_wait3A_129 = tpu.memref_slice %arg5[%arg0, %add3A_109, %dma_wait3A_128] : memref<2x10000x64xbf16, #tpu.memory_space<hbm>> -> memref<1x113x64xbf16, #tpu.memory_space<hbm>>
      %dma_wait3A_130 = tpu.memref_squeeze %dma_wait3A_129 : memref<1x113x64xbf16, #tpu.memory_space<hbm>> -> memref<113x64xbf16, #tpu.memory_space<hbm>>
      %dma_wait3A_131 = arith.constant 0 : i32
      %dma_wait3A_132 = arith.constant 0 : i32
      %dma_wait3A_133 = tpu.memref_slice %arg8[%dma_wait3A_131, %dma_wait3A_132] : memref<128x64xbf16, #tpu.memory_space<vmem>> -> memref<113x64xbf16, #tpu.memory_space<vmem>>
      tpu.wait_dma2 semaphore(%run_scoped3A : memref<!tpu.dma_semaphore, #tpu.memory_space<semaphore_mem>>) src(%dma_wait3A_133 : memref<113x64xbf16, #tpu.memory_space<vmem>>) dst(%dma_wait3A_130 : memref<113x64xbf16, #tpu.memory_space<hbm>>)
      tpu.yield
    }) : () -> ()
    return
  }
}

#map = affine_map<(d0, d1) -> (0, 0, 0)>
module attributes {stable_mosaic.version = 14 : i64} {
  func.func @_agg_body(%arg0: i32, %arg1: i32, %arg2: memref<2x10000x32xbf16, #tpu.memory_space<hbm>>, %arg3: memref<16x160x128xi32, #tpu.memory_space<hbm>>, %arg4: memref<16x160x128xi32, #tpu.memory_space<hbm>>, %arg5: memref<2x10000x32xbf16, #tpu.memory_space<hbm>>, %arg6: memref<160x128xi32, #tpu.memory_space<vmem>>, %arg7: memref<160x128xi32, #tpu.memory_space<vmem>>, %arg8: memref<128x32xbf16, #tpu.memory_space<vmem>>, %arg9: memref<128x32xbf16, #tpu.memory_space<vmem>>, %arg10: memref<128x32xbf16, #tpu.memory_space<vmem>>, %arg11: memref<128x32xbf16, #tpu.memory_space<vmem>>, %arg12: memref<10240x32xbf16, #tpu.memory_space<vmem_shared>>, %arg13: memref<!tpu.dma_semaphore, #tpu.memory_space<semaphore_mem>>, %arg14: memref<!tpu.dma_semaphore, #tpu.memory_space<semaphore_mem>>, %arg15: memref<!tpu.dma_semaphore, #tpu.memory_space<semaphore_mem>>, %arg16: memref<!tpu.dma_semaphore, #tpu.memory_space<semaphore_mem>>, %arg17: memref<!tpu.dma_semaphore, #tpu.memory_space<semaphore_mem>>, %arg18: memref<!tpu.dma_semaphore, #tpu.memory_space<semaphore_mem>>, %arg19: memref<!tpu.dma_semaphore, #tpu.memory_space<semaphore_mem>>, %arg20: memref<!tpu.dma_semaphore, #tpu.memory_space<semaphore_mem>>, %arg21: memref<10000x32xbf16, #tpu.memory_space<vmem_shared>>) attributes {dimension_semantics = [#tpu.dimension_semantics<core_parallel>, #tpu.dimension_semantics<subcore_parallel>], iteration_bounds = array<i64: 2, 16>, scalar_prefetch = 0 : i64, scratch_operands = 16 : i64, tpu.core_type = #tpu.core_type<sc_vector_subcore>, window_params = [{transform_indices = #map}, {transform_indices = #map}, {transform_indices = #map}, {transform_indices = #map}]} {
    %scan3A = arith.constant 0 : i32
    %scan3A_0 = arith.constant 0 : i32
    %scan3A_1 = arith.constant 128 : i32
    %scan3A_2 = arith.addi %scan3A_0, %scan3A_1 : i32
    %scan3A_3 = arith.constant 1 : i32
    %scan3A_4 = scf.for %scan3A_110 = %scan3A_0 to %scan3A_2 step %scan3A_3 iter_args(%scan3A_111 = %scan3A) -> (i32)  : i32 {
      %jit3A = arith.constant 1 : i32
      %div3A = arith.divsi %scan3A_110, %jit3A : i32
      %sign3A = arith.constant 0 : i32
      %sign3A_112 = arith.cmpi sgt, %scan3A_110, %sign3A : i32
      %sign3A_113 = arith.extui %sign3A_112 : i1 to i32
      %sign3A_114 = arith.constant 0 : i32
      %sign3A_115 = arith.cmpi slt, %scan3A_110, %sign3A_114 : i32
      %sign3A_116 = arith.extui %sign3A_115 : i1 to i32
      %sign3A_117 = arith.subi %sign3A_113, %sign3A_116 : i32
      %sign3A_118 = arith.constant 0 : i32
      %sign3A_119 = arith.cmpi sgt, %jit3A, %sign3A_118 : i32
      %sign3A_120 = arith.extui %sign3A_119 : i1 to i32
      %sign3A_121 = arith.constant 0 : i32
      %sign3A_122 = arith.cmpi slt, %jit3A, %sign3A_121 : i32
      %sign3A_123 = arith.extui %sign3A_122 : i1 to i32
      %sign3A_124 = arith.subi %sign3A_120, %sign3A_123 : i32
      %ne3A = arith.cmpi ne, %sign3A_117, %sign3A_124 : i32
      %rem3A = arith.remsi %scan3A_110, %jit3A : i32
      %ne3A_125 = arith.constant 0 : i32
      %ne3A_126 = arith.cmpi ne, %rem3A, %ne3A_125 : i32
      %and3A = arith.andi %ne3A, %ne3A_126 : i1
      %sub3A = arith.constant 1 : i32
      %sub3A_127 = arith.subi %div3A, %sub3A : i32
      %select_n3A = arith.select %and3A, %sub3A_127, %div3A : i32
      %jit3A_128 = arith.constant 1 : i32
      %eq3A = arith.constant 0 : i32
      %eq3A_129 = arith.cmpi eq, %jit3A_128, %eq3A : i32
      %jit3A_130 = arith.constant 1 : i32
      %select_n3A_131 = arith.select %eq3A_129, %jit3A_130, %jit3A_128 : i32
      %rem3A_132 = arith.remsi %scan3A_110, %select_n3A_131 : i32
      %ne3A_133 = arith.constant 0 : i32
      %ne3A_134 = arith.cmpi ne, %rem3A_132, %ne3A_133 : i32
      %lt3A = arith.constant 0 : i32
      %lt3A_135 = arith.cmpi slt, %rem3A_132, %lt3A : i32
      %lt3A_136 = arith.constant 0 : i32
      %lt3A_137 = arith.cmpi slt, %select_n3A_131, %lt3A_136 : i32
      %ne3A_138 = arith.xori %lt3A_135, %lt3A_137 : i1
      %and3A_139 = arith.andi %ne3A_138, %ne3A_134 : i1
      %add3A_140 = arith.addi %rem3A_132, %select_n3A_131 : i32
      %select_n3A_141 = arith.select %and3A_139, %add3A_140, %rem3A_132 : i32
      %broadcast_in_dim3A = arith.constant 0.000000e+00 : bf16
      %broadcast_in_dim3A_142 = vector.broadcast %broadcast_in_dim3A : bf16 to vector<32xbf16>
      %mul3A_143 = arith.constant 32 : i32
      %mul3A_144 = arith.muli %select_n3A_141, %mul3A_143 : i32
      %swap3A = arith.index_cast %select_n3A : i32 to index
      %swap3A_145 = arith.index_cast %mul3A_144 : i32 to index
      %swap3A_146 = tpu.vector_load %arg8[%swap3A, %swap3A_145] {strides = array<i32>} : memref<128x32xbf16, #tpu.memory_space<vmem>>, vector<1x32xbf16>,
      %swap3A_147 = vector.shape_cast %swap3A_146 : vector<1x32xbf16> to vector<32xbf16>
      %swap3A_148 = vector.shape_cast %broadcast_in_dim3A_142 : vector<32xbf16> to vector<1x32xbf16>
      tpu.vector_store %arg8[%swap3A, %swap3A_145], %swap3A_148 {strides = array<i32>} : memref<128x32xbf16, #tpu.memory_space<vmem>>, vector<1x32xbf16>,
      %scan3A_149 = arith.constant 0 : i32
      scf.yield %scan3A_149 : i32
    }
    %scan3A_5 = arith.constant 128 : i32
    %mul3A = arith.constant 640 : i32
    %mul3A_6 = arith.muli %arg1, %mul3A : i32
    %add3A = arith.constant 0 : i32
    %add3A_7 = arith.addi %mul3A_6, %add3A : i32
    "tpu.region"() ({
      %run_scoped3A = tpu.sem_alloc : memref<!tpu.dma_semaphore, #tpu.memory_space<semaphore_mem>>
      %dma_start3A_110 = arith.constant 0 : i32
      %dma_start3A_111 = tpu.memref_slice %arg12[%add3A_7, %dma_start3A_110] : memref<10240x32xbf16, #tpu.memory_space<vmem_shared>> -> memref<128x32xbf16, #tpu.memory_space<vmem_shared>>
      %dma_start3A_112 = arith.constant 0 : i32
      %dma_start3A_113 = tpu.memref_slice %arg12[%add3A_7, %dma_start3A_112] : memref<10240x32xbf16, #tpu.memory_space<vmem_shared>> -> memref<128x32xbf16, #tpu.memory_space<vmem_shared>>
      tpu.enqueue_dma source(%arg8 : memref<128x32xbf16, #tpu.memory_space<vmem>>) target(%dma_start3A_113 : memref<128x32xbf16, #tpu.memory_space<vmem_shared>>) target_semaphore(%run_scoped3A : memref<!tpu.dma_semaphore, #tpu.memory_space<semaphore_mem>>)
      %dma_wait3A_114 = arith.constant 0 : i32
      %dma_wait3A_115 = tpu.memref_slice %arg12[%add3A_7, %dma_wait3A_114] : memref<10240x32xbf16, #tpu.memory_space<vmem_shared>> -> memref<128x32xbf16, #tpu.memory_space<vmem_shared>>
      %dma_wait3A_116 = arith.constant 0 : i32
      %dma_wait3A_117 = tpu.memref_slice %arg12[%add3A_7, %dma_wait3A_116] : memref<10240x32xbf16, #tpu.memory_space<vmem_shared>> -> memref<128x32xbf16, #tpu.memory_space<vmem_shared>>
      tpu.wait_dma2 semaphore(%run_scoped3A : memref<!tpu.dma_semaphore, #tpu.memory_space<semaphore_mem>>) src(%arg8 : memref<128x32xbf16, #tpu.memory_space<vmem>>) dst(%dma_wait3A_117 : memref<128x32xbf16, #tpu.memory_space<vmem_shared>>)
      tpu.yield
    }) : () -> ()
    %mul3A_8 = arith.constant 640 : i32
    %mul3A_9 = arith.muli %arg1, %mul3A_8 : i32
    %add3A_10 = arith.constant 128 : i32
    %add3A_11 = arith.addi %mul3A_9, %add3A_10 : i32
    "tpu.region"() ({
      %run_scoped3A = tpu.sem_alloc : memref<!tpu.dma_semaphore, #tpu.memory_space<semaphore_mem>>
      %dma_start3A_110 = arith.constant 0 : i32
      %dma_start3A_111 = tpu.memref_slice %arg12[%add3A_11, %dma_start3A_110] : memref<10240x32xbf16, #tpu.memory_space<vmem_shared>> -> memref<128x32xbf16, #tpu.memory_space<vmem_shared>>
      %dma_start3A_112 = arith.constant 0 : i32
      %dma_start3A_113 = tpu.memref_slice %arg12[%add3A_11, %dma_start3A_112] : memref<10240x32xbf16, #tpu.memory_space<vmem_shared>> -> memref<128x32xbf16, #tpu.memory_space<vmem_shared>>
      tpu.enqueue_dma source(%arg8 : memref<128x32xbf16, #tpu.memory_space<vmem>>) target(%dma_start3A_113 : memref<128x32xbf16, #tpu.memory_space<vmem_shared>>) target_semaphore(%run_scoped3A : memref<!tpu.dma_semaphore, #tpu.memory_space<semaphore_mem>>)
      %dma_wait3A_114 = arith.constant 0 : i32
      %dma_wait3A_115 = tpu.memref_slice %arg12[%add3A_11, %dma_wait3A_114] : memref<10240x32xbf16, #tpu.memory_space<vmem_shared>> -> memref<128x32xbf16, #tpu.memory_space<vmem_shared>>
      %dma_wait3A_116 = arith.constant 0 : i32
      %dma_wait3A_117 = tpu.memref_slice %arg12[%add3A_11, %dma_wait3A_116] : memref<10240x32xbf16, #tpu.memory_space<vmem_shared>> -> memref<128x32xbf16, #tpu.memory_space<vmem_shared>>
      tpu.wait_dma2 semaphore(%run_scoped3A : memref<!tpu.dma_semaphore, #tpu.memory_space<semaphore_mem>>) src(%arg8 : memref<128x32xbf16, #tpu.memory_space<vmem>>) dst(%dma_wait3A_117 : memref<128x32xbf16, #tpu.memory_space<vmem_shared>>)
      tpu.yield
    }) : () -> ()
    %mul3A_12 = arith.constant 640 : i32
    %mul3A_13 = arith.muli %arg1, %mul3A_12 : i32
    %add3A_14 = arith.constant 256 : i32
    %add3A_15 = arith.addi %mul3A_13, %add3A_14 : i32
    "tpu.region"() ({
      %run_scoped3A = tpu.sem_alloc : memref<!tpu.dma_semaphore, #tpu.memory_space<semaphore_mem>>
      %dma_start3A_110 = arith.constant 0 : i32
      %dma_start3A_111 = tpu.memref_slice %arg12[%add3A_15, %dma_start3A_110] : memref<10240x32xbf16, #tpu.memory_space<vmem_shared>> -> memref<128x32xbf16, #tpu.memory_space<vmem_shared>>
      %dma_start3A_112 = arith.constant 0 : i32
      %dma_start3A_113 = tpu.memref_slice %arg12[%add3A_15, %dma_start3A_112] : memref<10240x32xbf16, #tpu.memory_space<vmem_shared>> -> memref<128x32xbf16, #tpu.memory_space<vmem_shared>>
      tpu.enqueue_dma source(%arg8 : memref<128x32xbf16, #tpu.memory_space<vmem>>) target(%dma_start3A_113 : memref<128x32xbf16, #tpu.memory_space<vmem_shared>>) target_semaphore(%run_scoped3A : memref<!tpu.dma_semaphore, #tpu.memory_space<semaphore_mem>>)
      %dma_wait3A_114 = arith.constant 0 : i32
      %dma_wait3A_115 = tpu.memref_slice %arg12[%add3A_15, %dma_wait3A_114] : memref<10240x32xbf16, #tpu.memory_space<vmem_shared>> -> memref<128x32xbf16, #tpu.memory_space<vmem_shared>>
      %dma_wait3A_116 = arith.constant 0 : i32
      %dma_wait3A_117 = tpu.memref_slice %arg12[%add3A_15, %dma_wait3A_116] : memref<10240x32xbf16, #tpu.memory_space<vmem_shared>> -> memref<128x32xbf16, #tpu.memory_space<vmem_shared>>
      tpu.wait_dma2 semaphore(%run_scoped3A : memref<!tpu.dma_semaphore, #tpu.memory_space<semaphore_mem>>) src(%arg8 : memref<128x32xbf16, #tpu.memory_space<vmem>>) dst(%dma_wait3A_117 : memref<128x32xbf16, #tpu.memory_space<vmem_shared>>)
      tpu.yield
    }) : () -> ()
    %mul3A_16 = arith.constant 640 : i32
    %mul3A_17 = arith.muli %arg1, %mul3A_16 : i32
    %add3A_18 = arith.constant 384 : i32
    %add3A_19 = arith.addi %mul3A_17, %add3A_18 : i32
    "tpu.region"() ({
      %run_scoped3A = tpu.sem_alloc : memref<!tpu.dma_semaphore, #tpu.memory_space<semaphore_mem>>
      %dma_start3A_110 = arith.constant 0 : i32
      %dma_start3A_111 = tpu.memref_slice %arg12[%add3A_19, %dma_start3A_110] : memref<10240x32xbf16, #tpu.memory_space<vmem_shared>> -> memref<128x32xbf16, #tpu.memory_space<vmem_shared>>
      %dma_start3A_112 = arith.constant 0 : i32
      %dma_start3A_113 = tpu.memref_slice %arg12[%add3A_19, %dma_start3A_112] : memref<10240x32xbf16, #tpu.memory_space<vmem_shared>> -> memref<128x32xbf16, #tpu.memory_space<vmem_shared>>
      tpu.enqueue_dma source(%arg8 : memref<128x32xbf16, #tpu.memory_space<vmem>>) target(%dma_start3A_113 : memref<128x32xbf16, #tpu.memory_space<vmem_shared>>) target_semaphore(%run_scoped3A : memref<!tpu.dma_semaphore, #tpu.memory_space<semaphore_mem>>)
      %dma_wait3A_114 = arith.constant 0 : i32
      %dma_wait3A_115 = tpu.memref_slice %arg12[%add3A_19, %dma_wait3A_114] : memref<10240x32xbf16, #tpu.memory_space<vmem_shared>> -> memref<128x32xbf16, #tpu.memory_space<vmem_shared>>
      %dma_wait3A_116 = arith.constant 0 : i32
      %dma_wait3A_117 = tpu.memref_slice %arg12[%add3A_19, %dma_wait3A_116] : memref<10240x32xbf16, #tpu.memory_space<vmem_shared>> -> memref<128x32xbf16, #tpu.memory_space<vmem_shared>>
      tpu.wait_dma2 semaphore(%run_scoped3A : memref<!tpu.dma_semaphore, #tpu.memory_space<semaphore_mem>>) src(%arg8 : memref<128x32xbf16, #tpu.memory_space<vmem>>) dst(%dma_wait3A_117 : memref<128x32xbf16, #tpu.memory_space<vmem_shared>>)
      tpu.yield
    }) : () -> ()
    %mul3A_20 = arith.constant 640 : i32
    %mul3A_21 = arith.muli %arg1, %mul3A_20 : i32
    %add3A_22 = arith.constant 512 : i32
    %add3A_23 = arith.addi %mul3A_21, %add3A_22 : i32
    "tpu.region"() ({
      %run_scoped3A = tpu.sem_alloc : memref<!tpu.dma_semaphore, #tpu.memory_space<semaphore_mem>>
      %dma_start3A_110 = arith.constant 0 : i32
      %dma_start3A_111 = tpu.memref_slice %arg12[%add3A_23, %dma_start3A_110] : memref<10240x32xbf16, #tpu.memory_space<vmem_shared>> -> memref<128x32xbf16, #tpu.memory_space<vmem_shared>>
      %dma_start3A_112 = arith.constant 0 : i32
      %dma_start3A_113 = tpu.memref_slice %arg12[%add3A_23, %dma_start3A_112] : memref<10240x32xbf16, #tpu.memory_space<vmem_shared>> -> memref<128x32xbf16, #tpu.memory_space<vmem_shared>>
      tpu.enqueue_dma source(%arg8 : memref<128x32xbf16, #tpu.memory_space<vmem>>) target(%dma_start3A_113 : memref<128x32xbf16, #tpu.memory_space<vmem_shared>>) target_semaphore(%run_scoped3A : memref<!tpu.dma_semaphore, #tpu.memory_space<semaphore_mem>>)
      %dma_wait3A_114 = arith.constant 0 : i32
      %dma_wait3A_115 = tpu.memref_slice %arg12[%add3A_23, %dma_wait3A_114] : memref<10240x32xbf16, #tpu.memory_space<vmem_shared>> -> memref<128x32xbf16, #tpu.memory_space<vmem_shared>>
      %dma_wait3A_116 = arith.constant 0 : i32
      %dma_wait3A_117 = tpu.memref_slice %arg12[%add3A_23, %dma_wait3A_116] : memref<10240x32xbf16, #tpu.memory_space<vmem_shared>> -> memref<128x32xbf16, #tpu.memory_space<vmem_shared>>
      tpu.wait_dma2 semaphore(%run_scoped3A : memref<!tpu.dma_semaphore, #tpu.memory_space<semaphore_mem>>) src(%arg8 : memref<128x32xbf16, #tpu.memory_space<vmem>>) dst(%dma_wait3A_117 : memref<128x32xbf16, #tpu.memory_space<vmem_shared>>)
      tpu.yield
    }) : () -> ()
    %mul3A_24 = arith.constant 625 : i32
    %mul3A_25 = arith.muli %arg1, %mul3A_24 : i32
    %mul3A_26 = arith.constant 625 : i32
    %mul3A_27 = arith.muli %arg1, %mul3A_26 : i32
    "tpu.region"() ({
      %run_scoped3A = tpu.sem_alloc : memref<!tpu.dma_semaphore, #tpu.memory_space<semaphore_mem>>
      %dma_start3A_110 = arith.constant 0 : i32
      %dma_start3A_111 = tpu.memref_slice %arg21[%mul3A_27, %dma_start3A_110] : memref<10000x32xbf16, #tpu.memory_space<vmem_shared>> -> memref<625x32xbf16, #tpu.memory_space<vmem_shared>>
      %dma_start3A_112 = arith.constant 0 : i32
      %dma_start3A_113 = tpu.memref_slice %arg2[%arg0, %mul3A_25, %dma_start3A_112] : memref<2x10000x32xbf16, #tpu.memory_space<hbm>> -> memref<1x625x32xbf16, #tpu.memory_space<hbm>>
      %dma_start3A_114 = tpu.memref_squeeze %dma_start3A_113 : memref<1x625x32xbf16, #tpu.memory_space<hbm>> -> memref<625x32xbf16, #tpu.memory_space<hbm>>
      tpu.enqueue_dma source(%dma_start3A_114 : memref<625x32xbf16, #tpu.memory_space<hbm>>) target(%dma_start3A_111 : memref<625x32xbf16, #tpu.memory_space<vmem_shared>>) target_semaphore(%run_scoped3A : memref<!tpu.dma_semaphore, #tpu.memory_space<semaphore_mem>>)
      %dma_wait3A_115 = arith.constant 0 : i32
      %dma_wait3A_116 = tpu.memref_slice %arg21[%mul3A_27, %dma_wait3A_115] : memref<10000x32xbf16, #tpu.memory_space<vmem_shared>> -> memref<625x32xbf16, #tpu.memory_space<vmem_shared>>
      %dma_wait3A_117 = arith.constant 0 : i32
      %dma_wait3A_118 = tpu.memref_slice %arg2[%arg0, %mul3A_25, %dma_wait3A_117] : memref<2x10000x32xbf16, #tpu.memory_space<hbm>> -> memref<1x625x32xbf16, #tpu.memory_space<hbm>>
      %dma_wait3A_119 = tpu.memref_squeeze %dma_wait3A_118 : memref<1x625x32xbf16, #tpu.memory_space<hbm>> -> memref<625x32xbf16, #tpu.memory_space<hbm>>
      tpu.wait_dma2 semaphore(%run_scoped3A : memref<!tpu.dma_semaphore, #tpu.memory_space<semaphore_mem>>) src(%dma_wait3A_119 : memref<625x32xbf16, #tpu.memory_space<hbm>>) dst(%dma_wait3A_116 : memref<625x32xbf16, #tpu.memory_space<vmem_shared>>)
      tpu.yield
    }) : () -> ()
    %barrier3A = arith.constant 0 : index
    tpu.barrier barrier_id(%barrier3A)
    "tpu.region"() ({
      %run_scoped3A = tpu.sem_alloc : memref<!tpu.dma_semaphore, #tpu.memory_space<semaphore_mem>>
      %dma_start3A_110 = arith.constant 0 : i32
      %dma_start3A_111 = arith.constant 0 : i32
      %dma_start3A_112 = tpu.memref_slice %arg3[%arg1, %dma_start3A_110, %dma_start3A_111] : memref<16x160x128xi32, #tpu.memory_space<hbm>> -> memref<1x160x128xi32, #tpu.memory_space<hbm>>
      %dma_start3A_113 = tpu.memref_squeeze %dma_start3A_112 : memref<1x160x128xi32, #tpu.memory_space<hbm>> -> memref<160x128xi32, #tpu.memory_space<hbm>>
      %dma_start3A_114 = arith.constant 0 : i32
      %dma_start3A_115 = arith.constant 0 : i32
      %dma_start3A_116 = tpu.memref_slice %arg3[%arg1, %dma_start3A_114, %dma_start3A_115] : memref<16x160x128xi32, #tpu.memory_space<hbm>> -> memref<1x160x128xi32, #tpu.memory_space<hbm>>
      %dma_start3A_117 = tpu.memref_squeeze %dma_start3A_116 : memref<1x160x128xi32, #tpu.memory_space<hbm>> -> memref<160x128xi32, #tpu.memory_space<hbm>>
      tpu.enqueue_dma source(%dma_start3A_117 : memref<160x128xi32, #tpu.memory_space<hbm>>) target(%arg6 : memref<160x128xi32, #tpu.memory_space<vmem>>) target_semaphore(%run_scoped3A : memref<!tpu.dma_semaphore, #tpu.memory_space<semaphore_mem>>)
      %dma_wait3A_118 = arith.constant 0 : i32
      %dma_wait3A_119 = arith.constant 0 : i32
      %dma_wait3A_120 = tpu.memref_slice %arg3[%arg1, %dma_wait3A_118, %dma_wait3A_119] : memref<16x160x128xi32, #tpu.memory_space<hbm>> -> memref<1x160x128xi32, #tpu.memory_space<hbm>>
      %dma_wait3A_121 = tpu.memref_squeeze %dma_wait3A_120 : memref<1x160x128xi32, #tpu.memory_space<hbm>> -> memref<160x128xi32, #tpu.memory_space<hbm>>
      %dma_wait3A_122 = arith.constant 0 : i32
      %dma_wait3A_123 = arith.constant 0 : i32
      %dma_wait3A_124 = tpu.memref_slice %arg3[%arg1, %dma_wait3A_122, %dma_wait3A_123] : memref<16x160x128xi32, #tpu.memory_space<hbm>> -> memref<1x160x128xi32, #tpu.memory_space<hbm>>
      %dma_wait3A_125 = tpu.memref_squeeze %dma_wait3A_124 : memref<1x160x128xi32, #tpu.memory_space<hbm>> -> memref<160x128xi32, #tpu.memory_space<hbm>>
      tpu.wait_dma2 semaphore(%run_scoped3A : memref<!tpu.dma_semaphore, #tpu.memory_space<semaphore_mem>>) src(%dma_wait3A_125 : memref<160x128xi32, #tpu.memory_space<hbm>>) dst(%arg6 : memref<160x128xi32, #tpu.memory_space<vmem>>)
      tpu.yield
    }) : () -> ()
    "tpu.region"() ({
      %run_scoped3A = tpu.sem_alloc : memref<!tpu.dma_semaphore, #tpu.memory_space<semaphore_mem>>
      %dma_start3A_110 = arith.constant 0 : i32
      %dma_start3A_111 = arith.constant 0 : i32
      %dma_start3A_112 = tpu.memref_slice %arg4[%arg1, %dma_start3A_110, %dma_start3A_111] : memref<16x160x128xi32, #tpu.memory_space<hbm>> -> memref<1x160x128xi32, #tpu.memory_space<hbm>>
      %dma_start3A_113 = tpu.memref_squeeze %dma_start3A_112 : memref<1x160x128xi32, #tpu.memory_space<hbm>> -> memref<160x128xi32, #tpu.memory_space<hbm>>
      %dma_start3A_114 = arith.constant 0 : i32
      %dma_start3A_115 = arith.constant 0 : i32
      %dma_start3A_116 = tpu.memref_slice %arg4[%arg1, %dma_start3A_114, %dma_start3A_115] : memref<16x160x128xi32, #tpu.memory_space<hbm>> -> memref<1x160x128xi32, #tpu.memory_space<hbm>>
      %dma_start3A_117 = tpu.memref_squeeze %dma_start3A_116 : memref<1x160x128xi32, #tpu.memory_space<hbm>> -> memref<160x128xi32, #tpu.memory_space<hbm>>
      tpu.enqueue_dma source(%dma_start3A_117 : memref<160x128xi32, #tpu.memory_space<hbm>>) target(%arg7 : memref<160x128xi32, #tpu.memory_space<vmem>>) target_semaphore(%run_scoped3A : memref<!tpu.dma_semaphore, #tpu.memory_space<semaphore_mem>>)
      %dma_wait3A_118 = arith.constant 0 : i32
      %dma_wait3A_119 = arith.constant 0 : i32
      %dma_wait3A_120 = tpu.memref_slice %arg4[%arg1, %dma_wait3A_118, %dma_wait3A_119] : memref<16x160x128xi32, #tpu.memory_space<hbm>> -> memref<1x160x128xi32, #tpu.memory_space<hbm>>
      %dma_wait3A_121 = tpu.memref_squeeze %dma_wait3A_120 : memref<1x160x128xi32, #tpu.memory_space<hbm>> -> memref<160x128xi32, #tpu.memory_space<hbm>>
      %dma_wait3A_122 = arith.constant 0 : i32
      %dma_wait3A_123 = arith.constant 0 : i32
      %dma_wait3A_124 = tpu.memref_slice %arg4[%arg1, %dma_wait3A_122, %dma_wait3A_123] : memref<16x160x128xi32, #tpu.memory_space<hbm>> -> memref<1x160x128xi32, #tpu.memory_space<hbm>>
      %dma_wait3A_125 = tpu.memref_squeeze %dma_wait3A_124 : memref<1x160x128xi32, #tpu.memory_space<hbm>> -> memref<160x128xi32, #tpu.memory_space<hbm>>
      tpu.wait_dma2 semaphore(%run_scoped3A : memref<!tpu.dma_semaphore, #tpu.memory_space<semaphore_mem>>) src(%dma_wait3A_125 : memref<160x128xi32, #tpu.memory_space<hbm>>) dst(%arg7 : memref<160x128xi32, #tpu.memory_space<vmem>>)
      tpu.yield
    }) : () -> ()
    %dma_start3A = arith.constant 0 : i32
    %dma_start3A_28 = arith.constant 0 : i32
    %dma_start3A_29 = tpu.memref_slice %arg6[%dma_start3A, %dma_start3A_28] : memref<160x128xi32, #tpu.memory_space<vmem>> -> memref<1x128xi32, #tpu.memory_space<vmem>>
    %dma_start3A_30 = tpu.memref_squeeze %dma_start3A_29 : memref<1x128xi32, #tpu.memory_space<vmem>> -> memref<128xi32, #tpu.memory_space<vmem>>
    %dma_start3A_31 = arith.constant 0 : i32
    %dma_start3A_32 = arith.constant 0 : i32
    %dma_start3A_33 = tpu.memref_slice %arg21[%dma_start3A_31, %dma_start3A_32] : memref<10000x32xbf16, #tpu.memory_space<vmem_shared>> -> memref<10000x32xbf16, #tpu.memory_space<vmem_shared>>
    tpu.enqueue_indirect_dma source(%dma_start3A_33 : memref<10000x32xbf16, #tpu.memory_space<vmem_shared>>) target(%arg8 : memref<128x32xbf16, #tpu.memory_space<vmem>>) offsets(%dma_start3A_30 : memref<128xi32, #tpu.memory_space<vmem>>) semaphore(%arg13 : memref<!tpu.dma_semaphore, #tpu.memory_space<semaphore_mem>>)
    %dma_start3A_34 = arith.constant 1 : i32
    %dma_start3A_35 = arith.constant 0 : i32
    %dma_start3A_36 = tpu.memref_slice %arg6[%dma_start3A_34, %dma_start3A_35] : memref<160x128xi32, #tpu.memory_space<vmem>> -> memref<1x128xi32, #tpu.memory_space<vmem>>
    %dma_start3A_37 = tpu.memref_squeeze %dma_start3A_36 : memref<1x128xi32, #tpu.memory_space<vmem>> -> memref<128xi32, #tpu.memory_space<vmem>>
    %dma_start3A_38 = arith.constant 0 : i32
    %dma_start3A_39 = arith.constant 0 : i32
    %dma_start3A_40 = tpu.memref_slice %arg21[%dma_start3A_38, %dma_start3A_39] : memref<10000x32xbf16, #tpu.memory_space<vmem_shared>> -> memref<10000x32xbf16, #tpu.memory_space<vmem_shared>>
    tpu.enqueue_indirect_dma source(%dma_start3A_40 : memref<10000x32xbf16, #tpu.memory_space<vmem_shared>>) target(%arg9 : memref<128x32xbf16, #tpu.memory_space<vmem>>) offsets(%dma_start3A_37 : memref<128xi32, #tpu.memory_space<vmem>>) semaphore(%arg14 : memref<!tpu.dma_semaphore, #tpu.memory_space<semaphore_mem>>)
    %dma_start3A_41 = arith.constant 2 : i32
    %dma_start3A_42 = arith.constant 0 : i32
    %dma_start3A_43 = tpu.memref_slice %arg6[%dma_start3A_41, %dma_start3A_42] : memref<160x128xi32, #tpu.memory_space<vmem>> -> memref<1x128xi32, #tpu.memory_space<vmem>>
    %dma_start3A_44 = tpu.memref_squeeze %dma_start3A_43 : memref<1x128xi32, #tpu.memory_space<vmem>> -> memref<128xi32, #tpu.memory_space<vmem>>
    %dma_start3A_45 = arith.constant 0 : i32
    %dma_start3A_46 = arith.constant 0 : i32
    %dma_start3A_47 = tpu.memref_slice %arg21[%dma_start3A_45, %dma_start3A_46] : memref<10000x32xbf16, #tpu.memory_space<vmem_shared>> -> memref<10000x32xbf16, #tpu.memory_space<vmem_shared>>
    tpu.enqueue_indirect_dma source(%dma_start3A_47 : memref<10000x32xbf16, #tpu.memory_space<vmem_shared>>) target(%arg10 : memref<128x32xbf16, #tpu.memory_space<vmem>>) offsets(%dma_start3A_44 : memref<128xi32, #tpu.memory_space<vmem>>) semaphore(%arg15 : memref<!tpu.dma_semaphore, #tpu.memory_space<semaphore_mem>>)
    %dma_start3A_48 = arith.constant 3 : i32
    %dma_start3A_49 = arith.constant 0 : i32
    %dma_start3A_50 = tpu.memref_slice %arg6[%dma_start3A_48, %dma_start3A_49] : memref<160x128xi32, #tpu.memory_space<vmem>> -> memref<1x128xi32, #tpu.memory_space<vmem>>
    %dma_start3A_51 = tpu.memref_squeeze %dma_start3A_50 : memref<1x128xi32, #tpu.memory_space<vmem>> -> memref<128xi32, #tpu.memory_space<vmem>>
    %dma_start3A_52 = arith.constant 0 : i32
    %dma_start3A_53 = arith.constant 0 : i32
    %dma_start3A_54 = tpu.memref_slice %arg21[%dma_start3A_52, %dma_start3A_53] : memref<10000x32xbf16, #tpu.memory_space<vmem_shared>> -> memref<10000x32xbf16, #tpu.memory_space<vmem_shared>>
    tpu.enqueue_indirect_dma source(%dma_start3A_54 : memref<10000x32xbf16, #tpu.memory_space<vmem_shared>>) target(%arg11 : memref<128x32xbf16, #tpu.memory_space<vmem>>) offsets(%dma_start3A_51 : memref<128xi32, #tpu.memory_space<vmem>>) semaphore(%arg16 : memref<!tpu.dma_semaphore, #tpu.memory_space<semaphore_mem>>)
    %scan3A_55 = arith.constant 0 : i32
    %scan3A_56 = arith.constant 0 : i32
    %scan3A_57 = arith.constant 40 : i32
    %scan3A_58 = arith.addi %scan3A_56, %scan3A_57 : i32
    %scan3A_59 = arith.constant 1 : i32
    %scan3A_60 = scf.for %scan3A_110 = %scan3A_56 to %scan3A_58 step %scan3A_59 iter_args(%scan3A_111 = %scan3A_55) -> (i32)  : i32 {
      %mul3A_112 = arith.constant 4 : i32
      %mul3A_113 = arith.muli %mul3A_112, %scan3A_110 : i32
      %add3A_114 = arith.constant 0 : i32
      %add3A_115 = arith.addi %mul3A_113, %add3A_114 : i32
      %dma_wait3A_116 = arith.constant 0 : i32
      %dma_wait3A_117 = arith.constant 0 : i32
      %dma_wait3A_118 = tpu.memref_slice %arg6[%dma_wait3A_116, %dma_wait3A_117] : memref<160x128xi32, #tpu.memory_space<vmem>> -> memref<1x128xi32, #tpu.memory_space<vmem>>
      %dma_wait3A_119 = tpu.memref_squeeze %dma_wait3A_118 : memref<1x128xi32, #tpu.memory_space<vmem>> -> memref<128xi32, #tpu.memory_space<vmem>>
      %dma_wait3A_120 = arith.constant 0 : i32
      %dma_wait3A_121 = arith.constant 0 : i32
      %dma_wait3A_122 = tpu.memref_slice %arg21[%dma_wait3A_120, %dma_wait3A_121] : memref<10000x32xbf16, #tpu.memory_space<vmem_shared>> -> memref<10000x32xbf16, #tpu.memory_space<vmem_shared>>
      tpu.wait_indirect_dma semaphore(%arg13 : memref<!tpu.dma_semaphore, #tpu.memory_space<semaphore_mem>>) src(%dma_wait3A_122 : memref<10000x32xbf16, #tpu.memory_space<vmem_shared>>) dst(%arg8 : memref<128x32xbf16, #tpu.memory_space<vmem>>)
      %dma_start3A_123 = arith.constant 0 : i32
      %dma_start3A_124 = tpu.memref_slice %arg7[%add3A_115, %dma_start3A_123] : memref<160x128xi32, #tpu.memory_space<vmem>> -> memref<1x128xi32, #tpu.memory_space<vmem>>
      %dma_start3A_125 = tpu.memref_squeeze %dma_start3A_124 : memref<1x128xi32, #tpu.memory_space<vmem>> -> memref<128xi32, #tpu.memory_space<vmem>>
      %dma_start3A_126 = arith.constant 0 : i32
      %dma_start3A_127 = arith.constant 0 : i32
      %dma_start3A_128 = tpu.memref_slice %arg12[%dma_start3A_126, %dma_start3A_127] : memref<10240x32xbf16, #tpu.memory_space<vmem_shared>> -> memref<10240x32xbf16, #tpu.memory_space<vmem_shared>>
      tpu.enqueue_indirect_dma source(%arg8 : memref<128x32xbf16, #tpu.memory_space<vmem>>) target(%dma_start3A_128 : memref<10240x32xbf16, #tpu.memory_space<vmem_shared>>) offsets(%dma_start3A_125 : memref<128xi32, #tpu.memory_space<vmem>>) semaphore(%arg17 : memref<!tpu.dma_semaphore, #tpu.memory_space<semaphore_mem>>) {add = true}
      %add3A_129 = arith.constant 4 : i32
      %add3A_130 = arith.addi %add3A_115, %add3A_129 : i32
      %lt3A = arith.constant 160 : i32
      %lt3A_131 = arith.cmpi slt, %add3A_130, %lt3A : i32
      %add3A_132 = arith.constant 4 : i32
      %add3A_133 = arith.addi %add3A_115, %add3A_132 : i32
      %jit3A = arith.constant 0 : i32
      %select_n3A = arith.select %lt3A_131, %add3A_133, %jit3A : i32
      %dma_wait3A_134 = arith.constant 0 : i32
      %dma_wait3A_135 = arith.constant 0 : i32
      %dma_wait3A_136 = tpu.memref_slice %arg7[%dma_wait3A_134, %dma_wait3A_135] : memref<160x128xi32, #tpu.memory_space<vmem>> -> memref<1x128xi32, #tpu.memory_space<vmem>>
      %dma_wait3A_137 = tpu.memref_squeeze %dma_wait3A_136 : memref<1x128xi32, #tpu.memory_space<vmem>> -> memref<128xi32, #tpu.memory_space<vmem>>
      %dma_wait3A_138 = arith.constant 0 : i32
      %dma_wait3A_139 = arith.constant 0 : i32
      %dma_wait3A_140 = tpu.memref_slice %arg12[%dma_wait3A_138, %dma_wait3A_139] : memref<10240x32xbf16, #tpu.memory_space<vmem_shared>> -> memref<10240x32xbf16, #tpu.memory_space<vmem_shared>>
      tpu.wait_indirect_dma semaphore(%arg17 : memref<!tpu.dma_semaphore, #tpu.memory_space<semaphore_mem>>) src(%arg8 : memref<128x32xbf16, #tpu.memory_space<vmem>>) dst(%dma_wait3A_140 : memref<10240x32xbf16, #tpu.memory_space<vmem_shared>>)
      %dma_start3A_141 = arith.constant 0 : i32
      %dma_start3A_142 = tpu.memref_slice %arg6[%select_n3A, %dma_start3A_141] : memref<160x128xi32, #tpu.memory_space<vmem>> -> memref<1x128xi32, #tpu.memory_space<vmem>>
      %dma_start3A_143 = tpu.memref_squeeze %dma_start3A_142 : memref<1x128xi32, #tpu.memory_space<vmem>> -> memref<128xi32, #tpu.memory_space<vmem>>
      %dma_start3A_144 = arith.constant 0 : i32
      %dma_start3A_145 = arith.constant 0 : i32
      %dma_start3A_146 = tpu.memref_slice %arg21[%dma_start3A_144, %dma_start3A_145] : memref<10000x32xbf16, #tpu.memory_space<vmem_shared>> -> memref<10000x32xbf16, #tpu.memory_space<vmem_shared>>
      tpu.enqueue_indirect_dma source(%dma_start3A_146 : memref<10000x32xbf16, #tpu.memory_space<vmem_shared>>) target(%arg8 : memref<128x32xbf16, #tpu.memory_space<vmem>>) offsets(%dma_start3A_143 : memref<128xi32, #tpu.memory_space<vmem>>) semaphore(%arg13 : memref<!tpu.dma_semaphore, #tpu.memory_space<semaphore_mem>>)
      %mul3A_147 = arith.constant 4 : i32
      %mul3A_148 = arith.muli %mul3A_147, %scan3A_110 : i32
      %add3A_149 = arith.constant 1 : i32
      %add3A_150 = arith.addi %mul3A_148, %add3A_149 : i32
      %dma_wait3A_151 = arith.constant 0 : i32
      %dma_wait3A_152 = arith.constant 0 : i32
      %dma_wait3A_153 = tpu.memref_slice %arg6[%dma_wait3A_151, %dma_wait3A_152] : memref<160x128xi32, #tpu.memory_space<vmem>> -> memref<1x128xi32, #tpu.memory_space<vmem>>
      %dma_wait3A_154 = tpu.memref_squeeze %dma_wait3A_153 : memref<1x128xi32, #tpu.memory_space<vmem>> -> memref<128xi32, #tpu.memory_space<vmem>>
      %dma_wait3A_155 = arith.constant 0 : i32
      %dma_wait3A_156 = arith.constant 0 : i32
      %dma_wait3A_157 = tpu.memref_slice %arg21[%dma_wait3A_155, %dma_wait3A_156] : memref<10000x32xbf16, #tpu.memory_space<vmem_shared>> -> memref<10000x32xbf16, #tpu.memory_space<vmem_shared>>
      tpu.wait_indirect_dma semaphore(%arg14 : memref<!tpu.dma_semaphore, #tpu.memory_space<semaphore_mem>>) src(%dma_wait3A_157 : memref<10000x32xbf16, #tpu.memory_space<vmem_shared>>) dst(%arg9 : memref<128x32xbf16, #tpu.memory_space<vmem>>)
      %dma_start3A_158 = arith.constant 0 : i32
      %dma_start3A_159 = tpu.memref_slice %arg7[%add3A_150, %dma_start3A_158] : memref<160x128xi32, #tpu.memory_space<vmem>> -> memref<1x128xi32, #tpu.memory_space<vmem>>
      %dma_start3A_160 = tpu.memref_squeeze %dma_start3A_159 : memref<1x128xi32, #tpu.memory_space<vmem>> -> memref<128xi32, #tpu.memory_space<vmem>>
      %dma_start3A_161 = arith.constant 0 : i32
      %dma_start3A_162 = arith.constant 0 : i32
      %dma_start3A_163 = tpu.memref_slice %arg12[%dma_start3A_161, %dma_start3A_162] : memref<10240x32xbf16, #tpu.memory_space<vmem_shared>> -> memref<10240x32xbf16, #tpu.memory_space<vmem_shared>>
      tpu.enqueue_indirect_dma source(%arg9 : memref<128x32xbf16, #tpu.memory_space<vmem>>) target(%dma_start3A_163 : memref<10240x32xbf16, #tpu.memory_space<vmem_shared>>) offsets(%dma_start3A_160 : memref<128xi32, #tpu.memory_space<vmem>>) semaphore(%arg18 : memref<!tpu.dma_semaphore, #tpu.memory_space<semaphore_mem>>) {add = true}
      %add3A_164 = arith.constant 4 : i32
      %add3A_165 = arith.addi %add3A_150, %add3A_164 : i32
      %lt3A_166 = arith.constant 160 : i32
      %lt3A_167 = arith.cmpi slt, %add3A_165, %lt3A_166 : i32
      %add3A_168 = arith.constant 4 : i32
      %add3A_169 = arith.addi %add3A_150, %add3A_168 : i32
      %jit3A_170 = arith.constant 0 : i32
      %select_n3A_171 = arith.select %lt3A_167, %add3A_169, %jit3A_170 : i32
      %dma_wait3A_172 = arith.constant 0 : i32
      %dma_wait3A_173 = arith.constant 0 : i32
      %dma_wait3A_174 = tpu.memref_slice %arg7[%dma_wait3A_172, %dma_wait3A_173] : memref<160x128xi32, #tpu.memory_space<vmem>> -> memref<1x128xi32, #tpu.memory_space<vmem>>
      %dma_wait3A_175 = tpu.memref_squeeze %dma_wait3A_174 : memref<1x128xi32, #tpu.memory_space<vmem>> -> memref<128xi32, #tpu.memory_space<vmem>>
      %dma_wait3A_176 = arith.constant 0 : i32
      %dma_wait3A_177 = arith.constant 0 : i32
      %dma_wait3A_178 = tpu.memref_slice %arg12[%dma_wait3A_176, %dma_wait3A_177] : memref<10240x32xbf16, #tpu.memory_space<vmem_shared>> -> memref<10240x32xbf16, #tpu.memory_space<vmem_shared>>
      tpu.wait_indirect_dma semaphore(%arg18 : memref<!tpu.dma_semaphore, #tpu.memory_space<semaphore_mem>>) src(%arg9 : memref<128x32xbf16, #tpu.memory_space<vmem>>) dst(%dma_wait3A_178 : memref<10240x32xbf16, #tpu.memory_space<vmem_shared>>)
      %dma_start3A_179 = arith.constant 0 : i32
      %dma_start3A_180 = tpu.memref_slice %arg6[%select_n3A_171, %dma_start3A_179] : memref<160x128xi32, #tpu.memory_space<vmem>> -> memref<1x128xi32, #tpu.memory_space<vmem>>
      %dma_start3A_181 = tpu.memref_squeeze %dma_start3A_180 : memref<1x128xi32, #tpu.memory_space<vmem>> -> memref<128xi32, #tpu.memory_space<vmem>>
      %dma_start3A_182 = arith.constant 0 : i32
      %dma_start3A_183 = arith.constant 0 : i32
      %dma_start3A_184 = tpu.memref_slice %arg21[%dma_start3A_182, %dma_start3A_183] : memref<10000x32xbf16, #tpu.memory_space<vmem_shared>> -> memref<10000x32xbf16, #tpu.memory_space<vmem_shared>>
      tpu.enqueue_indirect_dma source(%dma_start3A_184 : memref<10000x32xbf16, #tpu.memory_space<vmem_shared>>) target(%arg9 : memref<128x32xbf16, #tpu.memory_space<vmem>>) offsets(%dma_start3A_181 : memref<128xi32, #tpu.memory_space<vmem>>) semaphore(%arg14 : memref<!tpu.dma_semaphore, #tpu.memory_space<semaphore_mem>>)
      %mul3A_185 = arith.constant 4 : i32
      %mul3A_186 = arith.muli %mul3A_185, %scan3A_110 : i32
      %add3A_187 = arith.constant 2 : i32
      %add3A_188 = arith.addi %mul3A_186, %add3A_187 : i32
      %dma_wait3A_189 = arith.constant 0 : i32
      %dma_wait3A_190 = arith.constant 0 : i32
      %dma_wait3A_191 = tpu.memref_slice %arg6[%dma_wait3A_189, %dma_wait3A_190] : memref<160x128xi32, #tpu.memory_space<vmem>> -> memref<1x128xi32, #tpu.memory_space<vmem>>
      %dma_wait3A_192 = tpu.memref_squeeze %dma_wait3A_191 : memref<1x128xi32, #tpu.memory_space<vmem>> -> memref<128xi32, #tpu.memory_space<vmem>>
      %dma_wait3A_193 = arith.constant 0 : i32
      %dma_wait3A_194 = arith.constant 0 : i32
      %dma_wait3A_195 = tpu.memref_slice %arg21[%dma_wait3A_193, %dma_wait3A_194] : memref<10000x32xbf16, #tpu.memory_space<vmem_shared>> -> memref<10000x32xbf16, #tpu.memory_space<vmem_shared>>
      tpu.wait_indirect_dma semaphore(%arg15 : memref<!tpu.dma_semaphore, #tpu.memory_space<semaphore_mem>>) src(%dma_wait3A_195 : memref<10000x32xbf16, #tpu.memory_space<vmem_shared>>) dst(%arg10 : memref<128x32xbf16, #tpu.memory_space<vmem>>)
      %dma_start3A_196 = arith.constant 0 : i32
      %dma_start3A_197 = tpu.memref_slice %arg7[%add3A_188, %dma_start3A_196] : memref<160x128xi32, #tpu.memory_space<vmem>> -> memref<1x128xi32, #tpu.memory_space<vmem>>
      %dma_start3A_198 = tpu.memref_squeeze %dma_start3A_197 : memref<1x128xi32, #tpu.memory_space<vmem>> -> memref<128xi32, #tpu.memory_space<vmem>>
      %dma_start3A_199 = arith.constant 0 : i32
      %dma_start3A_200 = arith.constant 0 : i32
      %dma_start3A_201 = tpu.memref_slice %arg12[%dma_start3A_199, %dma_start3A_200] : memref<10240x32xbf16, #tpu.memory_space<vmem_shared>> -> memref<10240x32xbf16, #tpu.memory_space<vmem_shared>>
      tpu.enqueue_indirect_dma source(%arg10 : memref<128x32xbf16, #tpu.memory_space<vmem>>) target(%dma_start3A_201 : memref<10240x32xbf16, #tpu.memory_space<vmem_shared>>) offsets(%dma_start3A_198 : memref<128xi32, #tpu.memory_space<vmem>>) semaphore(%arg19 : memref<!tpu.dma_semaphore, #tpu.memory_space<semaphore_mem>>) {add = true}
      %add3A_202 = arith.constant 4 : i32
      %add3A_203 = arith.addi %add3A_188, %add3A_202 : i32
      %lt3A_204 = arith.constant 160 : i32
      %lt3A_205 = arith.cmpi slt, %add3A_203, %lt3A_204 : i32
      %add3A_206 = arith.constant 4 : i32
      %add3A_207 = arith.addi %add3A_188, %add3A_206 : i32
      %jit3A_208 = arith.constant 0 : i32
      %select_n3A_209 = arith.select %lt3A_205, %add3A_207, %jit3A_208 : i32
      %dma_wait3A_210 = arith.constant 0 : i32
      %dma_wait3A_211 = arith.constant 0 : i32
      %dma_wait3A_212 = tpu.memref_slice %arg7[%dma_wait3A_210, %dma_wait3A_211] : memref<160x128xi32, #tpu.memory_space<vmem>> -> memref<1x128xi32, #tpu.memory_space<vmem>>
      %dma_wait3A_213 = tpu.memref_squeeze %dma_wait3A_212 : memref<1x128xi32, #tpu.memory_space<vmem>> -> memref<128xi32, #tpu.memory_space<vmem>>
      %dma_wait3A_214 = arith.constant 0 : i32
      %dma_wait3A_215 = arith.constant 0 : i32
      %dma_wait3A_216 = tpu.memref_slice %arg12[%dma_wait3A_214, %dma_wait3A_215] : memref<10240x32xbf16, #tpu.memory_space<vmem_shared>> -> memref<10240x32xbf16, #tpu.memory_space<vmem_shared>>
      tpu.wait_indirect_dma semaphore(%arg19 : memref<!tpu.dma_semaphore, #tpu.memory_space<semaphore_mem>>) src(%arg10 : memref<128x32xbf16, #tpu.memory_space<vmem>>) dst(%dma_wait3A_216 : memref<10240x32xbf16, #tpu.memory_space<vmem_shared>>)
      %dma_start3A_217 = arith.constant 0 : i32
      %dma_start3A_218 = tpu.memref_slice %arg6[%select_n3A_209, %dma_start3A_217] : memref<160x128xi32, #tpu.memory_space<vmem>> -> memref<1x128xi32, #tpu.memory_space<vmem>>
      %dma_start3A_219 = tpu.memref_squeeze %dma_start3A_218 : memref<1x128xi32, #tpu.memory_space<vmem>> -> memref<128xi32, #tpu.memory_space<vmem>>
      %dma_start3A_220 = arith.constant 0 : i32
      %dma_start3A_221 = arith.constant 0 : i32
      %dma_start3A_222 = tpu.memref_slice %arg21[%dma_start3A_220, %dma_start3A_221] : memref<10000x32xbf16, #tpu.memory_space<vmem_shared>> -> memref<10000x32xbf16, #tpu.memory_space<vmem_shared>>
      tpu.enqueue_indirect_dma source(%dma_start3A_222 : memref<10000x32xbf16, #tpu.memory_space<vmem_shared>>) target(%arg10 : memref<128x32xbf16, #tpu.memory_space<vmem>>) offsets(%dma_start3A_219 : memref<128xi32, #tpu.memory_space<vmem>>) semaphore(%arg15 : memref<!tpu.dma_semaphore, #tpu.memory_space<semaphore_mem>>)
      %mul3A_223 = arith.constant 4 : i32
      %mul3A_224 = arith.muli %mul3A_223, %scan3A_110 : i32
      %add3A_225 = arith.constant 3 : i32
      %add3A_226 = arith.addi %mul3A_224, %add3A_225 : i32
      %dma_wait3A_227 = arith.constant 0 : i32
      %dma_wait3A_228 = arith.constant 0 : i32
      %dma_wait3A_229 = tpu.memref_slice %arg6[%dma_wait3A_227, %dma_wait3A_228] : memref<160x128xi32, #tpu.memory_space<vmem>> -> memref<1x128xi32, #tpu.memory_space<vmem>>
      %dma_wait3A_230 = tpu.memref_squeeze %dma_wait3A_229 : memref<1x128xi32, #tpu.memory_space<vmem>> -> memref<128xi32, #tpu.memory_space<vmem>>
      %dma_wait3A_231 = arith.constant 0 : i32
      %dma_wait3A_232 = arith.constant 0 : i32
      %dma_wait3A_233 = tpu.memref_slice %arg21[%dma_wait3A_231, %dma_wait3A_232] : memref<10000x32xbf16, #tpu.memory_space<vmem_shared>> -> memref<10000x32xbf16, #tpu.memory_space<vmem_shared>>
      tpu.wait_indirect_dma semaphore(%arg16 : memref<!tpu.dma_semaphore, #tpu.memory_space<semaphore_mem>>) src(%dma_wait3A_233 : memref<10000x32xbf16, #tpu.memory_space<vmem_shared>>) dst(%arg11 : memref<128x32xbf16, #tpu.memory_space<vmem>>)
      %dma_start3A_234 = arith.constant 0 : i32
      %dma_start3A_235 = tpu.memref_slice %arg7[%add3A_226, %dma_start3A_234] : memref<160x128xi32, #tpu.memory_space<vmem>> -> memref<1x128xi32, #tpu.memory_space<vmem>>
      %dma_start3A_236 = tpu.memref_squeeze %dma_start3A_235 : memref<1x128xi32, #tpu.memory_space<vmem>> -> memref<128xi32, #tpu.memory_space<vmem>>
      %dma_start3A_237 = arith.constant 0 : i32
      %dma_start3A_238 = arith.constant 0 : i32
      %dma_start3A_239 = tpu.memref_slice %arg12[%dma_start3A_237, %dma_start3A_238] : memref<10240x32xbf16, #tpu.memory_space<vmem_shared>> -> memref<10240x32xbf16, #tpu.memory_space<vmem_shared>>
      tpu.enqueue_indirect_dma source(%arg11 : memref<128x32xbf16, #tpu.memory_space<vmem>>) target(%dma_start3A_239 : memref<10240x32xbf16, #tpu.memory_space<vmem_shared>>) offsets(%dma_start3A_236 : memref<128xi32, #tpu.memory_space<vmem>>) semaphore(%arg20 : memref<!tpu.dma_semaphore, #tpu.memory_space<semaphore_mem>>) {add = true}
      %add3A_240 = arith.constant 4 : i32
      %add3A_241 = arith.addi %add3A_226, %add3A_240 : i32
      %lt3A_242 = arith.constant 160 : i32
      %lt3A_243 = arith.cmpi slt, %add3A_241, %lt3A_242 : i32
      %add3A_244 = arith.constant 4 : i32
      %add3A_245 = arith.addi %add3A_226, %add3A_244 : i32
      %jit3A_246 = arith.constant 0 : i32
      %select_n3A_247 = arith.select %lt3A_243, %add3A_245, %jit3A_246 : i32
      %dma_wait3A_248 = arith.constant 0 : i32
      %dma_wait3A_249 = arith.constant 0 : i32
      %dma_wait3A_250 = tpu.memref_slice %arg7[%dma_wait3A_248, %dma_wait3A_249] : memref<160x128xi32, #tpu.memory_space<vmem>> -> memref<1x128xi32, #tpu.memory_space<vmem>>
      %dma_wait3A_251 = tpu.memref_squeeze %dma_wait3A_250 : memref<1x128xi32, #tpu.memory_space<vmem>> -> memref<128xi32, #tpu.memory_space<vmem>>
      %dma_wait3A_252 = arith.constant 0 : i32
      %dma_wait3A_253 = arith.constant 0 : i32
      %dma_wait3A_254 = tpu.memref_slice %arg12[%dma_wait3A_252, %dma_wait3A_253] : memref<10240x32xbf16, #tpu.memory_space<vmem_shared>> -> memref<10240x32xbf16, #tpu.memory_space<vmem_shared>>
      tpu.wait_indirect_dma semaphore(%arg20 : memref<!tpu.dma_semaphore, #tpu.memory_space<semaphore_mem>>) src(%arg11 : memref<128x32xbf16, #tpu.memory_space<vmem>>) dst(%dma_wait3A_254 : memref<10240x32xbf16, #tpu.memory_space<vmem_shared>>)
      %dma_start3A_255 = arith.constant 0 : i32
      %dma_start3A_256 = tpu.memref_slice %arg6[%select_n3A_247, %dma_start3A_255] : memref<160x128xi32, #tpu.memory_space<vmem>> -> memref<1x128xi32, #tpu.memory_space<vmem>>
      %dma_start3A_257 = tpu.memref_squeeze %dma_start3A_256 : memref<1x128xi32, #tpu.memory_space<vmem>> -> memref<128xi32, #tpu.memory_space<vmem>>
      %dma_start3A_258 = arith.constant 0 : i32
      %dma_start3A_259 = arith.constant 0 : i32
      %dma_start3A_260 = tpu.memref_slice %arg21[%dma_start3A_258, %dma_start3A_259] : memref<10000x32xbf16, #tpu.memory_space<vmem_shared>> -> memref<10000x32xbf16, #tpu.memory_space<vmem_shared>>
      tpu.enqueue_indirect_dma source(%dma_start3A_260 : memref<10000x32xbf16, #tpu.memory_space<vmem_shared>>) target(%arg11 : memref<128x32xbf16, #tpu.memory_space<vmem>>) offsets(%dma_start3A_257 : memref<128xi32, #tpu.memory_space<vmem>>) semaphore(%arg16 : memref<!tpu.dma_semaphore, #tpu.memory_space<semaphore_mem>>)
      %scan3A_261 = arith.constant 0 : i32
      scf.yield %scan3A_261 : i32
    }
    %scan3A_61 = arith.constant 40 : i32
    %dma_wait3A = arith.constant 0 : i32
    %dma_wait3A_62 = arith.constant 0 : i32
    %dma_wait3A_63 = tpu.memref_slice %arg6[%dma_wait3A, %dma_wait3A_62] : memref<160x128xi32, #tpu.memory_space<vmem>> -> memref<1x128xi32, #tpu.memory_space<vmem>>
    %dma_wait3A_64 = tpu.memref_squeeze %dma_wait3A_63 : memref<1x128xi32, #tpu.memory_space<vmem>> -> memref<128xi32, #tpu.memory_space<vmem>>
    %dma_wait3A_65 = arith.constant 0 : i32
    %dma_wait3A_66 = arith.constant 0 : i32
    %dma_wait3A_67 = tpu.memref_slice %arg21[%dma_wait3A_65, %dma_wait3A_66] : memref<10000x32xbf16, #tpu.memory_space<vmem_shared>> -> memref<10000x32xbf16, #tpu.memory_space<vmem_shared>>
    tpu.wait_indirect_dma semaphore(%arg13 : memref<!tpu.dma_semaphore, #tpu.memory_space<semaphore_mem>>) src(%dma_wait3A_67 : memref<10000x32xbf16, #tpu.memory_space<vmem_shared>>) dst(%arg8 : memref<128x32xbf16, #tpu.memory_space<vmem>>)
    %dma_wait3A_68 = arith.constant 0 : i32
    %dma_wait3A_69 = arith.constant 0 : i32
    %dma_wait3A_70 = tpu.memref_slice %arg6[%dma_wait3A_68, %dma_wait3A_69] : memref<160x128xi32, #tpu.memory_space<vmem>> -> memref<1x128xi32, #tpu.memory_space<vmem>>
    %dma_wait3A_71 = tpu.memref_squeeze %dma_wait3A_70 : memref<1x128xi32, #tpu.memory_space<vmem>> -> memref<128xi32, #tpu.memory_space<vmem>>
    %dma_wait3A_72 = arith.constant 0 : i32
    %dma_wait3A_73 = arith.constant 0 : i32
    %dma_wait3A_74 = tpu.memref_slice %arg21[%dma_wait3A_72, %dma_wait3A_73] : memref<10000x32xbf16, #tpu.memory_space<vmem_shared>> -> memref<10000x32xbf16, #tpu.memory_space<vmem_shared>>
    tpu.wait_indirect_dma semaphore(%arg14 : memref<!tpu.dma_semaphore, #tpu.memory_space<semaphore_mem>>) src(%dma_wait3A_74 : memref<10000x32xbf16, #tpu.memory_space<vmem_shared>>) dst(%arg9 : memref<128x32xbf16, #tpu.memory_space<vmem>>)
    %dma_wait3A_75 = arith.constant 0 : i32
    %dma_wait3A_76 = arith.constant 0 : i32
    %dma_wait3A_77 = tpu.memref_slice %arg6[%dma_wait3A_75, %dma_wait3A_76] : memref<160x128xi32, #tpu.memory_space<vmem>> -> memref<1x128xi32, #tpu.memory_space<vmem>>
    %dma_wait3A_78 = tpu.memref_squeeze %dma_wait3A_77 : memref<1x128xi32, #tpu.memory_space<vmem>> -> memref<128xi32, #tpu.memory_space<vmem>>
    %dma_wait3A_79 = arith.constant 0 : i32
    %dma_wait3A_80 = arith.constant 0 : i32
    %dma_wait3A_81 = tpu.memref_slice %arg21[%dma_wait3A_79, %dma_wait3A_80] : memref<10000x32xbf16, #tpu.memory_space<vmem_shared>> -> memref<10000x32xbf16, #tpu.memory_space<vmem_shared>>
    tpu.wait_indirect_dma semaphore(%arg15 : memref<!tpu.dma_semaphore, #tpu.memory_space<semaphore_mem>>) src(%dma_wait3A_81 : memref<10000x32xbf16, #tpu.memory_space<vmem_shared>>) dst(%arg10 : memref<128x32xbf16, #tpu.memory_space<vmem>>)
    %dma_wait3A_82 = arith.constant 0 : i32
    %dma_wait3A_83 = arith.constant 0 : i32
    %dma_wait3A_84 = tpu.memref_slice %arg6[%dma_wait3A_82, %dma_wait3A_83] : memref<160x128xi32, #tpu.memory_space<vmem>> -> memref<1x128xi32, #tpu.memory_space<vmem>>
    %dma_wait3A_85 = tpu.memref_squeeze %dma_wait3A_84 : memref<1x128xi32, #tpu.memory_space<vmem>> -> memref<128xi32, #tpu.memory_space<vmem>>
    %dma_wait3A_86 = arith.constant 0 : i32
    %dma_wait3A_87 = arith.constant 0 : i32
    %dma_wait3A_88 = tpu.memref_slice %arg21[%dma_wait3A_86, %dma_wait3A_87] : memref<10000x32xbf16, #tpu.memory_space<vmem_shared>> -> memref<10000x32xbf16, #tpu.memory_space<vmem_shared>>
    tpu.wait_indirect_dma semaphore(%arg16 : memref<!tpu.dma_semaphore, #tpu.memory_space<semaphore_mem>>) src(%dma_wait3A_88 : memref<10000x32xbf16, #tpu.memory_space<vmem_shared>>) dst(%arg11 : memref<128x32xbf16, #tpu.memory_space<vmem>>)
    %barrier3A_89 = arith.constant 0 : index
    tpu.barrier barrier_id(%barrier3A_89)
    %mul3A_90 = arith.constant 625 : i32
    %mul3A_91 = arith.muli %arg1, %mul3A_90 : i32
    %add3A_92 = arith.constant 0 : i32
    %add3A_93 = arith.addi %mul3A_91, %add3A_92 : i32
    "tpu.region"() ({
      %run_scoped3A = tpu.sem_alloc : memref<!tpu.dma_semaphore, #tpu.memory_space<semaphore_mem>>
      %dma_start3A_110 = arith.constant 0 : i32
      %dma_start3A_111 = arith.constant 0 : i32
      %dma_start3A_112 = tpu.memref_slice %arg8[%dma_start3A_110, %dma_start3A_111] : memref<128x32xbf16, #tpu.memory_space<vmem>> -> memref<128x32xbf16, #tpu.memory_space<vmem>>
      %dma_start3A_113 = arith.constant 0 : i32
      %dma_start3A_114 = tpu.memref_slice %arg12[%add3A_93, %dma_start3A_113] : memref<10240x32xbf16, #tpu.memory_space<vmem_shared>> -> memref<128x32xbf16, #tpu.memory_space<vmem_shared>>
      %dma_start3A_115 = arith.constant 0 : i32
      %dma_start3A_116 = arith.constant 0 : i32
      %dma_start3A_117 = tpu.memref_slice %arg8[%dma_start3A_115, %dma_start3A_116] : memref<128x32xbf16, #tpu.memory_space<vmem>> -> memref<128x32xbf16, #tpu.memory_space<vmem>>
      %dma_start3A_118 = arith.constant 0 : i32
      %dma_start3A_119 = tpu.memref_slice %arg12[%add3A_93, %dma_start3A_118] : memref<10240x32xbf16, #tpu.memory_space<vmem_shared>> -> memref<128x32xbf16, #tpu.memory_space<vmem_shared>>
      tpu.enqueue_dma source(%dma_start3A_119 : memref<128x32xbf16, #tpu.memory_space<vmem_shared>>) target(%dma_start3A_117 : memref<128x32xbf16, #tpu.memory_space<vmem>>) target_semaphore(%run_scoped3A : memref<!tpu.dma_semaphore, #tpu.memory_space<semaphore_mem>>)
      %dma_wait3A_120 = arith.constant 0 : i32
      %dma_wait3A_121 = arith.constant 0 : i32
      %dma_wait3A_122 = tpu.memref_slice %arg8[%dma_wait3A_120, %dma_wait3A_121] : memref<128x32xbf16, #tpu.memory_space<vmem>> -> memref<128x32xbf16, #tpu.memory_space<vmem>>
      %dma_wait3A_123 = arith.constant 0 : i32
      %dma_wait3A_124 = tpu.memref_slice %arg12[%add3A_93, %dma_wait3A_123] : memref<10240x32xbf16, #tpu.memory_space<vmem_shared>> -> memref<128x32xbf16, #tpu.memory_space<vmem_shared>>
      %dma_wait3A_125 = arith.constant 0 : i32
      %dma_wait3A_126 = arith.constant 0 : i32
      %dma_wait3A_127 = tpu.memref_slice %arg8[%dma_wait3A_125, %dma_wait3A_126] : memref<128x32xbf16, #tpu.memory_space<vmem>> -> memref<128x32xbf16, #tpu.memory_space<vmem>>
      %dma_wait3A_128 = arith.constant 0 : i32
      %dma_wait3A_129 = tpu.memref_slice %arg12[%add3A_93, %dma_wait3A_128] : memref<10240x32xbf16, #tpu.memory_space<vmem_shared>> -> memref<128x32xbf16, #tpu.memory_space<vmem_shared>>
      tpu.wait_dma2 semaphore(%run_scoped3A : memref<!tpu.dma_semaphore, #tpu.memory_space<semaphore_mem>>) src(%dma_wait3A_129 : memref<128x32xbf16, #tpu.memory_space<vmem_shared>>) dst(%dma_wait3A_127 : memref<128x32xbf16, #tpu.memory_space<vmem>>)
      tpu.yield
    }) : () -> ()
    "tpu.region"() ({
      %run_scoped3A = tpu.sem_alloc : memref<!tpu.dma_semaphore, #tpu.memory_space<semaphore_mem>>
      %dma_start3A_110 = arith.constant 0 : i32
      %dma_start3A_111 = arith.constant 0 : i32
      %dma_start3A_112 = tpu.memref_slice %arg8[%dma_start3A_110, %dma_start3A_111] : memref<128x32xbf16, #tpu.memory_space<vmem>> -> memref<128x32xbf16, #tpu.memory_space<vmem>>
      %dma_start3A_113 = arith.constant 0 : i32
      %dma_start3A_114 = tpu.memref_slice %arg5[%arg0, %add3A_93, %dma_start3A_113] : memref<2x10000x32xbf16, #tpu.memory_space<hbm>> -> memref<1x128x32xbf16, #tpu.memory_space<hbm>>
      %dma_start3A_115 = tpu.memref_squeeze %dma_start3A_114 : memref<1x128x32xbf16, #tpu.memory_space<hbm>> -> memref<128x32xbf16, #tpu.memory_space<hbm>>
      %dma_start3A_116 = arith.constant 0 : i32
      %dma_start3A_117 = tpu.memref_slice %arg5[%arg0, %add3A_93, %dma_start3A_116] : memref<2x10000x32xbf16, #tpu.memory_space<hbm>> -> memref<1x128x32xbf16, #tpu.memory_space<hbm>>
      %dma_start3A_118 = tpu.memref_squeeze %dma_start3A_117 : memref<1x128x32xbf16, #tpu.memory_space<hbm>> -> memref<128x32xbf16, #tpu.memory_space<hbm>>
      %dma_start3A_119 = arith.constant 0 : i32
      %dma_start3A_120 = arith.constant 0 : i32
      %dma_start3A_121 = tpu.memref_slice %arg8[%dma_start3A_119, %dma_start3A_120] : memref<128x32xbf16, #tpu.memory_space<vmem>> -> memref<128x32xbf16, #tpu.memory_space<vmem>>
      tpu.enqueue_dma source(%dma_start3A_121 : memref<128x32xbf16, #tpu.memory_space<vmem>>) target(%dma_start3A_118 : memref<128x32xbf16, #tpu.memory_space<hbm>>) target_semaphore(%run_scoped3A : memref<!tpu.dma_semaphore, #tpu.memory_space<semaphore_mem>>)
      %dma_wait3A_122 = arith.constant 0 : i32
      %dma_wait3A_123 = arith.constant 0 : i32
      %dma_wait3A_124 = tpu.memref_slice %arg8[%dma_wait3A_122, %dma_wait3A_123] : memref<128x32xbf16, #tpu.memory_space<vmem>> -> memref<128x32xbf16, #tpu.memory_space<vmem>>
      %dma_wait3A_125 = arith.constant 0 : i32
      %dma_wait3A_126 = tpu.memref_slice %arg5[%arg0, %add3A_93, %dma_wait3A_125] : memref<2x10000x32xbf16, #tpu.memory_space<hbm>> -> memref<1x128x32xbf16, #tpu.memory_space<hbm>>
      %dma_wait3A_127 = tpu.memref_squeeze %dma_wait3A_126 : memref<1x128x32xbf16, #tpu.memory_space<hbm>> -> memref<128x32xbf16, #tpu.memory_space<hbm>>
      %dma_wait3A_128 = arith.constant 0 : i32
      %dma_wait3A_129 = tpu.memref_slice %arg5[%arg0, %add3A_93, %dma_wait3A_128] : memref<2x10000x32xbf16, #tpu.memory_space<hbm>> -> memref<1x128x32xbf16, #tpu.memory_space<hbm>>
      %dma_wait3A_130 = tpu.memref_squeeze %dma_wait3A_129 : memref<1x128x32xbf16, #tpu.memory_space<hbm>> -> memref<128x32xbf16, #tpu.memory_space<hbm>>
      %dma_wait3A_131 = arith.constant 0 : i32
      %dma_wait3A_132 = arith.constant 0 : i32
      %dma_wait3A_133 = tpu.memref_slice %arg8[%dma_wait3A_131, %dma_wait3A_132] : memref<128x32xbf16, #tpu.memory_space<vmem>> -> memref<128x32xbf16, #tpu.memory_space<vmem>>
      tpu.wait_dma2 semaphore(%run_scoped3A : memref<!tpu.dma_semaphore, #tpu.memory_space<semaphore_mem>>) src(%dma_wait3A_133 : memref<128x32xbf16, #tpu.memory_space<vmem>>) dst(%dma_wait3A_130 : memref<128x32xbf16, #tpu.memory_space<hbm>>)
      tpu.yield
    }) : () -> ()
    %mul3A_94 = arith.constant 625 : i32
    %mul3A_95 = arith.muli %arg1, %mul3A_94 : i32
    %add3A_96 = arith.constant 128 : i32
    %add3A_97 = arith.addi %mul3A_95, %add3A_96 : i32
    "tpu.region"() ({
      %run_scoped3A = tpu.sem_alloc : memref<!tpu.dma_semaphore, #tpu.memory_space<semaphore_mem>>
      %dma_start3A_110 = arith.constant 0 : i32
      %dma_start3A_111 = arith.constant 0 : i32
      %dma_start3A_112 = tpu.memref_slice %arg8[%dma_start3A_110, %dma_start3A_111] : memref<128x32xbf16, #tpu.memory_space<vmem>> -> memref<128x32xbf16, #tpu.memory_space<vmem>>
      %dma_start3A_113 = arith.constant 0 : i32
      %dma_start3A_114 = tpu.memref_slice %arg12[%add3A_97, %dma_start3A_113] : memref<10240x32xbf16, #tpu.memory_space<vmem_shared>> -> memref<128x32xbf16, #tpu.memory_space<vmem_shared>>
      %dma_start3A_115 = arith.constant 0 : i32
      %dma_start3A_116 = arith.constant 0 : i32
      %dma_start3A_117 = tpu.memref_slice %arg8[%dma_start3A_115, %dma_start3A_116] : memref<128x32xbf16, #tpu.memory_space<vmem>> -> memref<128x32xbf16, #tpu.memory_space<vmem>>
      %dma_start3A_118 = arith.constant 0 : i32
      %dma_start3A_119 = tpu.memref_slice %arg12[%add3A_97, %dma_start3A_118] : memref<10240x32xbf16, #tpu.memory_space<vmem_shared>> -> memref<128x32xbf16, #tpu.memory_space<vmem_shared>>
      tpu.enqueue_dma source(%dma_start3A_119 : memref<128x32xbf16, #tpu.memory_space<vmem_shared>>) target(%dma_start3A_117 : memref<128x32xbf16, #tpu.memory_space<vmem>>) target_semaphore(%run_scoped3A : memref<!tpu.dma_semaphore, #tpu.memory_space<semaphore_mem>>)
      %dma_wait3A_120 = arith.constant 0 : i32
      %dma_wait3A_121 = arith.constant 0 : i32
      %dma_wait3A_122 = tpu.memref_slice %arg8[%dma_wait3A_120, %dma_wait3A_121] : memref<128x32xbf16, #tpu.memory_space<vmem>> -> memref<128x32xbf16, #tpu.memory_space<vmem>>
      %dma_wait3A_123 = arith.constant 0 : i32
      %dma_wait3A_124 = tpu.memref_slice %arg12[%add3A_97, %dma_wait3A_123] : memref<10240x32xbf16, #tpu.memory_space<vmem_shared>> -> memref<128x32xbf16, #tpu.memory_space<vmem_shared>>
      %dma_wait3A_125 = arith.constant 0 : i32
      %dma_wait3A_126 = arith.constant 0 : i32
      %dma_wait3A_127 = tpu.memref_slice %arg8[%dma_wait3A_125, %dma_wait3A_126] : memref<128x32xbf16, #tpu.memory_space<vmem>> -> memref<128x32xbf16, #tpu.memory_space<vmem>>
      %dma_wait3A_128 = arith.constant 0 : i32
      %dma_wait3A_129 = tpu.memref_slice %arg12[%add3A_97, %dma_wait3A_128] : memref<10240x32xbf16, #tpu.memory_space<vmem_shared>> -> memref<128x32xbf16, #tpu.memory_space<vmem_shared>>
      tpu.wait_dma2 semaphore(%run_scoped3A : memref<!tpu.dma_semaphore, #tpu.memory_space<semaphore_mem>>) src(%dma_wait3A_129 : memref<128x32xbf16, #tpu.memory_space<vmem_shared>>) dst(%dma_wait3A_127 : memref<128x32xbf16, #tpu.memory_space<vmem>>)
      tpu.yield
    }) : () -> ()
    "tpu.region"() ({
      %run_scoped3A = tpu.sem_alloc : memref<!tpu.dma_semaphore, #tpu.memory_space<semaphore_mem>>
      %dma_start3A_110 = arith.constant 0 : i32
      %dma_start3A_111 = arith.constant 0 : i32
      %dma_start3A_112 = tpu.memref_slice %arg8[%dma_start3A_110, %dma_start3A_111] : memref<128x32xbf16, #tpu.memory_space<vmem>> -> memref<128x32xbf16, #tpu.memory_space<vmem>>
      %dma_start3A_113 = arith.constant 0 : i32
      %dma_start3A_114 = tpu.memref_slice %arg5[%arg0, %add3A_97, %dma_start3A_113] : memref<2x10000x32xbf16, #tpu.memory_space<hbm>> -> memref<1x128x32xbf16, #tpu.memory_space<hbm>>
      %dma_start3A_115 = tpu.memref_squeeze %dma_start3A_114 : memref<1x128x32xbf16, #tpu.memory_space<hbm>> -> memref<128x32xbf16, #tpu.memory_space<hbm>>
      %dma_start3A_116 = arith.constant 0 : i32
      %dma_start3A_117 = tpu.memref_slice %arg5[%arg0, %add3A_97, %dma_start3A_116] : memref<2x10000x32xbf16, #tpu.memory_space<hbm>> -> memref<1x128x32xbf16, #tpu.memory_space<hbm>>
      %dma_start3A_118 = tpu.memref_squeeze %dma_start3A_117 : memref<1x128x32xbf16, #tpu.memory_space<hbm>> -> memref<128x32xbf16, #tpu.memory_space<hbm>>
      %dma_start3A_119 = arith.constant 0 : i32
      %dma_start3A_120 = arith.constant 0 : i32
      %dma_start3A_121 = tpu.memref_slice %arg8[%dma_start3A_119, %dma_start3A_120] : memref<128x32xbf16, #tpu.memory_space<vmem>> -> memref<128x32xbf16, #tpu.memory_space<vmem>>
      tpu.enqueue_dma source(%dma_start3A_121 : memref<128x32xbf16, #tpu.memory_space<vmem>>) target(%dma_start3A_118 : memref<128x32xbf16, #tpu.memory_space<hbm>>) target_semaphore(%run_scoped3A : memref<!tpu.dma_semaphore, #tpu.memory_space<semaphore_mem>>)
      %dma_wait3A_122 = arith.constant 0 : i32
      %dma_wait3A_123 = arith.constant 0 : i32
      %dma_wait3A_124 = tpu.memref_slice %arg8[%dma_wait3A_122, %dma_wait3A_123] : memref<128x32xbf16, #tpu.memory_space<vmem>> -> memref<128x32xbf16, #tpu.memory_space<vmem>>
      %dma_wait3A_125 = arith.constant 0 : i32
      %dma_wait3A_126 = tpu.memref_slice %arg5[%arg0, %add3A_97, %dma_wait3A_125] : memref<2x10000x32xbf16, #tpu.memory_space<hbm>> -> memref<1x128x32xbf16, #tpu.memory_space<hbm>>
      %dma_wait3A_127 = tpu.memref_squeeze %dma_wait3A_126 : memref<1x128x32xbf16, #tpu.memory_space<hbm>> -> memref<128x32xbf16, #tpu.memory_space<hbm>>
      %dma_wait3A_128 = arith.constant 0 : i32
      %dma_wait3A_129 = tpu.memref_slice %arg5[%arg0, %add3A_97, %dma_wait3A_128] : memref<2x10000x32xbf16, #tpu.memory_space<hbm>> -> memref<1x128x32xbf16, #tpu.memory_space<hbm>>
      %dma_wait3A_130 = tpu.memref_squeeze %dma_wait3A_129 : memref<1x128x32xbf16, #tpu.memory_space<hbm>> -> memref<128x32xbf16, #tpu.memory_space<hbm>>
      %dma_wait3A_131 = arith.constant 0 : i32
      %dma_wait3A_132 = arith.constant 0 : i32
      %dma_wait3A_133 = tpu.memref_slice %arg8[%dma_wait3A_131, %dma_wait3A_132] : memref<128x32xbf16, #tpu.memory_space<vmem>> -> memref<128x32xbf16, #tpu.memory_space<vmem>>
      tpu.wait_dma2 semaphore(%run_scoped3A : memref<!tpu.dma_semaphore, #tpu.memory_space<semaphore_mem>>) src(%dma_wait3A_133 : memref<128x32xbf16, #tpu.memory_space<vmem>>) dst(%dma_wait3A_130 : memref<128x32xbf16, #tpu.memory_space<hbm>>)
      tpu.yield
    }) : () -> ()
    %mul3A_98 = arith.constant 625 : i32
    %mul3A_99 = arith.muli %arg1, %mul3A_98 : i32
    %add3A_100 = arith.constant 256 : i32
    %add3A_101 = arith.addi %mul3A_99, %add3A_100 : i32
    "tpu.region"() ({
      %run_scoped3A = tpu.sem_alloc : memref<!tpu.dma_semaphore, #tpu.memory_space<semaphore_mem>>
      %dma_start3A_110 = arith.constant 0 : i32
      %dma_start3A_111 = arith.constant 0 : i32
      %dma_start3A_112 = tpu.memref_slice %arg8[%dma_start3A_110, %dma_start3A_111] : memref<128x32xbf16, #tpu.memory_space<vmem>> -> memref<128x32xbf16, #tpu.memory_space<vmem>>
      %dma_start3A_113 = arith.constant 0 : i32
      %dma_start3A_114 = tpu.memref_slice %arg12[%add3A_101, %dma_start3A_113] : memref<10240x32xbf16, #tpu.memory_space<vmem_shared>> -> memref<128x32xbf16, #tpu.memory_space<vmem_shared>>
      %dma_start3A_115 = arith.constant 0 : i32
      %dma_start3A_116 = arith.constant 0 : i32
      %dma_start3A_117 = tpu.memref_slice %arg8[%dma_start3A_115, %dma_start3A_116] : memref<128x32xbf16, #tpu.memory_space<vmem>> -> memref<128x32xbf16, #tpu.memory_space<vmem>>
      %dma_start3A_118 = arith.constant 0 : i32
      %dma_start3A_119 = tpu.memref_slice %arg12[%add3A_101, %dma_start3A_118] : memref<10240x32xbf16, #tpu.memory_space<vmem_shared>> -> memref<128x32xbf16, #tpu.memory_space<vmem_shared>>
      tpu.enqueue_dma source(%dma_start3A_119 : memref<128x32xbf16, #tpu.memory_space<vmem_shared>>) target(%dma_start3A_117 : memref<128x32xbf16, #tpu.memory_space<vmem>>) target_semaphore(%run_scoped3A : memref<!tpu.dma_semaphore, #tpu.memory_space<semaphore_mem>>)
      %dma_wait3A_120 = arith.constant 0 : i32
      %dma_wait3A_121 = arith.constant 0 : i32
      %dma_wait3A_122 = tpu.memref_slice %arg8[%dma_wait3A_120, %dma_wait3A_121] : memref<128x32xbf16, #tpu.memory_space<vmem>> -> memref<128x32xbf16, #tpu.memory_space<vmem>>
      %dma_wait3A_123 = arith.constant 0 : i32
      %dma_wait3A_124 = tpu.memref_slice %arg12[%add3A_101, %dma_wait3A_123] : memref<10240x32xbf16, #tpu.memory_space<vmem_shared>> -> memref<128x32xbf16, #tpu.memory_space<vmem_shared>>
      %dma_wait3A_125 = arith.constant 0 : i32
      %dma_wait3A_126 = arith.constant 0 : i32
      %dma_wait3A_127 = tpu.memref_slice %arg8[%dma_wait3A_125, %dma_wait3A_126] : memref<128x32xbf16, #tpu.memory_space<vmem>> -> memref<128x32xbf16, #tpu.memory_space<vmem>>
      %dma_wait3A_128 = arith.constant 0 : i32
      %dma_wait3A_129 = tpu.memref_slice %arg12[%add3A_101, %dma_wait3A_128] : memref<10240x32xbf16, #tpu.memory_space<vmem_shared>> -> memref<128x32xbf16, #tpu.memory_space<vmem_shared>>
      tpu.wait_dma2 semaphore(%run_scoped3A : memref<!tpu.dma_semaphore, #tpu.memory_space<semaphore_mem>>) src(%dma_wait3A_129 : memref<128x32xbf16, #tpu.memory_space<vmem_shared>>) dst(%dma_wait3A_127 : memref<128x32xbf16, #tpu.memory_space<vmem>>)
      tpu.yield
    }) : () -> ()
    "tpu.region"() ({
      %run_scoped3A = tpu.sem_alloc : memref<!tpu.dma_semaphore, #tpu.memory_space<semaphore_mem>>
      %dma_start3A_110 = arith.constant 0 : i32
      %dma_start3A_111 = arith.constant 0 : i32
      %dma_start3A_112 = tpu.memref_slice %arg8[%dma_start3A_110, %dma_start3A_111] : memref<128x32xbf16, #tpu.memory_space<vmem>> -> memref<128x32xbf16, #tpu.memory_space<vmem>>
      %dma_start3A_113 = arith.constant 0 : i32
      %dma_start3A_114 = tpu.memref_slice %arg5[%arg0, %add3A_101, %dma_start3A_113] : memref<2x10000x32xbf16, #tpu.memory_space<hbm>> -> memref<1x128x32xbf16, #tpu.memory_space<hbm>>
      %dma_start3A_115 = tpu.memref_squeeze %dma_start3A_114 : memref<1x128x32xbf16, #tpu.memory_space<hbm>> -> memref<128x32xbf16, #tpu.memory_space<hbm>>
      %dma_start3A_116 = arith.constant 0 : i32
      %dma_start3A_117 = tpu.memref_slice %arg5[%arg0, %add3A_101, %dma_start3A_116] : memref<2x10000x32xbf16, #tpu.memory_space<hbm>> -> memref<1x128x32xbf16, #tpu.memory_space<hbm>>
      %dma_start3A_118 = tpu.memref_squeeze %dma_start3A_117 : memref<1x128x32xbf16, #tpu.memory_space<hbm>> -> memref<128x32xbf16, #tpu.memory_space<hbm>>
      %dma_start3A_119 = arith.constant 0 : i32
      %dma_start3A_120 = arith.constant 0 : i32
      %dma_start3A_121 = tpu.memref_slice %arg8[%dma_start3A_119, %dma_start3A_120] : memref<128x32xbf16, #tpu.memory_space<vmem>> -> memref<128x32xbf16, #tpu.memory_space<vmem>>
      tpu.enqueue_dma source(%dma_start3A_121 : memref<128x32xbf16, #tpu.memory_space<vmem>>) target(%dma_start3A_118 : memref<128x32xbf16, #tpu.memory_space<hbm>>) target_semaphore(%run_scoped3A : memref<!tpu.dma_semaphore, #tpu.memory_space<semaphore_mem>>)
      %dma_wait3A_122 = arith.constant 0 : i32
      %dma_wait3A_123 = arith.constant 0 : i32
      %dma_wait3A_124 = tpu.memref_slice %arg8[%dma_wait3A_122, %dma_wait3A_123] : memref<128x32xbf16, #tpu.memory_space<vmem>> -> memref<128x32xbf16, #tpu.memory_space<vmem>>
      %dma_wait3A_125 = arith.constant 0 : i32
      %dma_wait3A_126 = tpu.memref_slice %arg5[%arg0, %add3A_101, %dma_wait3A_125] : memref<2x10000x32xbf16, #tpu.memory_space<hbm>> -> memref<1x128x32xbf16, #tpu.memory_space<hbm>>
      %dma_wait3A_127 = tpu.memref_squeeze %dma_wait3A_126 : memref<1x128x32xbf16, #tpu.memory_space<hbm>> -> memref<128x32xbf16, #tpu.memory_space<hbm>>
      %dma_wait3A_128 = arith.constant 0 : i32
      %dma_wait3A_129 = tpu.memref_slice %arg5[%arg0, %add3A_101, %dma_wait3A_128] : memref<2x10000x32xbf16, #tpu.memory_space<hbm>> -> memref<1x128x32xbf16, #tpu.memory_space<hbm>>
      %dma_wait3A_130 = tpu.memref_squeeze %dma_wait3A_129 : memref<1x128x32xbf16, #tpu.memory_space<hbm>> -> memref<128x32xbf16, #tpu.memory_space<hbm>>
      %dma_wait3A_131 = arith.constant 0 : i32
      %dma_wait3A_132 = arith.constant 0 : i32
      %dma_wait3A_133 = tpu.memref_slice %arg8[%dma_wait3A_131, %dma_wait3A_132] : memref<128x32xbf16, #tpu.memory_space<vmem>> -> memref<128x32xbf16, #tpu.memory_space<vmem>>
      tpu.wait_dma2 semaphore(%run_scoped3A : memref<!tpu.dma_semaphore, #tpu.memory_space<semaphore_mem>>) src(%dma_wait3A_133 : memref<128x32xbf16, #tpu.memory_space<vmem>>) dst(%dma_wait3A_130 : memref<128x32xbf16, #tpu.memory_space<hbm>>)
      tpu.yield
    }) : () -> ()
    %mul3A_102 = arith.constant 625 : i32
    %mul3A_103 = arith.muli %arg1, %mul3A_102 : i32
    %add3A_104 = arith.constant 384 : i32
    %add3A_105 = arith.addi %mul3A_103, %add3A_104 : i32
    "tpu.region"() ({
      %run_scoped3A = tpu.sem_alloc : memref<!tpu.dma_semaphore, #tpu.memory_space<semaphore_mem>>
      %dma_start3A_110 = arith.constant 0 : i32
      %dma_start3A_111 = arith.constant 0 : i32
      %dma_start3A_112 = tpu.memref_slice %arg8[%dma_start3A_110, %dma_start3A_111] : memref<128x32xbf16, #tpu.memory_space<vmem>> -> memref<128x32xbf16, #tpu.memory_space<vmem>>
      %dma_start3A_113 = arith.constant 0 : i32
      %dma_start3A_114 = tpu.memref_slice %arg12[%add3A_105, %dma_start3A_113] : memref<10240x32xbf16, #tpu.memory_space<vmem_shared>> -> memref<128x32xbf16, #tpu.memory_space<vmem_shared>>
      %dma_start3A_115 = arith.constant 0 : i32
      %dma_start3A_116 = arith.constant 0 : i32
      %dma_start3A_117 = tpu.memref_slice %arg8[%dma_start3A_115, %dma_start3A_116] : memref<128x32xbf16, #tpu.memory_space<vmem>> -> memref<128x32xbf16, #tpu.memory_space<vmem>>
      %dma_start3A_118 = arith.constant 0 : i32
      %dma_start3A_119 = tpu.memref_slice %arg12[%add3A_105, %dma_start3A_118] : memref<10240x32xbf16, #tpu.memory_space<vmem_shared>> -> memref<128x32xbf16, #tpu.memory_space<vmem_shared>>
      tpu.enqueue_dma source(%dma_start3A_119 : memref<128x32xbf16, #tpu.memory_space<vmem_shared>>) target(%dma_start3A_117 : memref<128x32xbf16, #tpu.memory_space<vmem>>) target_semaphore(%run_scoped3A : memref<!tpu.dma_semaphore, #tpu.memory_space<semaphore_mem>>)
      %dma_wait3A_120 = arith.constant 0 : i32
      %dma_wait3A_121 = arith.constant 0 : i32
      %dma_wait3A_122 = tpu.memref_slice %arg8[%dma_wait3A_120, %dma_wait3A_121] : memref<128x32xbf16, #tpu.memory_space<vmem>> -> memref<128x32xbf16, #tpu.memory_space<vmem>>
      %dma_wait3A_123 = arith.constant 0 : i32
      %dma_wait3A_124 = tpu.memref_slice %arg12[%add3A_105, %dma_wait3A_123] : memref<10240x32xbf16, #tpu.memory_space<vmem_shared>> -> memref<128x32xbf16, #tpu.memory_space<vmem_shared>>
      %dma_wait3A_125 = arith.constant 0 : i32
      %dma_wait3A_126 = arith.constant 0 : i32
      %dma_wait3A_127 = tpu.memref_slice %arg8[%dma_wait3A_125, %dma_wait3A_126] : memref<128x32xbf16, #tpu.memory_space<vmem>> -> memref<128x32xbf16, #tpu.memory_space<vmem>>
      %dma_wait3A_128 = arith.constant 0 : i32
      %dma_wait3A_129 = tpu.memref_slice %arg12[%add3A_105, %dma_wait3A_128] : memref<10240x32xbf16, #tpu.memory_space<vmem_shared>> -> memref<128x32xbf16, #tpu.memory_space<vmem_shared>>
      tpu.wait_dma2 semaphore(%run_scoped3A : memref<!tpu.dma_semaphore, #tpu.memory_space<semaphore_mem>>) src(%dma_wait3A_129 : memref<128x32xbf16, #tpu.memory_space<vmem_shared>>) dst(%dma_wait3A_127 : memref<128x32xbf16, #tpu.memory_space<vmem>>)
      tpu.yield
    }) : () -> ()
    "tpu.region"() ({
      %run_scoped3A = tpu.sem_alloc : memref<!tpu.dma_semaphore, #tpu.memory_space<semaphore_mem>>
      %dma_start3A_110 = arith.constant 0 : i32
      %dma_start3A_111 = arith.constant 0 : i32
      %dma_start3A_112 = tpu.memref_slice %arg8[%dma_start3A_110, %dma_start3A_111] : memref<128x32xbf16, #tpu.memory_space<vmem>> -> memref<128x32xbf16, #tpu.memory_space<vmem>>
      %dma_start3A_113 = arith.constant 0 : i32
      %dma_start3A_114 = tpu.memref_slice %arg5[%arg0, %add3A_105, %dma_start3A_113] : memref<2x10000x32xbf16, #tpu.memory_space<hbm>> -> memref<1x128x32xbf16, #tpu.memory_space<hbm>>
      %dma_start3A_115 = tpu.memref_squeeze %dma_start3A_114 : memref<1x128x32xbf16, #tpu.memory_space<hbm>> -> memref<128x32xbf16, #tpu.memory_space<hbm>>
      %dma_start3A_116 = arith.constant 0 : i32
      %dma_start3A_117 = tpu.memref_slice %arg5[%arg0, %add3A_105, %dma_start3A_116] : memref<2x10000x32xbf16, #tpu.memory_space<hbm>> -> memref<1x128x32xbf16, #tpu.memory_space<hbm>>
      %dma_start3A_118 = tpu.memref_squeeze %dma_start3A_117 : memref<1x128x32xbf16, #tpu.memory_space<hbm>> -> memref<128x32xbf16, #tpu.memory_space<hbm>>
      %dma_start3A_119 = arith.constant 0 : i32
      %dma_start3A_120 = arith.constant 0 : i32
      %dma_start3A_121 = tpu.memref_slice %arg8[%dma_start3A_119, %dma_start3A_120] : memref<128x32xbf16, #tpu.memory_space<vmem>> -> memref<128x32xbf16, #tpu.memory_space<vmem>>
      tpu.enqueue_dma source(%dma_start3A_121 : memref<128x32xbf16, #tpu.memory_space<vmem>>) target(%dma_start3A_118 : memref<128x32xbf16, #tpu.memory_space<hbm>>) target_semaphore(%run_scoped3A : memref<!tpu.dma_semaphore, #tpu.memory_space<semaphore_mem>>)
      %dma_wait3A_122 = arith.constant 0 : i32
      %dma_wait3A_123 = arith.constant 0 : i32
      %dma_wait3A_124 = tpu.memref_slice %arg8[%dma_wait3A_122, %dma_wait3A_123] : memref<128x32xbf16, #tpu.memory_space<vmem>> -> memref<128x32xbf16, #tpu.memory_space<vmem>>
      %dma_wait3A_125 = arith.constant 0 : i32
      %dma_wait3A_126 = tpu.memref_slice %arg5[%arg0, %add3A_105, %dma_wait3A_125] : memref<2x10000x32xbf16, #tpu.memory_space<hbm>> -> memref<1x128x32xbf16, #tpu.memory_space<hbm>>
      %dma_wait3A_127 = tpu.memref_squeeze %dma_wait3A_126 : memref<1x128x32xbf16, #tpu.memory_space<hbm>> -> memref<128x32xbf16, #tpu.memory_space<hbm>>
      %dma_wait3A_128 = arith.constant 0 : i32
      %dma_wait3A_129 = tpu.memref_slice %arg5[%arg0, %add3A_105, %dma_wait3A_128] : memref<2x10000x32xbf16, #tpu.memory_space<hbm>> -> memref<1x128x32xbf16, #tpu.memory_space<hbm>>
      %dma_wait3A_130 = tpu.memref_squeeze %dma_wait3A_129 : memref<1x128x32xbf16, #tpu.memory_space<hbm>> -> memref<128x32xbf16, #tpu.memory_space<hbm>>
      %dma_wait3A_131 = arith.constant 0 : i32
      %dma_wait3A_132 = arith.constant 0 : i32
      %dma_wait3A_133 = tpu.memref_slice %arg8[%dma_wait3A_131, %dma_wait3A_132] : memref<128x32xbf16, #tpu.memory_space<vmem>> -> memref<128x32xbf16, #tpu.memory_space<vmem>>
      tpu.wait_dma2 semaphore(%run_scoped3A : memref<!tpu.dma_semaphore, #tpu.memory_space<semaphore_mem>>) src(%dma_wait3A_133 : memref<128x32xbf16, #tpu.memory_space<vmem>>) dst(%dma_wait3A_130 : memref<128x32xbf16, #tpu.memory_space<hbm>>)
      tpu.yield
    }) : () -> ()
    %mul3A_106 = arith.constant 625 : i32
    %mul3A_107 = arith.muli %arg1, %mul3A_106 : i32
    %add3A_108 = arith.constant 512 : i32
    %add3A_109 = arith.addi %mul3A_107, %add3A_108 : i32
    "tpu.region"() ({
      %run_scoped3A = tpu.sem_alloc : memref<!tpu.dma_semaphore, #tpu.memory_space<semaphore_mem>>
      %dma_start3A_110 = arith.constant 0 : i32
      %dma_start3A_111 = arith.constant 0 : i32
      %dma_start3A_112 = tpu.memref_slice %arg8[%dma_start3A_110, %dma_start3A_111] : memref<128x32xbf16, #tpu.memory_space<vmem>> -> memref<113x32xbf16, #tpu.memory_space<vmem>>
      %dma_start3A_113 = arith.constant 0 : i32
      %dma_start3A_114 = tpu.memref_slice %arg12[%add3A_109, %dma_start3A_113] : memref<10240x32xbf16, #tpu.memory_space<vmem_shared>> -> memref<113x32xbf16, #tpu.memory_space<vmem_shared>>
      %dma_start3A_115 = arith.constant 0 : i32
      %dma_start3A_116 = arith.constant 0 : i32
      %dma_start3A_117 = tpu.memref_slice %arg8[%dma_start3A_115, %dma_start3A_116] : memref<128x32xbf16, #tpu.memory_space<vmem>> -> memref<113x32xbf16, #tpu.memory_space<vmem>>
      %dma_start3A_118 = arith.constant 0 : i32
      %dma_start3A_119 = tpu.memref_slice %arg12[%add3A_109, %dma_start3A_118] : memref<10240x32xbf16, #tpu.memory_space<vmem_shared>> -> memref<113x32xbf16, #tpu.memory_space<vmem_shared>>
      tpu.enqueue_dma source(%dma_start3A_119 : memref<113x32xbf16, #tpu.memory_space<vmem_shared>>) target(%dma_start3A_117 : memref<113x32xbf16, #tpu.memory_space<vmem>>) target_semaphore(%run_scoped3A : memref<!tpu.dma_semaphore, #tpu.memory_space<semaphore_mem>>)
      %dma_wait3A_120 = arith.constant 0 : i32
      %dma_wait3A_121 = arith.constant 0 : i32
      %dma_wait3A_122 = tpu.memref_slice %arg8[%dma_wait3A_120, %dma_wait3A_121] : memref<128x32xbf16, #tpu.memory_space<vmem>> -> memref<113x32xbf16, #tpu.memory_space<vmem>>
      %dma_wait3A_123 = arith.constant 0 : i32
      %dma_wait3A_124 = tpu.memref_slice %arg12[%add3A_109, %dma_wait3A_123] : memref<10240x32xbf16, #tpu.memory_space<vmem_shared>> -> memref<113x32xbf16, #tpu.memory_space<vmem_shared>>
      %dma_wait3A_125 = arith.constant 0 : i32
      %dma_wait3A_126 = arith.constant 0 : i32
      %dma_wait3A_127 = tpu.memref_slice %arg8[%dma_wait3A_125, %dma_wait3A_126] : memref<128x32xbf16, #tpu.memory_space<vmem>> -> memref<113x32xbf16, #tpu.memory_space<vmem>>
      %dma_wait3A_128 = arith.constant 0 : i32
      %dma_wait3A_129 = tpu.memref_slice %arg12[%add3A_109, %dma_wait3A_128] : memref<10240x32xbf16, #tpu.memory_space<vmem_shared>> -> memref<113x32xbf16, #tpu.memory_space<vmem_shared>>
      tpu.wait_dma2 semaphore(%run_scoped3A : memref<!tpu.dma_semaphore, #tpu.memory_space<semaphore_mem>>) src(%dma_wait3A_129 : memref<113x32xbf16, #tpu.memory_space<vmem_shared>>) dst(%dma_wait3A_127 : memref<113x32xbf16, #tpu.memory_space<vmem>>)
      tpu.yield
    }) : () -> ()
    "tpu.region"() ({
      %run_scoped3A = tpu.sem_alloc : memref<!tpu.dma_semaphore, #tpu.memory_space<semaphore_mem>>
      %dma_start3A_110 = arith.constant 0 : i32
      %dma_start3A_111 = arith.constant 0 : i32
      %dma_start3A_112 = tpu.memref_slice %arg8[%dma_start3A_110, %dma_start3A_111] : memref<128x32xbf16, #tpu.memory_space<vmem>> -> memref<113x32xbf16, #tpu.memory_space<vmem>>
      %dma_start3A_113 = arith.constant 0 : i32
      %dma_start3A_114 = tpu.memref_slice %arg5[%arg0, %add3A_109, %dma_start3A_113] : memref<2x10000x32xbf16, #tpu.memory_space<hbm>> -> memref<1x113x32xbf16, #tpu.memory_space<hbm>>
      %dma_start3A_115 = tpu.memref_squeeze %dma_start3A_114 : memref<1x113x32xbf16, #tpu.memory_space<hbm>> -> memref<113x32xbf16, #tpu.memory_space<hbm>>
      %dma_start3A_116 = arith.constant 0 : i32
      %dma_start3A_117 = tpu.memref_slice %arg5[%arg0, %add3A_109, %dma_start3A_116] : memref<2x10000x32xbf16, #tpu.memory_space<hbm>> -> memref<1x113x32xbf16, #tpu.memory_space<hbm>>
      %dma_start3A_118 = tpu.memref_squeeze %dma_start3A_117 : memref<1x113x32xbf16, #tpu.memory_space<hbm>> -> memref<113x32xbf16, #tpu.memory_space<hbm>>
      %dma_start3A_119 = arith.constant 0 : i32
      %dma_start3A_120 = arith.constant 0 : i32
      %dma_start3A_121 = tpu.memref_slice %arg8[%dma_start3A_119, %dma_start3A_120] : memref<128x32xbf16, #tpu.memory_space<vmem>> -> memref<113x32xbf16, #tpu.memory_space<vmem>>
      tpu.enqueue_dma source(%dma_start3A_121 : memref<113x32xbf16, #tpu.memory_space<vmem>>) target(%dma_start3A_118 : memref<113x32xbf16, #tpu.memory_space<hbm>>) target_semaphore(%run_scoped3A : memref<!tpu.dma_semaphore, #tpu.memory_space<semaphore_mem>>)
      %dma_wait3A_122 = arith.constant 0 : i32
      %dma_wait3A_123 = arith.constant 0 : i32
      %dma_wait3A_124 = tpu.memref_slice %arg8[%dma_wait3A_122, %dma_wait3A_123] : memref<128x32xbf16, #tpu.memory_space<vmem>> -> memref<113x32xbf16, #tpu.memory_space<vmem>>
      %dma_wait3A_125 = arith.constant 0 : i32
      %dma_wait3A_126 = tpu.memref_slice %arg5[%arg0, %add3A_109, %dma_wait3A_125] : memref<2x10000x32xbf16, #tpu.memory_space<hbm>> -> memref<1x113x32xbf16, #tpu.memory_space<hbm>>
      %dma_wait3A_127 = tpu.memref_squeeze %dma_wait3A_126 : memref<1x113x32xbf16, #tpu.memory_space<hbm>> -> memref<113x32xbf16, #tpu.memory_space<hbm>>
      %dma_wait3A_128 = arith.constant 0 : i32
      %dma_wait3A_129 = tpu.memref_slice %arg5[%arg0, %add3A_109, %dma_wait3A_128] : memref<2x10000x32xbf16, #tpu.memory_space<hbm>> -> memref<1x113x32xbf16, #tpu.memory_space<hbm>>
      %dma_wait3A_130 = tpu.memref_squeeze %dma_wait3A_129 : memref<1x113x32xbf16, #tpu.memory_space<hbm>> -> memref<113x32xbf16, #tpu.memory_space<hbm>>
      %dma_wait3A_131 = arith.constant 0 : i32
      %dma_wait3A_132 = arith.constant 0 : i32
      %dma_wait3A_133 = tpu.memref_slice %arg8[%dma_wait3A_131, %dma_wait3A_132] : memref<128x32xbf16, #tpu.memory_space<vmem>> -> memref<113x32xbf16, #tpu.memory_space<vmem>>
      tpu.wait_dma2 semaphore(%run_scoped3A : memref<!tpu.dma_semaphore, #tpu.memory_space<semaphore_mem>>) src(%dma_wait3A_133 : memref<113x32xbf16, #tpu.memory_space<vmem>>) dst(%dma_wait3A_130 : memref<113x32xbf16, #tpu.memory_space<hbm>>)
      tpu.yield
    }) : () -> ()
    return
  }
}

module attributes {stable_mosaic.version = 14 : i64} {
  func.func @_mm1_body(%arg0: i32, %arg1: memref<1000x128xf32, #tpu.memory_space<vmem>>, %arg2: memref<128x128xf32, #tpu.memory_space<vmem>>, %arg3: memref<2x1000x1xf32, #tpu.memory_space<vmem>>, %arg4: memref<2x1000x64xbf16, #tpu.memory_space<vmem>>) attributes {dimension_semantics = [#tpu.dimension_semantics<arbitrary>], iteration_bounds = array<i64: 10>, scalar_prefetch = 0 : i64, scratch_operands = 0 : i64, tpu.core_type = #tpu.core_type<tc>, window_params = [{transform_indices = @transform_0, window_bounds = array<i64: 1000, 128>}, {pipeline_mode = #tpu.pipeline_mode<synchronous>, transform_indices = @transform_1, window_bounds = array<i64: 128, 128>}, {transform_indices = @transform_2, window_bounds = array<i64: 2, 1000, 1>}, {transform_indices = @transform_3, window_bounds = array<i64: 2, 1000, 64>}]} {
    %get3A = arith.constant 0 : index
    %get3A_0 = arith.constant 0 : index
    %get3A_1 = arith.constant 0 : index
    %get3A_2 = vector.load %arg3[%get3A, %get3A_0, %get3A_1] : memref<2x1000x1xf32, #tpu.memory_space<vmem>>, vector<1x1000x1xf32>
    %get3A_3 = vector.shape_cast %get3A_2 : vector<1x1000x1xf32> to vector<1000x1xf32>
    %get3A_4 = arith.constant 1 : index
    %get3A_5 = arith.constant 0 : index
    %get3A_6 = arith.constant 0 : index
    %get3A_7 = vector.load %arg3[%get3A_4, %get3A_5, %get3A_6] : memref<2x1000x1xf32, #tpu.memory_space<vmem>>, vector<1x1000x1xf32>
    %get3A_8 = vector.shape_cast %get3A_7 : vector<1x1000x1xf32> to vector<1000x1xf32>
    %add3A = arith.addf %get3A_3, %get3A_8 : vector<1000x1xf32>
    %add3A_9 = arith.constant 1.000000e+00 : f32
    %add3A_10 = vector.broadcast %add3A_9 : f32 to vector<1000x1xf32>
    %add3A_11 = arith.addf %add3A, %add3A_10 : vector<1000x1xf32>
    %rsqrt3A = math.rsqrt %add3A_11 : vector<1000x1xf32>
    %get3A_12 = arith.constant 0 : index
    %get3A_13 = arith.constant 0 : index
    %get3A_14 = vector.load %arg1[%get3A_12, %get3A_13] : memref<1000x128xf32, #tpu.memory_space<vmem>>, vector<1000x128xf32>
    %get3A_15 = arith.constant 0 : index
    %get3A_16 = arith.constant 0 : index
    %get3A_17 = vector.load %arg2[%get3A_15, %get3A_16] : memref<128x128xf32, #tpu.memory_space<vmem>>, vector<128x128xf32>
    %dot_general3A = arith.constant dense<0.000000e+00> : vector<1000x128xf32>
    %dot_general3A_18 = tpu.matmul %get3A_14, %get3A_17, %dot_general3A {dimension_numbers = #tpu.dot_dimension_numbers<[1], [0], [0], [1], [0, 0, 1, 1], [], []>, transpose_lhs_hint = false} : vector<1000x128xf32>, vector<128x128xf32>, vector<1000x128xf32> -> vector<1000x128xf32>
    %mul3A = vector.broadcast %rsqrt3A : vector<1000x1xf32> to vector<1000x128xf32>
    %mul3A_19 = arith.mulf %dot_general3A_18, %mul3A : vector<1000x128xf32>
    %convert_element_type3A = arith.truncf %mul3A_19 : vector<1000x128xf32> to vector<1000x128xbf16>
    %slice3A = vector.extract_strided_slice %convert_element_type3A {offsets = [0, 0], sizes = [1000, 64], strides = [1, 1]} : vector<1000x128xbf16> to vector<1000x64xbf16>
    %swap3A = arith.constant 0 : index
    %swap3A_20 = arith.constant 0 : index
    %swap3A_21 = arith.constant 0 : index
    %swap3A_22 = vector.load %arg4[%swap3A, %swap3A_20, %swap3A_21] : memref<2x1000x64xbf16, #tpu.memory_space<vmem>>, vector<1x1000x64xbf16>
    %swap3A_23 = vector.shape_cast %swap3A_22 : vector<1x1000x64xbf16> to vector<1000x64xbf16>
    %swap3A_24 = vector.shape_cast %slice3A : vector<1000x64xbf16> to vector<1x1000x64xbf16>
    tpu.vector_store %arg4[%swap3A, %swap3A_20, %swap3A_21], %swap3A_24 {strides = array<i32>} : memref<2x1000x64xbf16, #tpu.memory_space<vmem>>, vector<1x1000x64xbf16>,
    %slice3A_25 = vector.extract_strided_slice %convert_element_type3A {offsets = [0, 64], sizes = [1000, 64], strides = [1, 1]} : vector<1000x128xbf16> to vector<1000x64xbf16>
    %swap3A_26 = arith.constant 1 : index
    %swap3A_27 = arith.constant 0 : index
    %swap3A_28 = arith.constant 0 : index
    %swap3A_29 = vector.load %arg4[%swap3A_26, %swap3A_27, %swap3A_28] : memref<2x1000x64xbf16, #tpu.memory_space<vmem>>, vector<1x1000x64xbf16>
    %swap3A_30 = vector.shape_cast %swap3A_29 : vector<1x1000x64xbf16> to vector<1000x64xbf16>
    %swap3A_31 = vector.shape_cast %slice3A_25 : vector<1000x64xbf16> to vector<1x1000x64xbf16>
    tpu.vector_store %arg4[%swap3A_26, %swap3A_27, %swap3A_28], %swap3A_31 {strides = array<i32>} : memref<2x1000x64xbf16, #tpu.memory_space<vmem>>, vector<1x1000x64xbf16>,
    return
  }
  func.func @transform_0(%arg0: i32) -> (i32, i32) {
    %c0_i32 = arith.constant 0 : i32
    %c0_i32_0 = arith.constant 0 : i32
    return %arg0, %c0_i32 : i32, i32
  }
  func.func @transform_1(%arg0: i32) -> (i32, i32) {
    %c0_i32 = arith.constant 0 : i32
    %c0_i32_0 = arith.constant 0 : i32
    %c0_i32_1 = arith.constant 0 : i32
    return %c0_i32, %c0_i32_0 : i32, i32
  }
  func.func @transform_2(%arg0: i32) -> (i32, i32, i32) {
    %c0_i32 = arith.constant 0 : i32
    %c0_i32_0 = arith.constant 0 : i32
    %c0_i32_1 = arith.constant 0 : i32
    return %c0_i32, %arg0, %c0_i32_0 : i32, i32, i32
  }
  func.func @transform_3(%arg0: i32) -> (i32, i32, i32) {
    %c0_i32 = arith.constant 0 : i32
    %c0_i32_0 = arith.constant 0 : i32
    %c0_i32_1 = arith.constant 0 : i32
    return %c0_i32, %arg0, %c0_i32_0 : i32, i32, i32
  }
}

module attributes {stable_mosaic.version = 14 : i64} {
  func.func @_mm2_body(%arg0: i32, %arg1: memref<2x1000x64xbf16, #tpu.memory_space<vmem>>, %arg2: memref<2x1000x64xbf16, #tpu.memory_space<vmem>>, %arg3: memref<2x1000x1xf32, #tpu.memory_space<vmem>>, %arg4: memref<1x128xf32, #tpu.memory_space<vmem>>, %arg5: memref<128x64xf32, #tpu.memory_space<vmem>>, %arg6: memref<2x1000x32xbf16, #tpu.memory_space<vmem>>) attributes {dimension_semantics = [#tpu.dimension_semantics<arbitrary>], iteration_bounds = array<i64: 10>, scalar_prefetch = 0 : i64, scratch_operands = 0 : i64, tpu.core_type = #tpu.core_type<tc>, window_params = [{transform_indices = @transform_0, window_bounds = array<i64: 2, 1000, 64>}, {transform_indices = @transform_1, window_bounds = array<i64: 2, 1000, 64>}, {transform_indices = @transform_2, window_bounds = array<i64: 2, 1000, 1>}, {pipeline_mode = #tpu.pipeline_mode<synchronous>, transform_indices = @transform_3, window_bounds = array<i64: 1, 128>}, {pipeline_mode = #tpu.pipeline_mode<synchronous>, transform_indices = @transform_4, window_bounds = array<i64: 128, 64>}, {transform_indices = @transform_5, window_bounds = array<i64: 2, 1000, 32>}]} {
    %get3A = arith.constant 0 : index
    %get3A_0 = arith.constant 0 : index
    %get3A_1 = arith.constant 0 : index
    %get3A_2 = vector.load %arg3[%get3A, %get3A_0, %get3A_1] : memref<2x1000x1xf32, #tpu.memory_space<vmem>>, vector<1x1000x1xf32>
    %get3A_3 = vector.shape_cast %get3A_2 : vector<1x1000x1xf32> to vector<1000x1xf32>
    %get3A_4 = arith.constant 1 : index
    %get3A_5 = arith.constant 0 : index
    %get3A_6 = arith.constant 0 : index
    %get3A_7 = vector.load %arg3[%get3A_4, %get3A_5, %get3A_6] : memref<2x1000x1xf32, #tpu.memory_space<vmem>>, vector<1x1000x1xf32>
    %get3A_8 = vector.shape_cast %get3A_7 : vector<1x1000x1xf32> to vector<1000x1xf32>
    %add3A = arith.addf %get3A_3, %get3A_8 : vector<1000x1xf32>
    %add3A_9 = arith.constant 1.000000e+00 : f32
    %add3A_10 = vector.broadcast %add3A_9 : f32 to vector<1000x1xf32>
    %add3A_11 = arith.addf %add3A, %add3A_10 : vector<1000x1xf32>
    %rsqrt3A = math.rsqrt %add3A_11 : vector<1000x1xf32>
    %get3A_12 = arith.constant 0 : index
    %get3A_13 = arith.constant 0 : index
    %get3A_14 = arith.constant 0 : index
    %get3A_15 = vector.load %arg1[%get3A_12, %get3A_13, %get3A_14] : memref<2x1000x64xbf16, #tpu.memory_space<vmem>>, vector<1x1000x64xbf16>
    %get3A_16 = vector.shape_cast %get3A_15 : vector<1x1000x64xbf16> to vector<1000x64xbf16>
    %get3A_17 = arith.constant 0 : index
    %get3A_18 = arith.constant 0 : index
    %get3A_19 = arith.constant 0 : index
    %get3A_20 = vector.load %arg2[%get3A_17, %get3A_18, %get3A_19] : memref<2x1000x64xbf16, #tpu.memory_space<vmem>>, vector<1x1000x64xbf16>
    %get3A_21 = vector.shape_cast %get3A_20 : vector<1x1000x64xbf16> to vector<1000x64xbf16>
    %add3A_22 = arith.addf %get3A_16, %get3A_21 : vector<1000x64xbf16>
    %get3A_23 = arith.constant 1 : index
    %get3A_24 = arith.constant 0 : index
    %get3A_25 = arith.constant 0 : index
    %get3A_26 = vector.load %arg1[%get3A_23, %get3A_24, %get3A_25] : memref<2x1000x64xbf16, #tpu.memory_space<vmem>>, vector<1x1000x64xbf16>
    %get3A_27 = vector.shape_cast %get3A_26 : vector<1x1000x64xbf16> to vector<1000x64xbf16>
    %get3A_28 = arith.constant 1 : index
    %get3A_29 = arith.constant 0 : index
    %get3A_30 = arith.constant 0 : index
    %get3A_31 = vector.load %arg2[%get3A_28, %get3A_29, %get3A_30] : memref<2x1000x64xbf16, #tpu.memory_space<vmem>>, vector<1x1000x64xbf16>
    %get3A_32 = vector.shape_cast %get3A_31 : vector<1x1000x64xbf16> to vector<1000x64xbf16>
    %add3A_33 = arith.addf %get3A_27, %get3A_32 : vector<1000x64xbf16>
    %concatenate3A = tpu.concatenate %add3A_22, %add3A_33 in 1 : vector<1000x64xbf16>, vector<1000x64xbf16> -> vector<1000x128xbf16>
    %convert_element_type3A = arith.extf %concatenate3A : vector<1000x128xbf16> to vector<1000x128xf32>
    %mul3A = vector.broadcast %rsqrt3A : vector<1000x1xf32> to vector<1000x128xf32>
    %mul3A_34 = arith.mulf %convert_element_type3A, %mul3A : vector<1000x128xf32>
    %get3A_35 = arith.constant 0 : index
    %get3A_36 = arith.constant 0 : index
    %get3A_37 = vector.load %arg4[%get3A_35, %get3A_36] : memref<1x128xf32, #tpu.memory_space<vmem>>, vector<1x128xf32>
    %add3A_38 = vector.broadcast %get3A_37 : vector<1x128xf32> to vector<1000x128xf32>
    %add3A_39 = arith.addf %mul3A_34, %add3A_38 : vector<1000x128xf32>
    %max3A = arith.constant 0.000000e+00 : f32
    %max3A_40 = vector.broadcast %max3A : f32 to vector<1000x128xf32>
    %max3A_41 = arith.maximumf %add3A_39, %max3A_40 : vector<1000x128xf32>
    %get3A_42 = arith.constant 0 : index
    %get3A_43 = arith.constant 0 : index
    %get3A_44 = vector.load %arg5[%get3A_42, %get3A_43] : memref<128x64xf32, #tpu.memory_space<vmem>>, vector<128x64xf32>
    %dot_general3A = arith.constant dense<0.000000e+00> : vector<1000x64xf32>
    %dot_general3A_45 = tpu.matmul %max3A_41, %get3A_44, %dot_general3A {dimension_numbers = #tpu.dot_dimension_numbers<[1], [0], [0], [1], [0, 0, 1, 1], [], []>, transpose_lhs_hint = false} : vector<1000x128xf32>, vector<128x64xf32>, vector<1000x64xf32> -> vector<1000x64xf32>
    %mul3A_46 = vector.broadcast %rsqrt3A : vector<1000x1xf32> to vector<1000x64xf32>
    %mul3A_47 = arith.mulf %dot_general3A_45, %mul3A_46 : vector<1000x64xf32>
    %convert_element_type3A_48 = arith.truncf %mul3A_47 : vector<1000x64xf32> to vector<1000x64xbf16>
    %slice3A = vector.extract_strided_slice %convert_element_type3A_48 {offsets = [0, 0], sizes = [1000, 32], strides = [1, 1]} : vector<1000x64xbf16> to vector<1000x32xbf16>
    %swap3A = arith.constant 0 : index
    %swap3A_49 = arith.constant 0 : index
    %swap3A_50 = arith.constant 0 : index
    %swap3A_51 = vector.load %arg6[%swap3A, %swap3A_49, %swap3A_50] : memref<2x1000x32xbf16, #tpu.memory_space<vmem>>, vector<1x1000x32xbf16>
    %swap3A_52 = vector.shape_cast %swap3A_51 : vector<1x1000x32xbf16> to vector<1000x32xbf16>
    %swap3A_53 = vector.shape_cast %slice3A : vector<1000x32xbf16> to vector<1x1000x32xbf16>
    tpu.vector_store %arg6[%swap3A, %swap3A_49, %swap3A_50], %swap3A_53 {strides = array<i32>} : memref<2x1000x32xbf16, #tpu.memory_space<vmem>>, vector<1x1000x32xbf16>,
    %slice3A_54 = vector.extract_strided_slice %convert_element_type3A_48 {offsets = [0, 32], sizes = [1000, 32], strides = [1, 1]} : vector<1000x64xbf16> to vector<1000x32xbf16>
    %swap3A_55 = arith.constant 1 : index
    %swap3A_56 = arith.constant 0 : index
    %swap3A_57 = arith.constant 0 : index
    %swap3A_58 = vector.load %arg6[%swap3A_55, %swap3A_56, %swap3A_57] : memref<2x1000x32xbf16, #tpu.memory_space<vmem>>, vector<1x1000x32xbf16>
    %swap3A_59 = vector.shape_cast %swap3A_58 : vector<1x1000x32xbf16> to vector<1000x32xbf16>
    %swap3A_60 = vector.shape_cast %slice3A_54 : vector<1000x32xbf16> to vector<1x1000x32xbf16>
    tpu.vector_store %arg6[%swap3A_55, %swap3A_56, %swap3A_57], %swap3A_60 {strides = array<i32>} : memref<2x1000x32xbf16, #tpu.memory_space<vmem>>, vector<1x1000x32xbf16>,
    return
  }
  func.func @transform_0(%arg0: i32) -> (i32, i32, i32) {
    %c0_i32 = arith.constant 0 : i32
    %c0_i32_0 = arith.constant 0 : i32
    %c0_i32_1 = arith.constant 0 : i32
    return %c0_i32, %arg0, %c0_i32_0 : i32, i32, i32
  }
  func.func @transform_1(%arg0: i32) -> (i32, i32, i32) {
    %c0_i32 = arith.constant 0 : i32
    %c0_i32_0 = arith.constant 0 : i32
    %c0_i32_1 = arith.constant 0 : i32
    return %c0_i32, %arg0, %c0_i32_0 : i32, i32, i32
  }
  func.func @transform_2(%arg0: i32) -> (i32, i32, i32) {
    %c0_i32 = arith.constant 0 : i32
    %c0_i32_0 = arith.constant 0 : i32
    %c0_i32_1 = arith.constant 0 : i32
    return %c0_i32, %arg0, %c0_i32_0 : i32, i32, i32
  }
  func.func @transform_3(%arg0: i32) -> (i32, i32) {
    %c0_i32 = arith.constant 0 : i32
    %c0_i32_0 = arith.constant 0 : i32
    %c0_i32_1 = arith.constant 0 : i32
    return %c0_i32, %c0_i32_0 : i32, i32
  }
  func.func @transform_4(%arg0: i32) -> (i32, i32) {
    %c0_i32 = arith.constant 0 : i32
    %c0_i32_0 = arith.constant 0 : i32
    %c0_i32_1 = arith.constant 0 : i32
    return %c0_i32, %c0_i32_0 : i32, i32
  }
  func.func @transform_5(%arg0: i32) -> (i32, i32, i32) {
    %c0_i32 = arith.constant 0 : i32
    %c0_i32_0 = arith.constant 0 : i32
    %c0_i32_1 = arith.constant 0 : i32
    return %c0_i32, %arg0, %c0_i32_0 : i32, i32, i32
  }
}

module attributes {stable_mosaic.version = 14 : i64} {
  func.func @_fin_body(%arg0: i32, %arg1: memref<2x1000x32xbf16, #tpu.memory_space<vmem>>, %arg2: memref<2x1000x32xbf16, #tpu.memory_space<vmem>>, %arg3: memref<2x1000x1xf32, #tpu.memory_space<vmem>>, %arg4: memref<1x64xf32, #tpu.memory_space<vmem>>, %arg5: memref<1000x64xf32, #tpu.memory_space<vmem>>) attributes {dimension_semantics = [#tpu.dimension_semantics<arbitrary>], iteration_bounds = array<i64: 10>, scalar_prefetch = 0 : i64, scratch_operands = 0 : i64, tpu.core_type = #tpu.core_type<tc>, window_params = [{transform_indices = @transform_0, window_bounds = array<i64: 2, 1000, 32>}, {transform_indices = @transform_1, window_bounds = array<i64: 2, 1000, 32>}, {transform_indices = @transform_2, window_bounds = array<i64: 2, 1000, 1>}, {pipeline_mode = #tpu.pipeline_mode<synchronous>, transform_indices = @transform_3, window_bounds = array<i64: 1, 64>}, {transform_indices = @transform_4, window_bounds = array<i64: 1000, 64>}]} {
    %get3A = arith.constant 0 : index
    %get3A_0 = arith.constant 0 : index
    %get3A_1 = arith.constant 0 : index
    %get3A_2 = vector.load %arg3[%get3A, %get3A_0, %get3A_1] : memref<2x1000x1xf32, #tpu.memory_space<vmem>>, vector<1x1000x1xf32>
    %get3A_3 = vector.shape_cast %get3A_2 : vector<1x1000x1xf32> to vector<1000x1xf32>
    %get3A_4 = arith.constant 1 : index
    %get3A_5 = arith.constant 0 : index
    %get3A_6 = arith.constant 0 : index
    %get3A_7 = vector.load %arg3[%get3A_4, %get3A_5, %get3A_6] : memref<2x1000x1xf32, #tpu.memory_space<vmem>>, vector<1x1000x1xf32>
    %get3A_8 = vector.shape_cast %get3A_7 : vector<1x1000x1xf32> to vector<1000x1xf32>
    %add3A = arith.addf %get3A_3, %get3A_8 : vector<1000x1xf32>
    %add3A_9 = arith.constant 1.000000e+00 : f32
    %add3A_10 = vector.broadcast %add3A_9 : f32 to vector<1000x1xf32>
    %add3A_11 = arith.addf %add3A, %add3A_10 : vector<1000x1xf32>
    %rsqrt3A = math.rsqrt %add3A_11 : vector<1000x1xf32>
    %get3A_12 = arith.constant 0 : index
    %get3A_13 = arith.constant 0 : index
    %get3A_14 = arith.constant 0 : index
    %get3A_15 = vector.load %arg1[%get3A_12, %get3A_13, %get3A_14] : memref<2x1000x32xbf16, #tpu.memory_space<vmem>>, vector<1x1000x32xbf16>
    %get3A_16 = vector.shape_cast %get3A_15 : vector<1x1000x32xbf16> to vector<1000x32xbf16>
    %get3A_17 = arith.constant 0 : index
    %get3A_18 = arith.constant 0 : index
    %get3A_19 = arith.constant 0 : index
    %get3A_20 = vector.load %arg2[%get3A_17, %get3A_18, %get3A_19] : memref<2x1000x32xbf16, #tpu.memory_space<vmem>>, vector<1x1000x32xbf16>
    %get3A_21 = vector.shape_cast %get3A_20 : vector<1x1000x32xbf16> to vector<1000x32xbf16>
    %add3A_22 = arith.addf %get3A_16, %get3A_21 : vector<1000x32xbf16>
    %get3A_23 = arith.constant 1 : index
    %get3A_24 = arith.constant 0 : index
    %get3A_25 = arith.constant 0 : index
    %get3A_26 = vector.load %arg1[%get3A_23, %get3A_24, %get3A_25] : memref<2x1000x32xbf16, #tpu.memory_space<vmem>>, vector<1x1000x32xbf16>
    %get3A_27 = vector.shape_cast %get3A_26 : vector<1x1000x32xbf16> to vector<1000x32xbf16>
    %get3A_28 = arith.constant 1 : index
    %get3A_29 = arith.constant 0 : index
    %get3A_30 = arith.constant 0 : index
    %get3A_31 = vector.load %arg2[%get3A_28, %get3A_29, %get3A_30] : memref<2x1000x32xbf16, #tpu.memory_space<vmem>>, vector<1x1000x32xbf16>
    %get3A_32 = vector.shape_cast %get3A_31 : vector<1x1000x32xbf16> to vector<1000x32xbf16>
    %add3A_33 = arith.addf %get3A_27, %get3A_32 : vector<1000x32xbf16>
    %concatenate3A = tpu.concatenate %add3A_22, %add3A_33 in 1 : vector<1000x32xbf16>, vector<1000x32xbf16> -> vector<1000x64xbf16>
    %convert_element_type3A = arith.extf %concatenate3A : vector<1000x64xbf16> to vector<1000x64xf32>
    %mul3A = vector.broadcast %rsqrt3A : vector<1000x1xf32> to vector<1000x64xf32>
    %mul3A_34 = arith.mulf %convert_element_type3A, %mul3A : vector<1000x64xf32>
    %get3A_35 = arith.constant 0 : index
    %get3A_36 = arith.constant 0 : index
    %get3A_37 = vector.load %arg4[%get3A_35, %get3A_36] : memref<1x64xf32, #tpu.memory_space<vmem>>, vector<1x64xf32>
    %add3A_38 = vector.broadcast %get3A_37 : vector<1x64xf32> to vector<1000x64xf32>
    %add3A_39 = arith.addf %mul3A_34, %add3A_38 : vector<1000x64xf32>
    %swap3A = arith.constant 0 : index
    %swap3A_40 = arith.constant 0 : index
    %swap3A_41 = vector.load %arg5[%swap3A, %swap3A_40] : memref<1000x64xf32, #tpu.memory_space<vmem>>, vector<1000x64xf32>
    tpu.vector_store %arg5[%swap3A, %swap3A_40], %add3A_39 {strides = array<i32>} : memref<1000x64xf32, #tpu.memory_space<vmem>>, vector<1000x64xf32>,
    return
  }
  func.func @transform_0(%arg0: i32) -> (i32, i32, i32) {
    %c0_i32 = arith.constant 0 : i32
    %c0_i32_0 = arith.constant 0 : i32
    %c0_i32_1 = arith.constant 0 : i32
    return %c0_i32, %arg0, %c0_i32_0 : i32, i32, i32
  }
  func.func @transform_1(%arg0: i32) -> (i32, i32, i32) {
    %c0_i32 = arith.constant 0 : i32
    %c0_i32_0 = arith.constant 0 : i32
    %c0_i32_1 = arith.constant 0 : i32
    return %c0_i32, %arg0, %c0_i32_0 : i32, i32, i32
  }
  func.func @transform_2(%arg0: i32) -> (i32, i32, i32) {
    %c0_i32 = arith.constant 0 : i32
    %c0_i32_0 = arith.constant 0 : i32
    %c0_i32_1 = arith.constant 0 : i32
    return %c0_i32, %arg0, %c0_i32_0 : i32, i32, i32
  }
  func.func @transform_3(%arg0: i32) -> (i32, i32) {
    %c0_i32 = arith.constant 0 : i32
    %c0_i32_0 = arith.constant 0 : i32
    %c0_i32_1 = arith.constant 0 : i32
    return %c0_i32, %c0_i32_0 : i32, i32
  }
  func.func @transform_4(%arg0: i32) -> (i32, i32) {
    %c0_i32 = arith.constant 0 : i32
    %c0_i32_0 = arith.constant 0 : i32
    return %arg0, %c0_i32 : i32, i32
  }
}

</mosaic_0001>

<sc_bundles>
// kernel: kernel.11.cloned.1.call-start
scs
__scs_entry_jumppad:
0x0: {  	(pc) =	sbr.rel $0x88, $3  }
0x1: {  	(tag) =	ssettag $0x0;
	lr =	simm.s32 $0x1  }
0x2: {  	[smem:$0x3F9B] =	sst lr;
	_ =	strace $0xD0000000  }
0x3: {  	_ = 	snop  }
0x4: {  	_ = 	snop  }
0x5: {  	_ = 	snop  }
0x6: {  	_ = 	snop  }
0x7: {  	_ = 	snop  }
__scs_overlays_trampoline_lowered:
0x8: {  	[smem:$0x3FAA] =	sst s0  }
0x9: {  	[smem:$0x3FAB] =	sst s1  }
0xa: {  	[smem:$0x3FAC] =	sst s2  }
0xb: {  	[smem:$0x3FAD] =	sst s3  }
0xc: {  	[smem:$0x3FAE] =	sst s4  }
0xd: {  	[smem:$0x3FAF] =	sst s5  }
0xe: {  	[smem:$0x3FB0] =	sst s6  }
0xf: {  	[smem:$0x3FB1] =	sst s7  }
0x10: {  	[smem:$0x3FB2] =	sst s8  }
0x11: {  	[smem:$0x3FB3] =	sst s9;
	s0 =	simm.s32 @!p0 $0x0  }
0x12: {  	s1 =	sld [smem:$0x3F99];
	s0 =	simm.s32 @p0 $0x1  }
0x13: {  	[smem:$0x3FB4] =	sst s0;
	s0 =	simm.s32 @!p1 $0x0  }
0x14: {  	s2 =	sld [smem:$0x3F98];
	s0 =	simm.s32 @p1 $0x1  }
0x15: {  	[smem:$0x3FB5] =	sst s0;
	s0 =	simm.s32 @!p2 $0x0  }
0x16: {  	s3 =	sld [smem:$0x3FDB];
	s0 =	simm.s32 @p2 $0x1  }
0x17: {  	s4 =	simm.s32 $0x1BF5;
	[smem:$0x3FB7] =	sst s0  }
0x18: {  	s0 =	sld [smem:$0x3F9A];
	_ =	swait.ge [sflag:s4], $0x0  }
0x19: {  	s7 =	sld [smem:$0x3F9B]  }
0x1a: {  	s8 =	sadd.s32 $0xFFFFE003, lr  }
0x1b: {  	s9 =	sadd.s32 $0xFFFFFEF7, lr;
	s5 =	simm.s32 $0xFFFFFFFF;
	p2 =	slt.u32 s8, $0xFFFFF086  }
0x1c: {  	p1 =	slt.u32 s9, $0xF7A;
	s5 =	simm.s32 @!p2 $0x0  }
0x1d: {  	s5 =	simm.s32 @p1 $0x1;
	p0 =	seq.s32 s7, s2  }
0x1e: {  	s7 =	smul.u32 @!p0 $0xF7A, s2;
	p2 =	seq.s32 @!p0 s5, $0x0  }
0x1f: {  	s9 =	smul.u32 $0xF7A, s1;
	s8 =	simm.s32 @!p0 $0x1BF5;
	p2 =	por !p2, p0  }
0x20: {  	[sflag:s8] =	ssyncset.s32 @!p0 $0xFFFFF086;
	s6 =	sadd.s32 @!p0 s3, s7;
	s7 =	simm.s32 @!p0 $0x108  }
0x21: {  	s3 =	sadd.s32 s3, s9;
	s6 =	sadd.s32 @!p0 $0x88, s6;
	s7 =	simm.s32 @p2 $0x1082  }
0x22: {  	[simem:s7], [sflag:s8] =	dma.local @!p0 [hbm:s6], $0xF7A  }
0x23: {  	s9 =	sor.u32 $0xD0000000, s2;
	s6 =	simm.s32 $0x108;
	_ =	swait.ge @!p0 [sflag:s8], $0x0  }
0x24: {  	s3 =	sadd.s32 $0x88, s3;
	s6 =	simm.s32 @!p1 $0x1082;
	[sflag:s4] =	ssyncset.s32 $0xFFFFF086  }
0x25: {  	[simem:s6], [sflag:s4] =	dma.local [hbm:s3], $0xF7A  }
0x26: {  	[smem:$0x3F9B] =	sst s1;
	(tag) =	ssettag s2;
	_ =	strace s9  }
0x27: {  	s1 =	sld [smem:$0x3FAB]  }
0x28: {  	s2 =	sld [smem:$0x3FAC]  }
0x29: {  	s4 =	sld [smem:$0x3FAE]  }
0x2a: {  	p0 =	seq.s32 s5, $0x0;
	s5 =	sld [smem:$0x3FAF]  }
0x2b: {  	s6 =	sld [smem:$0x3FB0]  }
0x2c: {  	s7 =	sld [smem:$0x3FB1]  }
0x2d: {  	s3 =	simm.s32 $0x108;
	s8 =	sld [smem:$0x3FB2]  }
0x2e: {  	s3 =	simm.s32 @!p0 $0x1082;
	s9 =	sld [smem:$0x3FB3]  }
0x2f: {  	lr =	sadd.s32 s0, s3;
	s0 =	sld [smem:$0x3FAA]  }
0x30: {  	s3 =	sld [smem:$0x3FAD]  }
0x31: {  	[smem:$0x3FB6] =	sst s10  }
0x32: {  	s10 =	sld [smem:$0x3FB4];
	_ =	sdelay $0x3  }
0x33: {  	p0 =	seq.s32 s10, $0x1;
	s10 =	sld [smem:$0x3FB6];
	_ =	sdelay $0x3  }
0x34: {  	[smem:$0x3FB6] =	sst s10  }
0x35: {  	s10 =	sld [smem:$0x3FB5];
	_ =	sdelay $0x3  }
0x36: {  	p1 =	seq.s32 s10, $0x1;
	s10 =	sld [smem:$0x3FB6];
	_ =	sdelay $0x3  }
0x37: {  	[smem:$0x3FB6] =	sst s10  }
0x38: {  	s10 =	sld [smem:$0x3FB7]  }
0x39: {  	_ = 	snop;
	(pc) =	sbr.ind lr, $3  }
0x3a: {  	_ = 	snop  }
0x3b: {  	_ = 	snop  }
0x3c: {  	p2 =	seq.s32 s10, $0x1;
	s10 =	sld [smem:$0x3FB6]  }
0x3d: {  	_ =	shalt  }
0x3e: {  	_ =	shalt  }
0x3f: {  	_ =	shalt  }
0x40: {  	_ =	shalt  }
0x41: {  	_ =	shalt  }
0x42: {  	_ =	shalt  }
0x43: {  	_ =	shalt  }
0x44: {  	_ =	shalt  }
0x45: {  	_ =	shalt  }
0x46: {  	_ =	shalt  }
0x47: {  	_ =	shalt  }
0x48: {  	_ =	shalt  }
0x49: {  	_ =	shalt  }
0x4a: {  	_ =	shalt  }
0x4b: {  	_ =	shalt  }
0x4c: {  	_ =	shalt  }
0x4d: {  	_ =	shalt  }
0x4e: {  	_ =	shalt  }
0x4f: {  	_ =	shalt  }
0x50: {  	_ =	shalt  }
0x51: {  	_ =	shalt  }
0x52: {  	_ =	shalt  }
0x53: {  	_ =	shalt  }
0x54: {  	_ =	shalt  }
0x55: {  	_ =	shalt  }
0x56: {  	_ =	shalt  }
0x57: {  	_ =	shalt  }
0x58: {  	_ =	shalt  }
0x59: {  	_ =	shalt  }
0x5a: {  	_ =	shalt  }
0x5b: {  	_ =	shalt  }
0x5c: {  	_ =	shalt  }
0x5d: {  	_ =	shalt  }
0x5e: {  	_ =	shalt  }
0x5f: {  	_ =	shalt  }
0x60: {  	_ =	shalt  }
0x61: {  	_ =	shalt  }
0x62: {  	_ =	shalt  }
0x63: {  	_ =	shalt  }
0x64: {  	_ =	shalt  }
0x65: {  	_ =	shalt  }
0x66: {  	_ =	shalt  }
0x67: {  	_ =	shalt  }
0x68: {  	_ =	shalt  }
0x69: {  	_ =	shalt  }
0x6a: {  	_ =	shalt  }
0x6b: {  	_ =	shalt  }
0x6c: {  	_ =	shalt  }
0x6d: {  	_ =	shalt  }
0x6e: {  	_ =	shalt  }
0x6f: {  	_ =	shalt  }
0x70: {  	_ =	shalt  }
0x71: {  	_ =	shalt  }
0x72: {  	_ =	shalt  }
0x73: {  	_ =	shalt  }
0x74: {  	_ =	shalt  }
0x75: {  	_ =	shalt  }
0x76: {  	_ =	shalt  }
0x77: {  	_ =	shalt  }
0x78: {  	_ =	shalt  }
0x79: {  	_ =	shalt  }
0x7a: {  	_ =	shalt  }
0x7b: {  	_ =	shalt  }
0x7c: {  	_ =	shalt  }
0x7d: {  	_ =	shalt  }
0x7e: {  	_ =	shalt  }
0x7f: {  	_ =	shalt  }
0x80: {  	_ =	shalt  }
0x81: {  	_ =	shalt  }
0x82: {  	_ =	shalt  }
0x83: {  	_ =	shalt  }
0x84: {  	_ =	shalt  }
0x85: {  	_ =	shalt  }
0x86: {  	_ =	shalt  }
0x87: {  	_ =	shalt  }
.Lfunc_end0:
.L_simem_size_0:
called_computation.1_lowered:
.L_overlay_start_0:
0x88: {  	s2 =	sld [smem:$0x3FD9]  }
0x89: {  	s3 =	sld [smem:$0x3FFE];
	_ =	sdelay $0x1  }
0x8a: {  	s1 =	srdreg.scid  }
0x8b: {  	s0 =	sand.u32 $0x1, s1  }
0x8c: {  	s17 =	sshll.u32 s0, $0xA;
	s2 =	sadd.s32 s3, s2  }
0x8d: {  	s2 =	sadd.s32 s2, s17  }
0x8e: {  	[smem:$0x3FC2] =	sst s2  }
0x8f: {  	_ = 	snop  }
0x90: {  	s2 =	sld [smem:$0x3FD0];
	(tm) =	ssettm $0x1  }
0x91: {  	s18 =	sld [smem:$0x3FFB];
	_ =	sdelay $0x3  }
0x92: {  	_ =	strace s18  }
0x93: {  	s3 =	sld [smem:$0x3FFC];
	_ =	sdelay $0x3  }
0x94: {  	_ =	strace s3  }
0x95: {  	s3 =	sld [smem:$0x3FFD];
	_ =	sdelay $0x3  }
0x96: {  	_ =	strace s3  }
0x97: {  	_ =	strace $0x8FFFFFFF  }
0x98: {  	s19 =	sld [smem:$0x3FDB];
	_ =	sdelay $0x1  }
0x99: {  	s4 =	simm.s32 $_scs_section_size  }
0x9a: {  	s5 =	simm.s32 $_size__tile_overlayer_lowered;
	s6 =	simm.s32 $_tile_overlayer_lowered  }
0x9b: {  	s22 =	simm.s32 $0x1BFF;
	s21 =	sshll.u32 s6, $0x1;
	s3 =	sadd.s32 s4, s19  }
0x9c: {  	s7 =	simm.s32 $0x0;
	s20 =	sshll.u32 s5, $0x1;
	s5 =	sadd.s32 s21, s3  }
0x9d: {  	[timem:s7], [sflag:s22] =	dma.local [hbm:s5], s20  }
0x9e: {  	_ =	swait.ge [sflag:s22], s20  }
0x9f: {  	s4 =	ssub.s32 $0x0, s20;
	[sflag:s22] =	ssyncset.done $0x0  }
0xa0: {  	[sflag:s22] =	ssyncadd.s32 s4;
	_ =	sdelay $0x1  }
0xa1: {  	s23 =	simm.s32 $0x1B8B  }
0xa2: {  	_ =	swait.ge [sflag:s23], $0x1  }
0xa3: {  	[sflag:s23] =	ssyncset.done $0x0  }
0xa4: {  	s25 =	simm.s32 $0x1B8E;
	s24 =	sld [smem:$0x3FFE];
	[sflag:s23] =	ssyncadd.s32 $0xFFFFFFFF  }
0xa5: {  	s26 =	simm.s32 $execute0_lowered;
	[smem:$0x3FD2] =	sst s25  }
0xa6: {  	s5 =	sshll.u32 s26, $0x1;
	_ =	strace $0x80000049;
	[dreg:$0x1] =	wrdreg $0xFFFFFFFF  }
0xa7: {  	s28 =	simm.s32 $_size_execute0_lowered;
	s3 =	sadd.s32 s3, s5;
	[dreg:$0x0] =	wrdreg $0x0  }
0xa8: {  	s5 =	sshll.u32 s28, $0x1;
	[dreg:$0x2] =	wrdreg s3  }
0xa9: {  	[dreg:$0x3] =	wrdreg s5  }
0xaa: {  	[dreg:$0x4] =	wrdreg $0xC0  }
0xab: {  	_ =	task [dreg:s7], $0x5FFFF  }
0xac: {  	[dreg:$0x1] =	wrdreg $0xFFFFFFFF  }
0xad: {  	[dreg:$0x0] =	wrdreg $0x60  }
0xae: {  	[dreg:$0x2] =	wrdreg s2  }
0xaf: {  	[dreg:$0x3] =	wrdreg s24  }
0xb0: {  	[dreg:$0x4] =	wrdreg $0xE0000  }
0xb1: {  	[dreg:$0x5] =	wrdreg $0x130000  }
0xb2: {  	[dreg:$0x6] =	wrdreg $0x9  }
0xb3: {  	_ =	task.clear_ibuf [dreg:s7], $0x7FFFF;
	_ =	strace $0x90000049  }
0xb4: {  	s29 =	simm.s32 $0x9;
	_ =	strace $0x8000004B  }
0xb5: {  	_ =	swait.ge [sflag:s29], $0x1  }
0xb6: {  	[sflag:s29] =	ssyncadd.s32 $0xFFFFFFFF  }
0xb7: {  	_ =	strace $0x9000004B  }
0xb8: {  	_ =	sfence  }
0xb9: {  	s30 =	sld [smem:$0x0];
	_ =	sdelay $0x2  }
0xba: {  	s31 =	sshll.u32 s1, $0xD;
	s1 =	sshrl.u32 s1, $0x2  }
0xbb: {  	s3 =	sand.u32 $0x4000, s31;
	s1 =	sadd.s32 s1, s30  }
0xbc: {  	s0 =	sor.u32 s3, s0;
	s1 =	sshll.u32 s1, $0x11  }
0xbd: {  	s0 =	sor.u32 s1, s0  }
0xbe: {  	s0 =	sadd.s32 $0x8F2B, s0  }
0xbf: {  	[sflag:s0] =	ssyncadd.remote.s32 $0x1  }
0xc0: {  	_ =	sfence.sel $0xFFFF  }
0xc1: {  	[dreg:$0x0] =	wrdreg $0xFFFFFFFF;
	(pc) =	sbr.abs _section_cstart, $3  }
0xc2: {  	[dreg:$0x1] =	wrdreg $0xFFFFFFFF  }
0xc3: {  	_ =	task.clear_ibuf [dreg:s7], $0x2FFFF;
	_ =	strace $0x9FFFFFFF  }
0xc4: {  	(tm) =	ssettm $0x7FFFFFFF  }
0xc5: {  	_ =	shalt  }
tec
execute0_lowered:
.L_overlay_start_1:
0x0: {  	(tag) =	ssettag $0x1  }
0x1: {  	s0 =	rddreg [dreg:$0x0]  }
0x2: {  	s1 =	rddreg [dreg:$0x1]  }
0x3: {  	s2 =	rddreg [dreg:$0x2]  }
0x4: {  	s3 =	rddreg [dreg:$0x3];
	s4 =	simm.s32 $0x0  }
0x5: {  	s10 =	stileid.u32;
	s6 =	srdreg.scid;
	s29 =	simm.s32 $0x80  }
0x6: {  	s30 =	simm.s32 $0xB000;
	s28 =	simm.s32 $0xD000;
	s5 =	smul.u32 $0xA00, s10  }
0x7: {  	[smem:$0x7FF] =	sst s4;
	s7 =	smul.u32 $0x14000, s10;
	s6 =	sand.u32 $0x1, s6  }
0x8: {  	s31 =	simm.s32 $0x1;
	_ =	strace $0x8000004A;
	s9 =	ssub.s32 $0x2, s6  }
0x9: {  	s6 =	smul.u32 $0x9C400, s6;
	s8 =	sadd.s32 s5, s1;
	s24 =	sshrl.u32 s7, $0x2  }
0xa: {  	s7 =	smul.u32 $0x9C40, s10;
	s25 =	sshrl.u32 s9, $0x1;
	s1 =	sadd.s32 $0x8CE00, s1  }
0xb: {  	s5 =	sadd.s32 s24, s2;
	s9 =	ssub.s32 s9, s25;
	s15 =	sadd.s32 $0xBC00, s8  }
0xc: {  	s16 =	sadd.s32 $0x1C00, s8;
	s26 =	sadd.s32 $0x1000, s5;
	[dreg:$0xa] =	wrdreg s15  }
0xd: {  	s11 =	sadd.s32 $0x2000, s5;
	s12 =	sadd.s32 $0x3000, s5;
	[dreg:$0xb] =	wrdreg s16  }
0xe: {  	s13 =	sadd.s32 s7, s6;
	s14 =	sshrl.u32 s7, $0x1;
	[dreg:$0x5] =	wrdreg s26  }
0xf: {  	s18 =	sadd.s32 $0x2000, s7;
	s21 =	sadd.s32 $0x4000, s7;
	[dreg:$0x6] =	wrdreg s11  }
0x10: {  	s24 =	sadd.s32 $0x6000, s7;
	s7 =	sadd.s32 $0x8000, s7;
	[dreg:$0x7] =	wrdreg s12  }
0x11: {  	s11 =	sadd.s32 $0x4000, s5;
	s10 =	sshrl.u32 s13, $0x4;
	s12 =	sadd.s32 s14, s3  }
0x12: {  	s17 =	sadd.s32 s14, s2;
	s20 =	sshrl.u32 s18, $0x1;
	s22 =	sshrl.u32 s21, $0x1  }
0x13: {  	s25 =	sshrl.u32 s24, $0x1;
	s26 =	sadd.s32 s6, s24;
	[dreg:$0x8] =	wrdreg s11  }
0x14: {  	s24 =	simm.s32 $0xA000;
	s0 =	sadd.s32 s0, s10;
	[dreg:$0xc] =	wrdreg s17  }
0x15: {  	s19 =	sadd.s32 s1, s10;
	s8 =	sadd.s32 s20, s2;
	[dreg:$0x9] =	wrdreg s0  }
0x16: {  	s17 =	sadd.s32 s22, s2;
	s10 =	simm.s32 $0x4;
	[dreg:$0xd] =	wrdreg s19  }
0x17: {  	s11 =	simm.s32 $0x8;
	s0 =	sadd.s32 s6, s18;
	[dreg:$0xe] =	wrdreg s8  }
0x18: {  	s8 =	sadd.s32 s6, s21;
	s19 =	sadd.s32 s25, s2;
	s6 =	sadd.s32 s6, s7  }
0x19: {  	s7 =	sshrl.u32 s7, $0x1;
	s25 =	sshrl.u32 s12, $0x3;
	s12 =	simm.s32 $0x0  }
0x1a: {  	s0 =	sshrl.u32 s0, $0x4;
	s23 =	sshrl.u32 s8, $0x4;
	s6 =	sshrl.u32 s6, $0x4  }
0x1b: {  	s21 =	sadd.s32 s7, s2;
	s7 =	simm.s32 $0x6;
	s8 =	simm.s32 $0x3  }
0x1c: {  	s0 =	sadd.s32 s1, s0;
	s18 =	sadd.s32 s1, s23;
	s22 =	sadd.s32 s1, s6  }
0x1d: {  	s23 =	smax.u32 s9, $0x1;
	s6 =	simm.s32 $0x2;
	s9 =	simm.s32 $0x7  }
0x1e: {  	[dreg:$0xf] =	wrdreg s0;
	s0 =	sshrl.u32 s26, $0x4;
	s26 =	simm.s32 $0x9  }
0x1f: {  	v0 =	vimm.bf16 $0.0e+00;
	s20 =	sadd.s32 s1, s0;
	s0 =	simm.s32 $0xC000;
	s1 =	simm.s32 $0x5  }
.LBB2_1:
0x20: {  	s13 =	sand.u32 $0x3F80, s4;
	s14 =	sand.u32 $0x20, s4  }
0x21: {  	s13 =	sshrl.u32 s13, $0x2;
	s14 =	sshrl.u32 s14, $0x1  }
0x22: {  	s14 =	sor.u32 s14, s13  }
0x23: {  	s13 =	simm.s32 $0x40;
	[tilespmem:s14+$0xA000] =	vst v0;
	s14 =	simm.s32 $0x0  }
.LBB2_2:
0x24: {  	p0 =	sne.s32 s13, $0x3FC0  }
.Ltmp0:
0x25: {  	s15 =	sand.u32 $0x3F80, s13;
	s14 =	sadd.s32 $0x20, s14;
	(pc) =	sbr.rel @p0 .LBB2_2-.Ltmp0, $4  }
0x26: {  	s13 =	sadd.s32 $0x40, s13;
	s16 =	sand.u32 $0x20, s14  }
0x27: {  	s15 =	sshrl.u32 s15, $0x2;
	s16 =	sshrl.u32 s16, $0x1  }
0x28: {  	s15 =	sor.u32 s16, s15  }
0x29: {  	[tilespmem:s15+$0xA000] =	vst v0  }
0x2a: {  	[spmem:s5] =	stream.linear.scatter [tilespmem:s24], [sflag:$0x9], $0x1000, $0x38;
	[tilespmem:$0x17E20] =	vst v63  }
0x2b: {  	_ =	swait.ge [sflag:s26], $0x1000  }
0x2c: {  	[sflag:s26] =	ssyncset.done $0x0  }
0x2d: {  	s13 =	rddreg [dreg:$0x5];
	[sflag:s26] =	ssyncadd.s32 $0xFFFFF000  }
0x2e: {  	[spmem:s13] =	stream.linear.scatter [tilespmem:s24], [sflag:$0x9], $0x1000, $0x38;
	[tilespmem:$0x17E20] =	vst v63  }
0x2f: {  	_ =	swait.ge [sflag:s26], $0x1000  }
0x30: {  	[sflag:s26] =	ssyncset.done $0x0  }
0x31: {  	s14 =	rddreg [dreg:$0x6];
	[sflag:s26] =	ssyncadd.s32 $0xFFFFF000  }
0x32: {  	[spmem:s14] =	stream.linear.scatter [tilespmem:s24], [sflag:$0x9], $0x1000, $0x38;
	[tilespmem:$0x17E20] =	vst v63  }
0x33: {  	_ =	swait.ge [sflag:s26], $0x1000  }
0x34: {  	[sflag:s26] =	ssyncset.done $0x0  }
0x35: {  	s15 =	rddreg [dreg:$0x7];
	[sflag:s26] =	ssyncadd.s32 $0xFFFFF000  }
0x36: {  	[spmem:s15] =	stream.linear.scatter [tilespmem:s24], [sflag:$0x9], $0x1000, $0x38;
	[tilespmem:$0x17E20] =	vst v63  }
0x37: {  	_ =	swait.ge [sflag:s26], $0x1000  }
0x38: {  	[sflag:s26] =	ssyncset.done $0x0  }
0x39: {  	s16 =	rddreg [dreg:$0x8];
	[sflag:s26] =	ssyncadd.s32 $0xFFFFF000  }
0x3a: {  	[spmem:s16] =	stream.linear.scatter [tilespmem:s24], [sflag:$0x9], $0x1000, $0x38;
	[tilespmem:$0x17E20] =	vst v63  }
0x3b: {  	s14 =	stileid.u32;
	_ =	swait.ge [sflag:s26], $0x1000  }
0x3c: {  	s13 =	sshll.u32 s14, $0x6;
	[sflag:s26] =	ssyncset.done $0x0  }
0x3d: {  	s13 =	sor.u32 $0x1C09, s13;
	s14 =	rddreg [dreg:$0x9];
	[sflag:s26] =	ssyncadd.s32 $0xFFFFF000  }
0x3e: {  	[spmem:s25], [sflag:s13] =	dma.local [hbm:s14], $0x9C4  }
0x3f: {  	_ =	swait.ge [sflag:s26], $0x9C4  }
0x40: {  	[sflag:s26] =	ssyncset.done $0x0  }
0x41: {  	[sflag:s26] =	ssyncadd.s32 $0xFFFFF63C  }
0x42: {  	[bflag:$0x0] =	sbarrier.arrive $0xFFFF  }
0x43: {  	s13 =	simm.s32 $0x0;
	s15 =	rddreg [dreg:$0xa]  }
0x44: {  	[tilespmem:s13], [sflag:$0x9] =	stream.linear.gather [hbm4b:s15+s13], $0x5000, $0x38;
	[tilespmem:$0x17E20] =	vst v63  }
0x45: {  	_ =	swait.ge [sflag:s26], $0x5000  }
0x46: {  	[sflag:s26] =	ssyncset.done $0x0  }
0x47: {  	s15 =	simm.s32 $0x5000;
	s16 =	rddreg [dreg:$0xb];
	[sflag:s26] =	ssyncadd.s32 $0xFFFFB000  }
0x48: {  	[tilespmem:s15], [sflag:$0x9] =	stream.linear.gather [hbm4b:s16+s13], $0x5000, $0x38;
	[tilespmem:$0x17E20] =	vst v63  }
0x49: {  	_ =	swait.ge [sflag:s26], $0x5000  }
0x4a: {  	[sflag:s26] =	ssyncset.done $0x0  }
0x4b: {  	[sflag:s26] =	ssyncadd.s32 $0xFFFFB000  }
0x4c: {  	[tilespmem:s24], [sflag:$0x1] =	stream.indirect.gather [spmem:s3], $0x20, s13, s29, $0xb8;
	[tilespmem:$0x17E20] =	vst v63  }
0x4d: {  	_ = 	snop  }
0x4e: {  	[tilespmem:s30], [sflag:$0x2] =	stream.indirect.gather [spmem:s3], $0x20, s29, s29, $0xb8;
	[tilespmem:$0x17E20] =	vst v63  }
0x4f: {  	s14 =	simm.s32 $0x100  }
0x50: {  	[tilespmem:s0], [sflag:$0x3] =	stream.indirect.gather [spmem:s3], $0x20, s14, s29, $0xb8;
	[tilespmem:$0x17E20] =	vst v63  }
0x51: {  	s15 =	simm.s32 $0x180  }
0x52: {  	[tilespmem:s28], [sflag:$0x4] =	stream.indirect.gather [spmem:s3], $0x20, s15, s29, $0xb8;
	[tilespmem:$0x17E20] =	vst v63  }
0x53: {  	_ =	swait.ge [sflag:s31], $0x1000  }
0x54: {  	[sflag:s31] =	ssyncset.done $0x0  }
0x55: {  	s16 =	simm.s32 $0x5000;
	[sflag:s31] =	ssyncadd.s32 $0xFFFFF000  }
0x56: {  	[spmem:s2] =	stream.indirect.scatter.add.bf16 [tilespmem:s24], [sflag:$0x5], $0x20, s16, s29, $0xb8;
	[tilespmem:$0x17E20] =	vst v63  }
0x57: {  	_ =	swait.ge [sflag:s1], $0x1000  }
0x58: {  	[sflag:s1] =	ssyncset.done $0x0  }
0x59: {  	s14 =	simm.s32 $0x200;
	[sflag:s1] =	ssyncadd.s32 $0xFFFFF000  }
0x5a: {  	[tilespmem:s24], [sflag:$0x1] =	stream.indirect.gather [spmem:s3], $0x20, s14, s29, $0xb8;
	[tilespmem:$0x17E20] =	vst v63  }
0x5b: {  	_ =	swait.ge [sflag:s6], $0x1000  }
0x5c: {  	[sflag:s6] =	ssyncset.done $0x0  }
0x5d: {  	s15 =	simm.s32 $0x5080;
	[sflag:s6] =	ssyncadd.s32 $0xFFFFF000  }
0x5e: {  	[spmem:s2] =	stream.indirect.scatter.add.bf16 [tilespmem:s30], [sflag:$0x6], $0x20, s15, s29, $0xb8;
	[tilespmem:$0x17E20] =	vst v63  }
0x5f: {  	_ =	swait.ge [sflag:s7], $0x1000  }
0x60: {  	[sflag:s7] =	ssyncset.done $0x0  }
0x61: {  	s16 =	simm.s32 $0x280;
	[sflag:s7] =	ssyncadd.s32 $0xFFFFF000  }
0x62: {  	[tilespmem:s30], [sflag:$0x2] =	stream.indirect.gather [spmem:s3], $0x20, s16, s29, $0xb8;
	[tilespmem:$0x17E20] =	vst v63  }
0x63: {  	_ =	swait.ge [sflag:s8], $0x1000  }
0x64: {  	[sflag:s8] =	ssyncset.done $0x0  }
0x65: {  	s14 =	simm.s32 $0x5100;
	[sflag:s8] =	ssyncadd.s32 $0xFFFFF000  }
0x66: {  	[spmem:s2] =	stream.indirect.scatter.add.bf16 [tilespmem:s0], [sflag:$0x7], $0x20, s14, s29, $0xb8;
	[tilespmem:$0x17E20] =	vst v63  }
0x67: {  	_ =	swait.ge [sflag:s9], $0x1000  }
0x68: {  	[sflag:s9] =	ssyncset.done $0x0  }
0x69: {  	s15 =	simm.s32 $0x300;
	[sflag:s9] =	ssyncadd.s32 $0xFFFFF000  }
0x6a: {  	[tilespmem:s0], [sflag:$0x3] =	stream.indirect.gather [spmem:s3], $0x20, s15, s29, $0xb8;
	[tilespmem:$0x17E20] =	vst v63  }
0x6b: {  	_ =	swait.ge [sflag:s10], $0x1000  }
0x6c: {  	[sflag:s10] =	ssyncset.done $0x0  }
0x6d: {  	s16 =	simm.s32 $0x5180;
	[sflag:s10] =	ssyncadd.s32 $0xFFFFF000  }
0x6e: {  	[spmem:s2] =	stream.indirect.scatter.add.bf16 [tilespmem:s28], [sflag:$0x8], $0x20, s16, s29, $0xb8;
	[tilespmem:$0x17E20] =	vst v63  }
0x6f: {  	_ =	swait.ge [sflag:s11], $0x1000  }
0x70: {  	[sflag:s11] =	ssyncset.done $0x0  }
0x71: {  	s13 =	simm.s32 $0x800;
	s14 =	simm.s32 $0x380;
	[sflag:s11] =	ssyncadd.s32 $0xFFFFF000  }
.LBB2_4:
0x72: {  	[tilespmem:s28], [sflag:$0x4] =	stream.indirect.gather [spmem:s3], $0x20, s14, s29, $0xb8;
	[tilespmem:$0x17E20] =	vst v63  }
0x73: {  	s14 =	smov.u32 s13  }
0x74: {  	p0 =	sne.s32 s13, $0x13000;
	s13 =	sadd.s32 $0x800, s13;
	_ =	swait.ge [sflag:s31], $0x1000  }
0x75: {  	s14 =	sshra.s32 s14, $0x2;
	[sflag:s31] =	ssyncset.done $0x0  }
0x76: {  	s15 =	sadd.s32 $0x5000, s14;
	[sflag:s31] =	ssyncadd.s32 $0xFFFFF000  }
0x77: {  	[spmem:s2] =	stream.indirect.scatter.add.bf16 [tilespmem:s24], [sflag:$0x5], $0x20, s15, s29, $0xb8;
	[tilespmem:$0x17E20] =	vst v63  }
0x78: {  	_ =	swait.ge [sflag:s1], $0x1000  }
0x79: {  	[sflag:s1] =	ssyncset.done $0x0  }
0x7a: {  	s15 =	sadd.s32 $0x200, s14;
	[sflag:s1] =	ssyncadd.s32 $0xFFFFF000  }
0x7b: {  	[tilespmem:s24], [sflag:$0x1] =	stream.indirect.gather [spmem:s3], $0x20, s15, s29, $0xb8;
	[tilespmem:$0x17E20] =	vst v63  }
0x7c: {  	_ =	swait.ge [sflag:s6], $0x1000  }
0x7d: {  	[sflag:s6] =	ssyncset.done $0x0  }
0x7e: {  	s15 =	sadd.s32 $0x5080, s14;
	[sflag:s6] =	ssyncadd.s32 $0xFFFFF000  }
0x7f: {  	[spmem:s2] =	stream.indirect.scatter.add.bf16 [tilespmem:s30], [sflag:$0x6], $0x20, s15, s29, $0xb8;
	[tilespmem:$0x17E20] =	vst v63  }
0x80: {  	_ =	swait.ge [sflag:s7], $0x1000  }
0x81: {  	[sflag:s7] =	ssyncset.done $0x0  }
0x82: {  	s15 =	sadd.s32 $0x280, s14;
	[sflag:s7] =	ssyncadd.s32 $0xFFFFF000  }
0x83: {  	[tilespmem:s30], [sflag:$0x2] =	stream.indirect.gather [spmem:s3], $0x20, s15, s29, $0xb8;
	[tilespmem:$0x17E20] =	vst v63  }
0x84: {  	_ =	swait.ge [sflag:s8], $0x1000  }
0x85: {  	[sflag:s8] =	ssyncset.done $0x0  }
0x86: {  	s15 =	sadd.s32 $0x5100, s14;
	[sflag:s8] =	ssyncadd.s32 $0xFFFFF000  }
0x87: {  	[spmem:s2] =	stream.indirect.scatter.add.bf16 [tilespmem:s0], [sflag:$0x7], $0x20, s15, s29, $0xb8;
	[tilespmem:$0x17E20] =	vst v63  }
0x88: {  	_ =	swait.ge [sflag:s9], $0x1000  }
0x89: {  	[sflag:s9] =	ssyncset.done $0x0  }
0x8a: {  	s15 =	sadd.s32 $0x300, s14;
	[sflag:s9] =	ssyncadd.s32 $0xFFFFF000  }
0x8b: {  	[tilespmem:s0], [sflag:$0x3] =	stream.indirect.gather [spmem:s3], $0x20, s15, s29, $0xb8;
	[tilespmem:$0x17E20] =	vst v63  }
0x8c: {  	_ =	swait.ge [sflag:s10], $0x1000  }
0x8d: {  	[sflag:s10] =	ssyncset.done $0x0  }
.Ltmp1:
0x8e: {  	s15 =	sadd.s32 $0x5180, s14;
	[sflag:s10] =	ssyncadd.s32 $0xFFFFF000;
	(pc) =	sbr.rel @p0 .LBB2_4-.Ltmp1, $4  }
0x8f: {  	[spmem:s2] =	stream.indirect.scatter.add.bf16 [tilespmem:s28], [sflag:$0x8], $0x20, s15, s29, $0xb8;
	[tilespmem:$0x17E20] =	vst v63  }
0x90: {  	_ =	swait.ge [sflag:s11], $0x1000  }
0x91: {  	[sflag:s11] =	ssyncset.done $0x0  }
0x92: {  	s14 =	sadd.s32 $0x380, s14;
	[sflag:s11] =	ssyncadd.s32 $0xFFFFF000  }
0x93: {  	[tilespmem:s28], [sflag:$0x4] =	stream.indirect.gather [spmem:s3], $0x20, s14, s29, $0xb8;
	[tilespmem:$0x17E20] =	vst v63  }
0x94: {  	_ =	swait.ge [sflag:s31], $0x1000  }
0x95: {  	[sflag:s31] =	ssyncset.done $0x0  }
0x96: {  	s13 =	simm.s32 $0x9E00;
	[sflag:s31] =	ssyncadd.s32 $0xFFFFF000  }
0x97: {  	[spmem:s2] =	stream.indirect.scatter.add.bf16 [tilespmem:s24], [sflag:$0x5], $0x20, s13, s29, $0xb8;
	[tilespmem:$0x17E20] =	vst v63  }
0x98: {  	_ =	swait.ge [sflag:s1], $0x1000  }
0x99: {  	[sflag:s1] =	ssyncset.done $0x0  }
0x9a: {  	[sflag:s1] =	ssyncadd.s32 $0xFFFFF000  }
0x9b: {  	[tilespmem:s24], [sflag:$0x1] =	stream.indirect.gather [spmem:s3], $0x20, s4, s29, $0xb8;
	[tilespmem:$0x17E20] =	vst v63  }
0x9c: {  	_ =	swait.ge [sflag:s6], $0x1000  }
0x9d: {  	[sflag:s6] =	ssyncset.done $0x0  }
0x9e: {  	s16 =	simm.s32 $0x9E80;
	[sflag:s6] =	ssyncadd.s32 $0xFFFFF000  }
0x9f: {  	[spmem:s2] =	stream.indirect.scatter.add.bf16 [tilespmem:s30], [sflag:$0x6], $0x20, s16, s29, $0xb8;
	[tilespmem:$0x17E20] =	vst v63  }
0xa0: {  	_ =	swait.ge [sflag:s7], $0x1000  }
0xa1: {  	[sflag:s7] =	ssyncset.done $0x0  }
0xa2: {  	[sflag:s7] =	ssyncadd.s32 $0xFFFFF000  }
0xa3: {  	[tilespmem:s30], [sflag:$0x2] =	stream.indirect.gather [spmem:s3], $0x20, s4, s29, $0xb8;
	[tilespmem:$0x17E20] =	vst v63  }
0xa4: {  	_ =	swait.ge [sflag:s8], $0x1000  }
0xa5: {  	[sflag:s8] =	ssyncset.done $0x0  }
0xa6: {  	s14 =	simm.s32 $0x9F00;
	[sflag:s8] =	ssyncadd.s32 $0xFFFFF000  }
0xa7: {  	[spmem:s2] =	stream.indirect.scatter.add.bf16 [tilespmem:s0], [sflag:$0x7], $0x20, s14, s29, $0xb8;
	[tilespmem:$0x17E20] =	vst v63  }
0xa8: {  	_ =	swait.ge [sflag:s9], $0x1000  }
0xa9: {  	[sflag:s9] =	ssyncset.done $0x0  }
0xaa: {  	[sflag:s9] =	ssyncadd.s32 $0xFFFFF000  }
0xab: {  	[tilespmem:s0], [sflag:$0x3] =	stream.indirect.gather [spmem:s3], $0x20, s4, s29, $0xb8;
	[tilespmem:$0x17E20] =	vst v63  }
0xac: {  	_ =	swait.ge [sflag:s10], $0x1000  }
0xad: {  	[sflag:s10] =	ssyncset.done $0x0  }
0xae: {  	s15 =	simm.s32 $0x9F80;
	[sflag:s10] =	ssyncadd.s32 $0xFFFFF000  }
0xaf: {  	[spmem:s2] =	stream.indirect.scatter.add.bf16 [tilespmem:s28], [sflag:$0x8], $0x20, s15, s29, $0xb8;
	[tilespmem:$0x17E20] =	vst v63  }
0xb0: {  	_ =	swait.ge [sflag:s11], $0x1000  }
0xb1: {  	[sflag:s11] =	ssyncset.done $0x0  }
0xb2: {  	[sflag:s11] =	ssyncadd.s32 $0xFFFFF000  }
0xb3: {  	[tilespmem:s28], [sflag:$0x4] =	stream.indirect.gather [spmem:s3], $0x20, s4, s29, $0xb8;
	[tilespmem:$0x17E20] =	vst v63  }
0xb4: {  	_ =	swait.ge [sflag:s31], $0x1000  }
0xb5: {  	[sflag:s31] =	ssyncset.done $0x0  }
0xb6: {  	[sflag:s31] =	ssyncadd.s32 $0xFFFFF000  }
0xb7: {  	_ =	swait.ge [sflag:s6], $0x1000  }
0xb8: {  	[sflag:s6] =	ssyncset.done $0x0  }
0xb9: {  	[sflag:s6] =	ssyncadd.s32 $0xFFFFF000  }
0xba: {  	_ =	swait.ge [sflag:s8], $0x1000  }
0xbb: {  	[sflag:s8] =	ssyncset.done $0x0  }
0xbc: {  	[sflag:s8] =	ssyncadd.s32 $0xFFFFF000  }
0xbd: {  	_ =	swait.ge [sflag:s10], $0x1000  }
0xbe: {  	[sflag:s10] =	ssyncset.done $0x0  }
0xbf: {  	[sflag:s10] =	ssyncadd.s32 $0xFFFFF000  }
0xc0: {  	[bflag:$0x0] =	sbarrier.arrive $0xFFFF  }
0xc1: {  	s16 =	rddreg [dreg:$0xc]  }
0xc2: {  	[tilespmem:s24], [sflag:$0x9] =	stream.linear.gather [spmem:s16], $0x1000, $0x38;
	[tilespmem:$0x17E20] =	vst v63  }
0xc3: {  	_ =	swait.ge [sflag:s26], $0x1000  }
0xc4: {  	[sflag:s26] =	ssyncset.done $0x0  }
0xc5: {  	s14 =	rddreg [dreg:$0xd];
	[sflag:s26] =	ssyncadd.s32 $0xFFFFF000  }
0xc6: {  	[hbm4b:s14+s4] =	stream.linear.scatter [tilespmem:s24], [sflag:$0x9], $0x1000, $0x38;
	[tilespmem:$0x17E20] =	vst v63  }
0xc7: {  	_ =	swait.ge [sflag:s26], $0x1000  }
0xc8: {  	[sflag:s26] =	ssyncset.done $0x0  }
0xc9: {  	s15 =	rddreg [dreg:$0xe];
	[sflag:s26] =	ssyncadd.s32 $0xFFFFF000  }
0xca: {  	[tilespmem:s24], [sflag:$0x9] =	stream.linear.gather [spmem:s15], $0x1000, $0x38;
	[tilespmem:$0x17E20] =	vst v63  }
0xcb: {  	_ =	swait.ge [sflag:s26], $0x1000  }
0xcc: {  	[sflag:s26] =	ssyncset.done $0x0  }
0xcd: {  	s16 =	rddreg [dreg:$0xf];
	[sflag:s26] =	ssyncadd.s32 $0xFFFFF000  }
0xce: {  	[hbm4b:s16+s4] =	stream.linear.scatter [tilespmem:s24], [sflag:$0x9], $0x1000, $0x38;
	[tilespmem:$0x17E20] =	vst v63  }
0xcf: {  	_ =	swait.ge [sflag:s26], $0x1000  }
0xd0: {  	[sflag:s26] =	ssyncset.done $0x0  }
0xd1: {  	[sflag:s26] =	ssyncadd.s32 $0xFFFFF000  }
0xd2: {  	[tilespmem:s24], [sflag:$0x9] =	stream.linear.gather [spmem:s17], $0x1000, $0x38;
	[tilespmem:$0x17E20] =	vst v63  }
0xd3: {  	_ =	swait.ge [sflag:s26], $0x1000  }
0xd4: {  	[sflag:s26] =	ssyncset.done $0x0  }
0xd5: {  	[sflag:s26] =	ssyncadd.s32 $0xFFFFF000  }
0xd6: {  	[hbm4b:s18+s4] =	stream.linear.scatter [tilespmem:s24], [sflag:$0x9], $0x1000, $0x38;
	[tilespmem:$0x17E20] =	vst v63  }
0xd7: {  	_ =	swait.ge [sflag:s26], $0x1000  }
0xd8: {  	[sflag:s26] =	ssyncset.done $0x0  }
0xd9: {  	[sflag:s26] =	ssyncadd.s32 $0xFFFFF000  }
0xda: {  	[tilespmem:s24], [sflag:$0x9] =	stream.linear.gather [spmem:s19], $0x1000, $0x38;
	[tilespmem:$0x17E20] =	vst v63  }
0xdb: {  	_ =	swait.ge [sflag:s26], $0x1000  }
0xdc: {  	[sflag:s26] =	ssyncset.done $0x0  }
0xdd: {  	[sflag:s26] =	ssyncadd.s32 $0xFFFFF000  }
0xde: {  	[hbm4b:s20+s4] =	stream.linear.scatter [tilespmem:s24], [sflag:$0x9], $0x1000, $0x38;
	[tilespmem:$0x17E20] =	vst v63  }
0xdf: {  	_ =	swait.ge [sflag:s26], $0x1000  }
0xe0: {  	[sflag:s26] =	ssyncset.done $0x0  }
0xe1: {  	[sflag:s26] =	ssyncadd.s32 $0xFFFFF000  }
0xe2: {  	[tilespmem:s24], [sflag:$0x9] =	stream.linear.gather [spmem:s21], $0xE20, $0x38;
	[tilespmem:$0x17E20] =	vst v63  }
0xe3: {  	s12 =	sadd.s32 $0x1, s12;
	_ =	swait.ge [sflag:s26], $0xE20  }
0xe4: {  	p0 =	sne.s32 s12, s23;
	[sflag:s26] =	ssyncset.done $0x0  }
.Ltmp2:
0xe5: {  	[sflag:s26] =	ssyncadd.s32 $0xFFFFF1E0;
	(pc) =	sbr.rel @p0 .LBB2_1-.Ltmp2, $4  }
0xe6: {  	[hbm4b:s22+s4] =	stream.linear.scatter [tilespmem:s24], [sflag:$0x9], $0xE20, $0x38;
	[tilespmem:$0x17E20] =	vst v63  }
0xe7: {  	_ =	swait.ge [sflag:s26], $0xE20  }
0xe8: {  	[sflag:s26] =	ssyncset.done $0x0  }
0xe9: {  	[sflag:s26] =	ssyncadd.s32 $0xFFFFF1E0  }
0xea: {  	_ =	sfence.sel $0x180000  }
0xeb: {  	[bflag:$0x0] =	sbarrier.arrive $0xFFFF  }
0xec: {  	_ =	strace $0x9000004A  }
0xed: {  	s0 =	stileid.u32;
	[bflag:$0x2] =	sbarrier.arrive $0xFFFF  }
0xee: {  	p0 =	sne.s32 s0, $0x0;
	s0 =	rddreg [dreg:$0x4]  }
0xef: {  	s0 =	sadd.s32 @!p0 $0x100000, s0  }
0xf0: {  	[sflag:s0] =	ssyncadd.tile.s32 @!p0 $0x1;
	_ =	shalt  }
.Lfunc_end2:
_tile_overlayer_lowered:
.L_overlay_start_2:
0xf1: {  	(tag) =	ssettag $0x2  }
0xf2: {  	s0 =	rddreg [dreg:$0x0];
	s2 =	stileid.u32  }
0xf3: {  	s1 =	rddreg [dreg:$0x1];
	p0 =	sne.s32 s2, $0x0  }
0xf4: {  	s3 =	rddreg [dreg:$0x2];
	[bflag:$0x3] =	sbarrier.arrive $0xFFFF;
	s2 =	simm.s32 @!p0 $0x1C09  }
0xf5: {  	[timem:s3], [sflag:s2] =	dma.local @!p0 [hbm:s0], s1  }
0xf6: {  	s0 =	simm.s32 @!p0 $0x9  }
0xf7: {  	_ =	swait.ge @!p0 [sflag:s0], s1  }
0xf8: {  	s1 =	ssub.s32 @!p0 $0x0, s1;
	[sflag:s0] =	ssyncset.done @!p0 $0x0  }
0xf9: {  	[sflag:s0] =	ssyncadd.s32 @!p0 s1  }
0xfa: {  	[bflag:$0x3] =	sbarrier.arrive $0xFFFF  }
0xfb: {  	_ =	shalt  }

// kernel: kernel.14.cloned.1.call-start
scs
__scs_entry_jumppad:
0x0: {  	(pc) =	sbr.rel $0x88, $3  }
0x1: {  	(tag) =	ssettag $0x0;
	lr =	simm.s32 $0x1  }
0x2: {  	[smem:$0x3F9B] =	sst lr;
	_ =	strace $0xD0000000  }
0x3: {  	_ = 	snop  }
0x4: {  	_ = 	snop  }
0x5: {  	_ = 	snop  }
0x6: {  	_ = 	snop  }
0x7: {  	_ = 	snop  }
__scs_overlays_trampoline_lowered:
0x8: {  	[smem:$0x3FAA] =	sst s0  }
0x9: {  	[smem:$0x3FAB] =	sst s1  }
0xa: {  	[smem:$0x3FAC] =	sst s2  }
0xb: {  	[smem:$0x3FAD] =	sst s3  }
0xc: {  	[smem:$0x3FAE] =	sst s4  }
0xd: {  	[smem:$0x3FAF] =	sst s5  }
0xe: {  	[smem:$0x3FB0] =	sst s6  }
0xf: {  	[smem:$0x3FB1] =	sst s7  }
0x10: {  	[smem:$0x3FB2] =	sst s8  }
0x11: {  	[smem:$0x3FB3] =	sst s9;
	s0 =	simm.s32 @!p0 $0x0  }
0x12: {  	s1 =	sld [smem:$0x3F99];
	s0 =	simm.s32 @p0 $0x1  }
0x13: {  	[smem:$0x3FB4] =	sst s0;
	s0 =	simm.s32 @!p1 $0x0  }
0x14: {  	s2 =	sld [smem:$0x3F98];
	s0 =	simm.s32 @p1 $0x1  }
0x15: {  	[smem:$0x3FB5] =	sst s0;
	s0 =	simm.s32 @!p2 $0x0  }
0x16: {  	s3 =	sld [smem:$0x3FDB];
	s0 =	simm.s32 @p2 $0x1  }
0x17: {  	s4 =	simm.s32 $0x1BF5;
	[smem:$0x3FB7] =	sst s0  }
0x18: {  	s0 =	sld [smem:$0x3F9A];
	_ =	swait.ge [sflag:s4], $0x0  }
0x19: {  	s7 =	sld [smem:$0x3F9B]  }
0x1a: {  	s8 =	sadd.s32 $0xFFFFE003, lr  }
0x1b: {  	s9 =	sadd.s32 $0xFFFFFEF7, lr;
	s5 =	simm.s32 $0xFFFFFFFF;
	p2 =	slt.u32 s8, $0xFFFFF086  }
0x1c: {  	p1 =	slt.u32 s9, $0xF7A;
	s5 =	simm.s32 @!p2 $0x0  }
0x1d: {  	s5 =	simm.s32 @p1 $0x1;
	p0 =	seq.s32 s7, s2  }
0x1e: {  	s7 =	smul.u32 @!p0 $0xF7A, s2;
	p2 =	seq.s32 @!p0 s5, $0x0  }
0x1f: {  	s9 =	smul.u32 $0xF7A, s1;
	s8 =	simm.s32 @!p0 $0x1BF5;
	p2 =	por !p2, p0  }
0x20: {  	[sflag:s8] =	ssyncset.s32 @!p0 $0xFFFFF086;
	s6 =	sadd.s32 @!p0 s3, s7;
	s7 =	simm.s32 @!p0 $0x108  }
0x21: {  	s3 =	sadd.s32 s3, s9;
	s6 =	sadd.s32 @!p0 $0x88, s6;
	s7 =	simm.s32 @p2 $0x1082  }
0x22: {  	[simem:s7], [sflag:s8] =	dma.local @!p0 [hbm:s6], $0xF7A  }
0x23: {  	s9 =	sor.u32 $0xD0000000, s2;
	s6 =	simm.s32 $0x108;
	_ =	swait.ge @!p0 [sflag:s8], $0x0  }
0x24: {  	s3 =	sadd.s32 $0x88, s3;
	s6 =	simm.s32 @!p1 $0x1082;
	[sflag:s4] =	ssyncset.s32 $0xFFFFF086  }
0x25: {  	[simem:s6], [sflag:s4] =	dma.local [hbm:s3], $0xF7A  }
0x26: {  	[smem:$0x3F9B] =	sst s1;
	(tag) =	ssettag s2;
	_ =	strace s9  }
0x27: {  	s1 =	sld [smem:$0x3FAB]  }
0x28: {  	s2 =	sld [smem:$0x3FAC]  }
0x29: {  	s4 =	sld [smem:$0x3FAE]  }
0x2a: {  	p0 =	seq.s32 s5, $0x0;
	s5 =	sld [smem:$0x3FAF]  }
0x2b: {  	s6 =	sld [smem:$0x3FB0]  }
0x2c: {  	s7 =	sld [smem:$0x3FB1]  }
0x2d: {  	s3 =	simm.s32 $0x108;
	s8 =	sld [smem:$0x3FB2]  }
0x2e: {  	s3 =	simm.s32 @!p0 $0x1082;
	s9 =	sld [smem:$0x3FB3]  }
0x2f: {  	lr =	sadd.s32 s0, s3;
	s0 =	sld [smem:$0x3FAA]  }
0x30: {  	s3 =	sld [smem:$0x3FAD]  }
0x31: {  	[smem:$0x3FB6] =	sst s10  }
0x32: {  	s10 =	sld [smem:$0x3FB4];
	_ =	sdelay $0x3  }
0x33: {  	p0 =	seq.s32 s10, $0x1;
	s10 =	sld [smem:$0x3FB6];
	_ =	sdelay $0x3  }
0x34: {  	[smem:$0x3FB6] =	sst s10  }
0x35: {  	s10 =	sld [smem:$0x3FB5];
	_ =	sdelay $0x3  }
0x36: {  	p1 =	seq.s32 s10, $0x1;
	s10 =	sld [smem:$0x3FB6];
	_ =	sdelay $0x3  }
0x37: {  	[smem:$0x3FB6] =	sst s10  }
0x38: {  	s10 =	sld [smem:$0x3FB7]  }
0x39: {  	_ = 	snop;
	(pc) =	sbr.ind lr, $3  }
0x3a: {  	_ = 	snop  }
0x3b: {  	_ = 	snop  }
0x3c: {  	p2 =	seq.s32 s10, $0x1;
	s10 =	sld [smem:$0x3FB6]  }
0x3d: {  	_ =	shalt  }
0x3e: {  	_ =	shalt  }
0x3f: {  	_ =	shalt  }
0x40: {  	_ =	shalt  }
0x41: {  	_ =	shalt  }
0x42: {  	_ =	shalt  }
0x43: {  	_ =	shalt  }
0x44: {  	_ =	shalt  }
0x45: {  	_ =	shalt  }
0x46: {  	_ =	shalt  }
0x47: {  	_ =	shalt  }
0x48: {  	_ =	shalt  }
0x49: {  	_ =	shalt  }
0x4a: {  	_ =	shalt  }
0x4b: {  	_ =	shalt  }
0x4c: {  	_ =	shalt  }
0x4d: {  	_ =	shalt  }
0x4e: {  	_ =	shalt  }
0x4f: {  	_ =	shalt  }
0x50: {  	_ =	shalt  }
0x51: {  	_ =	shalt  }
0x52: {  	_ =	shalt  }
0x53: {  	_ =	shalt  }
0x54: {  	_ =	shalt  }
0x55: {  	_ =	shalt  }
0x56: {  	_ =	shalt  }
0x57: {  	_ =	shalt  }
0x58: {  	_ =	shalt  }
0x59: {  	_ =	shalt  }
0x5a: {  	_ =	shalt  }
0x5b: {  	_ =	shalt  }
0x5c: {  	_ =	shalt  }
0x5d: {  	_ =	shalt  }
0x5e: {  	_ =	shalt  }
0x5f: {  	_ =	shalt  }
0x60: {  	_ =	shalt  }
0x61: {  	_ =	shalt  }
0x62: {  	_ =	shalt  }
0x63: {  	_ =	shalt  }
0x64: {  	_ =	shalt  }
0x65: {  	_ =	shalt  }
0x66: {  	_ =	shalt  }
0x67: {  	_ =	shalt  }
0x68: {  	_ =	shalt  }
0x69: {  	_ =	shalt  }
0x6a: {  	_ =	shalt  }
0x6b: {  	_ =	shalt  }
0x6c: {  	_ =	shalt  }
0x6d: {  	_ =	shalt  }
0x6e: {  	_ =	shalt  }
0x6f: {  	_ =	shalt  }
0x70: {  	_ =	shalt  }
0x71: {  	_ =	shalt  }
0x72: {  	_ =	shalt  }
0x73: {  	_ =	shalt  }
0x74: {  	_ =	shalt  }
0x75: {  	_ =	shalt  }
0x76: {  	_ =	shalt  }
0x77: {  	_ =	shalt  }
0x78: {  	_ =	shalt  }
0x79: {  	_ =	shalt  }
0x7a: {  	_ =	shalt  }
0x7b: {  	_ =	shalt  }
0x7c: {  	_ =	shalt  }
0x7d: {  	_ =	shalt  }
0x7e: {  	_ =	shalt  }
0x7f: {  	_ =	shalt  }
0x80: {  	_ =	shalt  }
0x81: {  	_ =	shalt  }
0x82: {  	_ =	shalt  }
0x83: {  	_ =	shalt  }
0x84: {  	_ =	shalt  }
0x85: {  	_ =	shalt  }
0x86: {  	_ =	shalt  }
0x87: {  	_ =	shalt  }
.Lfunc_end0:
.L_simem_size_0:
called_computation.2_lowered:
.L_overlay_start_0:
0x88: {  	s2 =	sld [smem:$0x3FD9]  }
0x89: {  	s3 =	sld [smem:$0x3FFE];
	_ =	sdelay $0x1  }
0x8a: {  	s1 =	srdreg.scid  }
0x8b: {  	s0 =	sand.u32 $0x1, s1  }
0x8c: {  	s17 =	sshll.u32 s0, $0xA;
	s2 =	sadd.s32 s3, s2  }
0x8d: {  	s2 =	sadd.s32 s2, s17  }
0x8e: {  	[smem:$0x3FC2] =	sst s2  }
0x8f: {  	_ = 	snop  }
0x90: {  	s2 =	sld [smem:$0x3FD0];
	(tm) =	ssettm $0x1  }
0x91: {  	s18 =	sld [smem:$0x3FFB];
	_ =	sdelay $0x3  }
0x92: {  	_ =	strace s18  }
0x93: {  	s3 =	sld [smem:$0x3FFC];
	_ =	sdelay $0x3  }
0x94: {  	_ =	strace s3  }
0x95: {  	s3 =	sld [smem:$0x3FFD];
	_ =	sdelay $0x3  }
0x96: {  	_ =	strace s3  }
0x97: {  	_ =	strace $0x8FFFFFFF  }
0x98: {  	s19 =	sld [smem:$0x3FDB];
	_ =	sdelay $0x1  }
0x99: {  	s4 =	simm.s32 $_scs_section_size  }
0x9a: {  	s5 =	simm.s32 $_size__tile_overlayer_lowered;
	s6 =	simm.s32 $_tile_overlayer_lowered  }
0x9b: {  	s22 =	simm.s32 $0x1BFF;
	s21 =	sshll.u32 s6, $0x1;
	s3 =	sadd.s32 s4, s19  }
0x9c: {  	s7 =	simm.s32 $0x0;
	s20 =	sshll.u32 s5, $0x1;
	s5 =	sadd.s32 s21, s3  }
0x9d: {  	[timem:s7], [sflag:s22] =	dma.local [hbm:s5], s20  }
0x9e: {  	_ =	swait.ge [sflag:s22], s20  }
0x9f: {  	s4 =	ssub.s32 $0x0, s20;
	[sflag:s22] =	ssyncset.done $0x0  }
0xa0: {  	[sflag:s22] =	ssyncadd.s32 s4;
	_ =	sdelay $0x1  }
0xa1: {  	s23 =	simm.s32 $0x1B8B  }
0xa2: {  	_ =	swait.ge [sflag:s23], $0x1  }
0xa3: {  	[sflag:s23] =	ssyncset.done $0x0  }
0xa4: {  	s25 =	simm.s32 $0x1B8E;
	s24 =	sld [smem:$0x3FFE];
	[sflag:s23] =	ssyncadd.s32 $0xFFFFFFFF  }
0xa5: {  	s26 =	simm.s32 $execute0_lowered;
	[smem:$0x3FD2] =	sst s25  }
0xa6: {  	s5 =	sshll.u32 s26, $0x1;
	_ =	strace $0x8000004C;
	[dreg:$0x1] =	wrdreg $0xFFFFFFFF  }
0xa7: {  	s28 =	simm.s32 $_size_execute0_lowered;
	s3 =	sadd.s32 s3, s5;
	[dreg:$0x0] =	wrdreg $0x0  }
0xa8: {  	s5 =	sshll.u32 s28, $0x1;
	[dreg:$0x2] =	wrdreg s3  }
0xa9: {  	[dreg:$0x3] =	wrdreg s5  }
0xaa: {  	[dreg:$0x4] =	wrdreg $0xC0  }
0xab: {  	_ =	task [dreg:s7], $0x5FFFF  }
0xac: {  	[dreg:$0x1] =	wrdreg $0xFFFFFFFF  }
0xad: {  	[dreg:$0x0] =	wrdreg $0x60  }
0xae: {  	[dreg:$0x2] =	wrdreg s2  }
0xaf: {  	[dreg:$0x3] =	wrdreg s24  }
0xb0: {  	[dreg:$0x4] =	wrdreg $0xC0000  }
0xb1: {  	[dreg:$0x5] =	wrdreg $0xE8000  }
0xb2: {  	[dreg:$0x6] =	wrdreg $0x9  }
0xb3: {  	_ =	task.clear_ibuf [dreg:s7], $0x7FFFF;
	_ =	strace $0x9000004C  }
0xb4: {  	s29 =	simm.s32 $0x9;
	_ =	strace $0x8000004E  }
0xb5: {  	_ =	swait.ge [sflag:s29], $0x1  }
0xb6: {  	[sflag:s29] =	ssyncadd.s32 $0xFFFFFFFF  }
0xb7: {  	_ =	strace $0x9000004E  }
0xb8: {  	_ =	sfence  }
0xb9: {  	s30 =	sld [smem:$0x0];
	_ =	sdelay $0x2  }
0xba: {  	s31 =	sshll.u32 s1, $0xD;
	s1 =	sshrl.u32 s1, $0x2  }
0xbb: {  	s3 =	sand.u32 $0x4000, s31;
	s1 =	sadd.s32 s1, s30  }
0xbc: {  	s0 =	sor.u32 s3, s0;
	s1 =	sshll.u32 s1, $0x11  }
0xbd: {  	s0 =	sor.u32 s1, s0  }
0xbe: {  	s0 =	sadd.s32 $0x8F2B, s0  }
0xbf: {  	[sflag:s0] =	ssyncadd.remote.s32 $0x1  }
0xc0: {  	_ =	sfence.sel $0xFFFF  }
0xc1: {  	[dreg:$0x0] =	wrdreg $0xFFFFFFFF;
	(pc) =	sbr.abs _section_cstart, $3  }
0xc2: {  	[dreg:$0x1] =	wrdreg $0xFFFFFFFF  }
0xc3: {  	_ =	task.clear_ibuf [dreg:s7], $0x2FFFF;
	_ =	strace $0x9FFFFFFF  }
0xc4: {  	(tm) =	ssettm $0x7FFFFFFF  }
0xc5: {  	_ =	shalt  }
tec
execute0_lowered:
.L_overlay_start_1:
0x0: {  	(tag) =	ssettag $0x1  }
0x1: {  	s0 =	rddreg [dreg:$0x0]  }
0x2: {  	s1 =	rddreg [dreg:$0x1]  }
0x3: {  	s2 =	rddreg [dreg:$0x2]  }
0x4: {  	s3 =	rddreg [dreg:$0x3]  }
0x5: {  	s4 =	simm.s32 $0x0;
	s10 =	stileid.u32;
	s6 =	srdreg.scid  }
0x6: {  	s29 =	simm.s32 $0x80;
	s30 =	simm.s32 $0xA800;
	s28 =	simm.s32 $0xB800  }
0x7: {  	s31 =	simm.s32 $0x1;
	[smem:$0x7FF] =	sst s4;
	s5 =	smul.u32 $0xA00, s10  }
0x8: {  	s7 =	smul.u32 $0xA000, s10;
	s6 =	sand.u32 $0x1, s6;
	_ =	strace $0x8000004D  }
0x9: {  	s9 =	ssub.s32 $0x2, s6;
	s6 =	smul.u32 $0x4E200, s6;
	s8 =	sadd.s32 s5, s1  }
0xa: {  	s24 =	sshrl.u32 s7, $0x2;
	s7 =	smul.u32 $0x4E20, s10;
	s25 =	sshrl.u32 s9, $0x1  }
0xb: {  	s1 =	sadd.s32 $0x65C00, s1;
	s5 =	sadd.s32 s24, s2;
	s9 =	ssub.s32 s9, s25  }
0xc: {  	s15 =	sadd.s32 $0xBC00, s8;
	s16 =	sadd.s32 $0x1C00, s8;
	s26 =	sadd.s32 $0x800, s5  }
0xd: {  	s11 =	sadd.s32 $0x1000, s5;
	s12 =	sadd.s32 $0x1800, s5;
	[dreg:$0xa] =	wrdreg s15  }
0xe: {  	s13 =	sadd.s32 s7, s6;
	s14 =	sshrl.u32 s7, $0x1;
	[dreg:$0xb] =	wrdreg s16  }
0xf: {  	s18 =	sadd.s32 $0x1000, s7;
	s21 =	sadd.s32 $0x2000, s7;
	[dreg:$0x5] =	wrdreg s26  }
0x10: {  	s24 =	sadd.s32 $0x3000, s7;
	s7 =	sadd.s32 $0x4000, s7;
	[dreg:$0x6] =	wrdreg s11  }
0x11: {  	[dreg:$0x7] =	wrdreg s12;
	s11 =	sadd.s32 $0x2000, s5;
	s10 =	sshrl.u32 s13, $0x4  }
0x12: {  	s12 =	sadd.s32 s14, s3;
	s17 =	sadd.s32 s14, s2;
	s20 =	sshrl.u32 s18, $0x1  }
0x13: {  	s22 =	sshrl.u32 s21, $0x1;
	s25 =	sshrl.u32 s24, $0x1;
	s26 =	sadd.s32 s6, s24  }
0x14: {  	s24 =	simm.s32 $0xA000;
	[dreg:$0x8] =	wrdreg s11;
	s0 =	sadd.s32 s0, s10  }
0x15: {  	[dreg:$0xc] =	wrdreg s17;
	s19 =	sadd.s32 s1, s10;
	s8 =	sadd.s32 s20, s2  }
0x16: {  	s17 =	sadd.s32 s22, s2;
	s10 =	simm.s32 $0x4;
	[dreg:$0x9] =	wrdreg s0  }
0x17: {  	s11 =	simm.s32 $0x8;
	[dreg:$0xd] =	wrdreg s19;
	s0 =	sadd.s32 s6, s18  }
0x18: {  	[dreg:$0xe] =	wrdreg s8;
	s8 =	sadd.s32 s6, s21;
	s19 =	sadd.s32 s25, s2  }
0x19: {  	s6 =	sadd.s32 s6, s7;
	s7 =	sshrl.u32 s7, $0x1;
	s25 =	sshrl.u32 s12, $0x3  }
0x1a: {  	s12 =	simm.s32 $0x0;
	s0 =	sshrl.u32 s0, $0x4;
	s23 =	sshrl.u32 s8, $0x4  }
0x1b: {  	s6 =	sshrl.u32 s6, $0x4;
	s21 =	sadd.s32 s7, s2;
	s7 =	simm.s32 $0x6  }
0x1c: {  	s8 =	simm.s32 $0x3;
	s16 =	sadd.s32 s1, s0;
	s18 =	sadd.s32 s1, s23  }
0x1d: {  	s0 =	sshrl.u32 s26, $0x4;
	s22 =	sadd.s32 s1, s6;
	s23 =	smax.u32 s9, $0x1  }
0x1e: {  	s26 =	simm.s32 $0x9;
	s6 =	simm.s32 $0x2;
	s9 =	simm.s32 $0x7  }
0x1f: {  	v0 =	vimm.bf16 $0.0e+00;
	s20 =	sadd.s32 s1, s0;
	s0 =	simm.s32 $0xB000;
	s1 =	simm.s32 $0x5  }
.LBB2_1:
0x20: {  	s13 =	simm.s32 $0x40;
	s14 =	simm.s32 $0x0  }
.LBB2_2:
0x21: {  	p0 =	sne.s32 s13, $0x1FC0;
	[tilespmem:s14+$0xA000] =	vst v0;
	s14 =	smov.u32 s13;
	s13 =	sadd.s32 $0x40, s13  }
.Ltmp0:
0x22: {  	(pc) =	sbr.rel @p0 .LBB2_2-.Ltmp0, $2  }
0x23: {  	_ =	sdelay $0x2  }
0x24: {  	s14 =	sshra.s32 s14, $0x2  }
0x25: {  	[tilespmem:s14+$0xA000] =	vst v0  }
0x26: {  	[spmem:s5] =	stream.linear.scatter [tilespmem:s24], [sflag:$0x9], $0x800, $0x38;
	[tilespmem:$0x10F10] =	vst v63  }
0x27: {  	_ =	swait.ge [sflag:s26], $0x800  }
0x28: {  	[sflag:s26] =	ssyncset.done $0x0  }
0x29: {  	s13 =	rddreg [dreg:$0x5];
	[sflag:s26] =	ssyncadd.s32 $0xFFFFF800  }
0x2a: {  	[spmem:s13] =	stream.linear.scatter [tilespmem:s24], [sflag:$0x9], $0x800, $0x38;
	[tilespmem:$0x10F10] =	vst v63  }
0x2b: {  	_ =	swait.ge [sflag:s26], $0x800  }
0x2c: {  	[sflag:s26] =	ssyncset.done $0x0  }
0x2d: {  	s15 =	rddreg [dreg:$0x6];
	[sflag:s26] =	ssyncadd.s32 $0xFFFFF800  }
0x2e: {  	[spmem:s15] =	stream.linear.scatter [tilespmem:s24], [sflag:$0x9], $0x800, $0x38;
	[tilespmem:$0x10F10] =	vst v63  }
0x2f: {  	_ =	swait.ge [sflag:s26], $0x800  }
0x30: {  	[sflag:s26] =	ssyncset.done $0x0  }
0x31: {  	s14 =	rddreg [dreg:$0x7];
	[sflag:s26] =	ssyncadd.s32 $0xFFFFF800  }
0x32: {  	[spmem:s14] =	stream.linear.scatter [tilespmem:s24], [sflag:$0x9], $0x800, $0x38;
	[tilespmem:$0x10F10] =	vst v63  }
0x33: {  	_ =	swait.ge [sflag:s26], $0x800  }
0x34: {  	[sflag:s26] =	ssyncset.done $0x0  }
0x35: {  	s15 =	rddreg [dreg:$0x8];
	[sflag:s26] =	ssyncadd.s32 $0xFFFFF800  }
0x36: {  	[spmem:s15] =	stream.linear.scatter [tilespmem:s24], [sflag:$0x9], $0x800, $0x38;
	[tilespmem:$0x10F10] =	vst v63  }
0x37: {  	s14 =	stileid.u32;
	_ =	swait.ge [sflag:s26], $0x800  }
0x38: {  	s13 =	sshll.u32 s14, $0x6;
	[sflag:s26] =	ssyncset.done $0x0  }
0x39: {  	s13 =	sor.u32 $0x1C09, s13;
	s15 =	rddreg [dreg:$0x9];
	[sflag:s26] =	ssyncadd.s32 $0xFFFFF800  }
0x3a: {  	[spmem:s25], [sflag:s13] =	dma.local [hbm:s15], $0x4E2  }
0x3b: {  	_ =	swait.ge [sflag:s26], $0x4E2  }
0x3c: {  	[sflag:s26] =	ssyncset.done $0x0  }
0x3d: {  	[sflag:s26] =	ssyncadd.s32 $0xFFFFFB1E  }
0x3e: {  	[bflag:$0x0] =	sbarrier.arrive $0xFFFF  }
0x3f: {  	s13 =	simm.s32 $0x0;
	s15 =	rddreg [dreg:$0xa]  }
0x40: {  	[tilespmem:s13], [sflag:$0x9] =	stream.linear.gather [hbm4b:s15+s13], $0x5000, $0x38;
	[tilespmem:$0x10F10] =	vst v63  }
0x41: {  	_ =	swait.ge [sflag:s26], $0x5000  }
0x42: {  	[sflag:s26] =	ssyncset.done $0x0  }
0x43: {  	s15 =	simm.s32 $0x5000;
	s14 =	rddreg [dreg:$0xb];
	[sflag:s26] =	ssyncadd.s32 $0xFFFFB000  }
0x44: {  	[tilespmem:s15], [sflag:$0x9] =	stream.linear.gather [hbm4b:s14+s13], $0x5000, $0x38;
	[tilespmem:$0x10F10] =	vst v63  }
0x45: {  	_ =	swait.ge [sflag:s26], $0x5000  }
0x46: {  	[sflag:s26] =	ssyncset.done $0x0  }
0x47: {  	[sflag:s26] =	ssyncadd.s32 $0xFFFFB000  }
0x48: {  	[tilespmem:s24], [sflag:$0x1] =	stream.indirect.gather [spmem:s3], $0x10, s13, s29, $0xb8;
	[tilespmem:$0x10F10] =	vst v63  }
0x49: {  	_ = 	snop  }
0x4a: {  	[tilespmem:s30], [sflag:$0x2] =	stream.indirect.gather [spmem:s3], $0x10, s29, s29, $0xb8;
	[tilespmem:$0x10F10] =	vst v63  }
0x4b: {  	s15 =	simm.s32 $0x100  }
0x4c: {  	[tilespmem:s0], [sflag:$0x3] =	stream.indirect.gather [spmem:s3], $0x10, s15, s29, $0xb8;
	[tilespmem:$0x10F10] =	vst v63  }
0x4d: {  	s14 =	simm.s32 $0x180  }
0x4e: {  	[tilespmem:s28], [sflag:$0x4] =	stream.indirect.gather [spmem:s3], $0x10, s14, s29, $0xb8;
	[tilespmem:$0x10F10] =	vst v63  }
0x4f: {  	_ =	swait.ge [sflag:s31], $0x800  }
0x50: {  	[sflag:s31] =	ssyncset.done $0x0  }
0x51: {  	s15 =	simm.s32 $0x5000;
	[sflag:s31] =	ssyncadd.s32 $0xFFFFF800  }
0x52: {  	[spmem:s2] =	stream.indirect.scatter.add.bf16 [tilespmem:s24], [sflag:$0x5], $0x10, s15, s29, $0xb8;
	[tilespmem:$0x10F10] =	vst v63  }
0x53: {  	_ =	swait.ge [sflag:s1], $0x800  }
0x54: {  	[sflag:s1] =	ssyncset.done $0x0  }
0x55: {  	s14 =	simm.s32 $0x200;
	[sflag:s1] =	ssyncadd.s32 $0xFFFFF800  }
0x56: {  	[tilespmem:s24], [sflag:$0x1] =	stream.indirect.gather [spmem:s3], $0x10, s14, s29, $0xb8;
	[tilespmem:$0x10F10] =	vst v63  }
0x57: {  	_ =	swait.ge [sflag:s6], $0x800  }
0x58: {  	[sflag:s6] =	ssyncset.done $0x0  }
0x59: {  	s15 =	simm.s32 $0x5080;
	[sflag:s6] =	ssyncadd.s32 $0xFFFFF800  }
0x5a: {  	[spmem:s2] =	stream.indirect.scatter.add.bf16 [tilespmem:s30], [sflag:$0x6], $0x10, s15, s29, $0xb8;
	[tilespmem:$0x10F10] =	vst v63  }
0x5b: {  	_ =	swait.ge [sflag:s7], $0x800  }
0x5c: {  	[sflag:s7] =	ssyncset.done $0x0  }
0x5d: {  	s14 =	simm.s32 $0x280;
	[sflag:s7] =	ssyncadd.s32 $0xFFFFF800  }
0x5e: {  	[tilespmem:s30], [sflag:$0x2] =	stream.indirect.gather [spmem:s3], $0x10, s14, s29, $0xb8;
	[tilespmem:$0x10F10] =	vst v63  }
0x5f: {  	_ =	swait.ge [sflag:s8], $0x800  }
0x60: {  	[sflag:s8] =	ssyncset.done $0x0  }
0x61: {  	s15 =	simm.s32 $0x5100;
	[sflag:s8] =	ssyncadd.s32 $0xFFFFF800  }
0x62: {  	[spmem:s2] =	stream.indirect.scatter.add.bf16 [tilespmem:s0], [sflag:$0x7], $0x10, s15, s29, $0xb8;
	[tilespmem:$0x10F10] =	vst v63  }
0x63: {  	_ =	swait.ge [sflag:s9], $0x800  }
0x64: {  	[sflag:s9] =	ssyncset.done $0x0  }
0x65: {  	s14 =	simm.s32 $0x300;
	[sflag:s9] =	ssyncadd.s32 $0xFFFFF800  }
0x66: {  	[tilespmem:s0], [sflag:$0x3] =	stream.indirect.gather [spmem:s3], $0x10, s14, s29, $0xb8;
	[tilespmem:$0x10F10] =	vst v63  }
0x67: {  	_ =	swait.ge [sflag:s10], $0x800  }
0x68: {  	[sflag:s10] =	ssyncset.done $0x0  }
0x69: {  	s15 =	simm.s32 $0x5180;
	[sflag:s10] =	ssyncadd.s32 $0xFFFFF800  }
0x6a: {  	[spmem:s2] =	stream.indirect.scatter.add.bf16 [tilespmem:s28], [sflag:$0x8], $0x10, s15, s29, $0xb8;
	[tilespmem:$0x10F10] =	vst v63  }
0x6b: {  	_ =	swait.ge [sflag:s11], $0x800  }
0x6c: {  	[sflag:s11] =	ssyncset.done $0x0  }
0x6d: {  	s13 =	simm.s32 $0x800;
	s14 =	simm.s32 $0x380;
	[sflag:s11] =	ssyncadd.s32 $0xFFFFF800  }
.LBB2_4:
0x6e: {  	[tilespmem:s28], [sflag:$0x4] =	stream.indirect.gather [spmem:s3], $0x10, s14, s29, $0xb8;
	[tilespmem:$0x10F10] =	vst v63  }
0x6f: {  	s14 =	smov.u32 s13  }
0x70: {  	p0 =	sne.s32 s13, $0x13000;
	s13 =	sadd.s32 $0x800, s13;
	_ =	swait.ge [sflag:s31], $0x800  }
0x71: {  	s14 =	sshra.s32 s14, $0x2;
	[sflag:s31] =	ssyncset.done $0x0  }
0x72: {  	s15 =	sadd.s32 $0x5000, s14;
	[sflag:s31] =	ssyncadd.s32 $0xFFFFF800  }
0x73: {  	[spmem:s2] =	stream.indirect.scatter.add.bf16 [tilespmem:s24], [sflag:$0x5], $0x10, s15, s29, $0xb8;
	[tilespmem:$0x10F10] =	vst v63  }
0x74: {  	_ =	swait.ge [sflag:s1], $0x800  }
0x75: {  	[sflag:s1] =	ssyncset.done $0x0  }
0x76: {  	s15 =	sadd.s32 $0x200, s14;
	[sflag:s1] =	ssyncadd.s32 $0xFFFFF800  }
0x77: {  	[tilespmem:s24], [sflag:$0x1] =	stream.indirect.gather [spmem:s3], $0x10, s15, s29, $0xb8;
	[tilespmem:$0x10F10] =	vst v63  }
0x78: {  	_ =	swait.ge [sflag:s6], $0x800  }
0x79: {  	[sflag:s6] =	ssyncset.done $0x0  }
0x7a: {  	s15 =	sadd.s32 $0x5080, s14;
	[sflag:s6] =	ssyncadd.s32 $0xFFFFF800  }
0x7b: {  	[spmem:s2] =	stream.indirect.scatter.add.bf16 [tilespmem:s30], [sflag:$0x6], $0x10, s15, s29, $0xb8;
	[tilespmem:$0x10F10] =	vst v63  }
0x7c: {  	_ =	swait.ge [sflag:s7], $0x800  }
0x7d: {  	[sflag:s7] =	ssyncset.done $0x0  }
0x7e: {  	s15 =	sadd.s32 $0x280, s14;
	[sflag:s7] =	ssyncadd.s32 $0xFFFFF800  }
0x7f: {  	[tilespmem:s30], [sflag:$0x2] =	stream.indirect.gather [spmem:s3], $0x10, s15, s29, $0xb8;
	[tilespmem:$0x10F10] =	vst v63  }
0x80: {  	_ =	swait.ge [sflag:s8], $0x800  }
0x81: {  	[sflag:s8] =	ssyncset.done $0x0  }
0x82: {  	s15 =	sadd.s32 $0x5100, s14;
	[sflag:s8] =	ssyncadd.s32 $0xFFFFF800  }
0x83: {  	[spmem:s2] =	stream.indirect.scatter.add.bf16 [tilespmem:s0], [sflag:$0x7], $0x10, s15, s29, $0xb8;
	[tilespmem:$0x10F10] =	vst v63  }
0x84: {  	_ =	swait.ge [sflag:s9], $0x800  }
0x85: {  	[sflag:s9] =	ssyncset.done $0x0  }
0x86: {  	s15 =	sadd.s32 $0x300, s14;
	[sflag:s9] =	ssyncadd.s32 $0xFFFFF800  }
0x87: {  	[tilespmem:s0], [sflag:$0x3] =	stream.indirect.gather [spmem:s3], $0x10, s15, s29, $0xb8;
	[tilespmem:$0x10F10] =	vst v63  }
0x88: {  	_ =	swait.ge [sflag:s10], $0x800  }
0x89: {  	[sflag:s10] =	ssyncset.done $0x0  }
.Ltmp1:
0x8a: {  	s15 =	sadd.s32 $0x5180, s14;
	[sflag:s10] =	ssyncadd.s32 $0xFFFFF800;
	(pc) =	sbr.rel @p0 .LBB2_4-.Ltmp1, $4  }
0x8b: {  	[spmem:s2] =	stream.indirect.scatter.add.bf16 [tilespmem:s28], [sflag:$0x8], $0x10, s15, s29, $0xb8;
	[tilespmem:$0x10F10] =	vst v63  }
0x8c: {  	_ =	swait.ge [sflag:s11], $0x800  }
0x8d: {  	[sflag:s11] =	ssyncset.done $0x0  }
0x8e: {  	s14 =	sadd.s32 $0x380, s14;
	[sflag:s11] =	ssyncadd.s32 $0xFFFFF800  }
0x8f: {  	[tilespmem:s28], [sflag:$0x4] =	stream.indirect.gather [spmem:s3], $0x10, s14, s29, $0xb8;
	[tilespmem:$0x10F10] =	vst v63  }
0x90: {  	_ =	swait.ge [sflag:s31], $0x800  }
0x91: {  	[sflag:s31] =	ssyncset.done $0x0  }
0x92: {  	s13 =	simm.s32 $0x9E00;
	[sflag:s31] =	ssyncadd.s32 $0xFFFFF800  }
0x93: {  	[spmem:s2] =	stream.indirect.scatter.add.bf16 [tilespmem:s24], [sflag:$0x5], $0x10, s13, s29, $0xb8;
	[tilespmem:$0x10F10] =	vst v63  }
0x94: {  	_ =	swait.ge [sflag:s1], $0x800  }
0x95: {  	[sflag:s1] =	ssyncset.done $0x0  }
0x96: {  	[sflag:s1] =	ssyncadd.s32 $0xFFFFF800  }
0x97: {  	[tilespmem:s24], [sflag:$0x1] =	stream.indirect.gather [spmem:s3], $0x10, s4, s29, $0xb8;
	[tilespmem:$0x10F10] =	vst v63  }
0x98: {  	_ =	swait.ge [sflag:s6], $0x800  }
0x99: {  	[sflag:s6] =	ssyncset.done $0x0  }
0x9a: {  	s14 =	simm.s32 $0x9E80;
	[sflag:s6] =	ssyncadd.s32 $0xFFFFF800  }
0x9b: {  	[spmem:s2] =	stream.indirect.scatter.add.bf16 [tilespmem:s30], [sflag:$0x6], $0x10, s14, s29, $0xb8;
	[tilespmem:$0x10F10] =	vst v63  }
0x9c: {  	_ =	swait.ge [sflag:s7], $0x800  }
0x9d: {  	[sflag:s7] =	ssyncset.done $0x0  }
0x9e: {  	[sflag:s7] =	ssyncadd.s32 $0xFFFFF800  }
0x9f: {  	[tilespmem:s30], [sflag:$0x2] =	stream.indirect.gather [spmem:s3], $0x10, s4, s29, $0xb8;
	[tilespmem:$0x10F10] =	vst v63  }
0xa0: {  	_ =	swait.ge [sflag:s8], $0x800  }
0xa1: {  	[sflag:s8] =	ssyncset.done $0x0  }
0xa2: {  	s15 =	simm.s32 $0x9F00;
	[sflag:s8] =	ssyncadd.s32 $0xFFFFF800  }
0xa3: {  	[spmem:s2] =	stream.indirect.scatter.add.bf16 [tilespmem:s0], [sflag:$0x7], $0x10, s15, s29, $0xb8;
	[tilespmem:$0x10F10] =	vst v63  }
0xa4: {  	_ =	swait.ge [sflag:s9], $0x800  }
0xa5: {  	[sflag:s9] =	ssyncset.done $0x0  }
0xa6: {  	[sflag:s9] =	ssyncadd.s32 $0xFFFFF800  }
0xa7: {  	[tilespmem:s0], [sflag:$0x3] =	stream.indirect.gather [spmem:s3], $0x10, s4, s29, $0xb8;
	[tilespmem:$0x10F10] =	vst v63  }
0xa8: {  	_ =	swait.ge [sflag:s10], $0x800  }
0xa9: {  	[sflag:s10] =	ssyncset.done $0x0  }
0xaa: {  	s14 =	simm.s32 $0x9F80;
	[sflag:s10] =	ssyncadd.s32 $0xFFFFF800  }
0xab: {  	[spmem:s2] =	stream.indirect.scatter.add.bf16 [tilespmem:s28], [sflag:$0x8], $0x10, s14, s29, $0xb8;
	[tilespmem:$0x10F10] =	vst v63  }
0xac: {  	_ =	swait.ge [sflag:s11], $0x800  }
0xad: {  	[sflag:s11] =	ssyncset.done $0x0  }
0xae: {  	[sflag:s11] =	ssyncadd.s32 $0xFFFFF800  }
0xaf: {  	[tilespmem:s28], [sflag:$0x4] =	stream.indirect.gather [spmem:s3], $0x10, s4, s29, $0xb8;
	[tilespmem:$0x10F10] =	vst v63  }
0xb0: {  	_ =	swait.ge [sflag:s31], $0x800  }
0xb1: {  	[sflag:s31] =	ssyncset.done $0x0  }
0xb2: {  	[sflag:s31] =	ssyncadd.s32 $0xFFFFF800  }
0xb3: {  	_ =	swait.ge [sflag:s6], $0x800  }
0xb4: {  	[sflag:s6] =	ssyncset.done $0x0  }
0xb5: {  	[sflag:s6] =	ssyncadd.s32 $0xFFFFF800  }
0xb6: {  	_ =	swait.ge [sflag:s8], $0x800  }
0xb7: {  	[sflag:s8] =	ssyncset.done $0x0  }
0xb8: {  	[sflag:s8] =	ssyncadd.s32 $0xFFFFF800  }
0xb9: {  	_ =	swait.ge [sflag:s10], $0x800  }
0xba: {  	[sflag:s10] =	ssyncset.done $0x0  }
0xbb: {  	[sflag:s10] =	ssyncadd.s32 $0xFFFFF800  }
0xbc: {  	[bflag:$0x0] =	sbarrier.arrive $0xFFFF  }
0xbd: {  	s15 =	rddreg [dreg:$0xc]  }
0xbe: {  	[tilespmem:s24], [sflag:$0x9] =	stream.linear.gather [spmem:s15], $0x800, $0x38;
	[tilespmem:$0x10F10] =	vst v63  }
0xbf: {  	_ =	swait.ge [sflag:s26], $0x800  }
0xc0: {  	[sflag:s26] =	ssyncset.done $0x0  }
0xc1: {  	s14 =	rddreg [dreg:$0xd];
	[sflag:s26] =	ssyncadd.s32 $0xFFFFF800  }
0xc2: {  	[hbm4b:s14+s4] =	stream.linear.scatter [tilespmem:s24], [sflag:$0x9], $0x800, $0x38;
	[tilespmem:$0x10F10] =	vst v63  }
0xc3: {  	_ =	swait.ge [sflag:s26], $0x800  }
0xc4: {  	[sflag:s26] =	ssyncset.done $0x0  }
0xc5: {  	s15 =	rddreg [dreg:$0xe];
	[sflag:s26] =	ssyncadd.s32 $0xFFFFF800  }
0xc6: {  	[tilespmem:s24], [sflag:$0x9] =	stream.linear.gather [spmem:s15], $0x800, $0x38;
	[tilespmem:$0x10F10] =	vst v63  }
0xc7: {  	_ =	swait.ge [sflag:s26], $0x800  }
0xc8: {  	[sflag:s26] =	ssyncset.done $0x0  }
0xc9: {  	[sflag:s26] =	ssyncadd.s32 $0xFFFFF800  }
0xca: {  	[hbm4b:s16+s4] =	stream.linear.scatter [tilespmem:s24], [sflag:$0x9], $0x800, $0x38;
	[tilespmem:$0x10F10] =	vst v63  }
0xcb: {  	_ =	swait.ge [sflag:s26], $0x800  }
0xcc: {  	[sflag:s26] =	ssyncset.done $0x0  }
0xcd: {  	[sflag:s26] =	ssyncadd.s32 $0xFFFFF800  }
0xce: {  	[tilespmem:s24], [sflag:$0x9] =	stream.linear.gather [spmem:s17], $0x800, $0x38;
	[tilespmem:$0x10F10] =	vst v63  }
0xcf: {  	_ =	swait.ge [sflag:s26], $0x800  }
0xd0: {  	[sflag:s26] =	ssyncset.done $0x0  }
0xd1: {  	[sflag:s26] =	ssyncadd.s32 $0xFFFFF800  }
0xd2: {  	[hbm4b:s18+s4] =	stream.linear.scatter [tilespmem:s24], [sflag:$0x9], $0x800, $0x38;
	[tilespmem:$0x10F10] =	vst v63  }
0xd3: {  	_ =	swait.ge [sflag:s26], $0x800  }
0xd4: {  	[sflag:s26] =	ssyncset.done $0x0  }
0xd5: {  	[sflag:s26] =	ssyncadd.s32 $0xFFFFF800  }
0xd6: {  	[tilespmem:s24], [sflag:$0x9] =	stream.linear.gather [spmem:s19], $0x800, $0x38;
	[tilespmem:$0x10F10] =	vst v63  }
0xd7: {  	_ =	swait.ge [sflag:s26], $0x800  }
0xd8: {  	[sflag:s26] =	ssyncset.done $0x0  }
0xd9: {  	[sflag:s26] =	ssyncadd.s32 $0xFFFFF800  }
0xda: {  	[hbm4b:s20+s4] =	stream.linear.scatter [tilespmem:s24], [sflag:$0x9], $0x800, $0x38;
	[tilespmem:$0x10F10] =	vst v63  }
0xdb: {  	_ =	swait.ge [sflag:s26], $0x800  }
0xdc: {  	[sflag:s26] =	ssyncset.done $0x0  }
0xdd: {  	[sflag:s26] =	ssyncadd.s32 $0xFFFFF800  }
0xde: {  	[tilespmem:s24], [sflag:$0x9] =	stream.linear.gather [spmem:s21], $0x710, $0x38;
	[tilespmem:$0x10F10] =	vst v63  }
0xdf: {  	s12 =	sadd.s32 $0x1, s12;
	_ =	swait.ge [sflag:s26], $0x710  }
0xe0: {  	p0 =	sne.s32 s12, s23;
	[sflag:s26] =	ssyncset.done $0x0  }
.Ltmp2:
0xe1: {  	[sflag:s26] =	ssyncadd.s32 $0xFFFFF8F0;
	(pc) =	sbr.rel @p0 .LBB2_1-.Ltmp2, $4  }
0xe2: {  	[hbm4b:s22+s4] =	stream.linear.scatter [tilespmem:s24], [sflag:$0x9], $0x710, $0x38;
	[tilespmem:$0x10F10] =	vst v63  }
0xe3: {  	_ =	swait.ge [sflag:s26], $0x710  }
0xe4: {  	[sflag:s26] =	ssyncset.done $0x0  }
0xe5: {  	[sflag:s26] =	ssyncadd.s32 $0xFFFFF8F0  }
0xe6: {  	_ =	sfence.sel $0x180000  }
0xe7: {  	[bflag:$0x0] =	sbarrier.arrive $0xFFFF  }
0xe8: {  	_ =	strace $0x9000004D  }
0xe9: {  	s0 =	stileid.u32;
	[bflag:$0x2] =	sbarrier.arrive $0xFFFF  }
0xea: {  	p0 =	sne.s32 s0, $0x0;
	s0 =	rddreg [dreg:$0x4]  }
0xeb: {  	s0 =	sadd.s32 @!p0 $0x100000, s0  }
0xec: {  	[sflag:s0] =	ssyncadd.tile.s32 @!p0 $0x1;
	_ =	shalt  }
.Lfunc_end2:
_tile_overlayer_lowered:
.L_overlay_start_2:
0xed: {  	(tag) =	ssettag $0x2  }
0xee: {  	s0 =	rddreg [dreg:$0x0];
	s2 =	stileid.u32  }
0xef: {  	s1 =	rddreg [dreg:$0x1];
	p0 =	sne.s32 s2, $0x0  }
0xf0: {  	s3 =	rddreg [dreg:$0x2];
	[bflag:$0x3] =	sbarrier.arrive $0xFFFF;
	s2 =	simm.s32 @!p0 $0x1C09  }
0xf1: {  	[timem:s3], [sflag:s2] =	dma.local @!p0 [hbm:s0], s1  }
0xf2: {  	s0 =	simm.s32 @!p0 $0x9  }
0xf3: {  	_ =	swait.ge @!p0 [sflag:s0], s1  }
0xf4: {  	s1 =	ssub.s32 @!p0 $0x0, s1;
	[sflag:s0] =	ssyncset.done @!p0 $0x0  }
0xf5: {  	[sflag:s0] =	ssyncadd.s32 @!p0 s1  }
0xf6: {  	[bflag:$0x3] =	sbarrier.arrive $0xFFFF  }
0xf7: {  	_ =	shalt  }

// kernel: kernel.8.cloned.1.call-start
scs
__scs_entry_jumppad:
0x0: {  	(pc) =	sbr.rel $0x88, $3  }
0x1: {  	(tag) =	ssettag $0x0;
	lr =	simm.s32 $0x1  }
0x2: {  	[smem:$0x3F9B] =	sst lr;
	_ =	strace $0xD0000000  }
0x3: {  	_ = 	snop  }
0x4: {  	_ = 	snop  }
0x5: {  	_ = 	snop  }
0x6: {  	_ = 	snop  }
0x7: {  	_ = 	snop  }
__scs_overlays_trampoline_lowered:
0x8: {  	[smem:$0x3FAA] =	sst s0  }
0x9: {  	[smem:$0x3FAB] =	sst s1  }
0xa: {  	[smem:$0x3FAC] =	sst s2  }
0xb: {  	[smem:$0x3FAD] =	sst s3  }
0xc: {  	[smem:$0x3FAE] =	sst s4  }
0xd: {  	[smem:$0x3FAF] =	sst s5  }
0xe: {  	[smem:$0x3FB0] =	sst s6  }
0xf: {  	[smem:$0x3FB1] =	sst s7  }
0x10: {  	[smem:$0x3FB2] =	sst s8  }
0x11: {  	[smem:$0x3FB3] =	sst s9;
	s0 =	simm.s32 @!p0 $0x0  }
0x12: {  	s1 =	sld [smem:$0x3F99];
	s0 =	simm.s32 @p0 $0x1  }
0x13: {  	[smem:$0x3FB4] =	sst s0;
	s0 =	simm.s32 @!p1 $0x0  }
0x14: {  	s2 =	sld [smem:$0x3F98];
	s0 =	simm.s32 @p1 $0x1  }
0x15: {  	[smem:$0x3FB5] =	sst s0;
	s0 =	simm.s32 @!p2 $0x0  }
0x16: {  	s3 =	sld [smem:$0x3FDB];
	s0 =	simm.s32 @p2 $0x1  }
0x17: {  	s4 =	simm.s32 $0x1BF5;
	[smem:$0x3FB7] =	sst s0  }
0x18: {  	s0 =	sld [smem:$0x3F9A];
	_ =	swait.ge [sflag:s4], $0x0  }
0x19: {  	s7 =	sld [smem:$0x3F9B]  }
0x1a: {  	s8 =	sadd.s32 $0xFFFFE003, lr  }
0x1b: {  	s9 =	sadd.s32 $0xFFFFFEF7, lr;
	s5 =	simm.s32 $0xFFFFFFFF;
	p2 =	slt.u32 s8, $0xFFFFF086  }
0x1c: {  	p1 =	slt.u32 s9, $0xF7A;
	s5 =	simm.s32 @!p2 $0x0  }
0x1d: {  	s5 =	simm.s32 @p1 $0x1;
	p0 =	seq.s32 s7, s2  }
0x1e: {  	s7 =	smul.u32 @!p0 $0xF7A, s2;
	p2 =	seq.s32 @!p0 s5, $0x0  }
0x1f: {  	s9 =	smul.u32 $0xF7A, s1;
	s8 =	simm.s32 @!p0 $0x1BF5;
	p2 =	por !p2, p0  }
0x20: {  	[sflag:s8] =	ssyncset.s32 @!p0 $0xFFFFF086;
	s6 =	sadd.s32 @!p0 s3, s7;
	s7 =	simm.s32 @!p0 $0x108  }
0x21: {  	s3 =	sadd.s32 s3, s9;
	s6 =	sadd.s32 @!p0 $0x88, s6;
	s7 =	simm.s32 @p2 $0x1082  }
0x22: {  	[simem:s7], [sflag:s8] =	dma.local @!p0 [hbm:s6], $0xF7A  }
0x23: {  	s9 =	sor.u32 $0xD0000000, s2;
	s6 =	simm.s32 $0x108;
	_ =	swait.ge @!p0 [sflag:s8], $0x0  }
0x24: {  	s3 =	sadd.s32 $0x88, s3;
	s6 =	simm.s32 @!p1 $0x1082;
	[sflag:s4] =	ssyncset.s32 $0xFFFFF086  }
0x25: {  	[simem:s6], [sflag:s4] =	dma.local [hbm:s3], $0xF7A  }
0x26: {  	[smem:$0x3F9B] =	sst s1;
	(tag) =	ssettag s2;
	_ =	strace s9  }
0x27: {  	s1 =	sld [smem:$0x3FAB]  }
0x28: {  	s2 =	sld [smem:$0x3FAC]  }
0x29: {  	s4 =	sld [smem:$0x3FAE]  }
0x2a: {  	p0 =	seq.s32 s5, $0x0;
	s5 =	sld [smem:$0x3FAF]  }
0x2b: {  	s6 =	sld [smem:$0x3FB0]  }
0x2c: {  	s7 =	sld [smem:$0x3FB1]  }
0x2d: {  	s3 =	simm.s32 $0x108;
	s8 =	sld [smem:$0x3FB2]  }
0x2e: {  	s3 =	simm.s32 @!p0 $0x1082;
	s9 =	sld [smem:$0x3FB3]  }
0x2f: {  	lr =	sadd.s32 s0, s3;
	s0 =	sld [smem:$0x3FAA]  }
0x30: {  	s3 =	sld [smem:$0x3FAD]  }
0x31: {  	[smem:$0x3FB6] =	sst s10  }
0x32: {  	s10 =	sld [smem:$0x3FB4];
	_ =	sdelay $0x3  }
0x33: {  	p0 =	seq.s32 s10, $0x1;
	s10 =	sld [smem:$0x3FB6];
	_ =	sdelay $0x3  }
0x34: {  	[smem:$0x3FB6] =	sst s10  }
0x35: {  	s10 =	sld [smem:$0x3FB5];
	_ =	sdelay $0x3  }
0x36: {  	p1 =	seq.s32 s10, $0x1;
	s10 =	sld [smem:$0x3FB6];
	_ =	sdelay $0x3  }
0x37: {  	[smem:$0x3FB6] =	sst s10  }
0x38: {  	s10 =	sld [smem:$0x3FB7]  }
0x39: {  	_ = 	snop;
	(pc) =	sbr.ind lr, $3  }
0x3a: {  	_ = 	snop  }
0x3b: {  	_ = 	snop  }
0x3c: {  	p2 =	seq.s32 s10, $0x1;
	s10 =	sld [smem:$0x3FB6]  }
0x3d: {  	_ =	shalt  }
0x3e: {  	_ =	shalt  }
0x3f: {  	_ =	shalt  }
0x40: {  	_ =	shalt  }
0x41: {  	_ =	shalt  }
0x42: {  	_ =	shalt  }
0x43: {  	_ =	shalt  }
0x44: {  	_ =	shalt  }
0x45: {  	_ =	shalt  }
0x46: {  	_ =	shalt  }
0x47: {  	_ =	shalt  }
0x48: {  	_ =	shalt  }
0x49: {  	_ =	shalt  }
0x4a: {  	_ =	shalt  }
0x4b: {  	_ =	shalt  }
0x4c: {  	_ =	shalt  }
0x4d: {  	_ =	shalt  }
0x4e: {  	_ =	shalt  }
0x4f: {  	_ =	shalt  }
0x50: {  	_ =	shalt  }
0x51: {  	_ =	shalt  }
0x52: {  	_ =	shalt  }
0x53: {  	_ =	shalt  }
0x54: {  	_ =	shalt  }
0x55: {  	_ =	shalt  }
0x56: {  	_ =	shalt  }
0x57: {  	_ =	shalt  }
0x58: {  	_ =	shalt  }
0x59: {  	_ =	shalt  }
0x5a: {  	_ =	shalt  }
0x5b: {  	_ =	shalt  }
0x5c: {  	_ =	shalt  }
0x5d: {  	_ =	shalt  }
0x5e: {  	_ =	shalt  }
0x5f: {  	_ =	shalt  }
0x60: {  	_ =	shalt  }
0x61: {  	_ =	shalt  }
0x62: {  	_ =	shalt  }
0x63: {  	_ =	shalt  }
0x64: {  	_ =	shalt  }
0x65: {  	_ =	shalt  }
0x66: {  	_ =	shalt  }
0x67: {  	_ =	shalt  }
0x68: {  	_ =	shalt  }
0x69: {  	_ =	shalt  }
0x6a: {  	_ =	shalt  }
0x6b: {  	_ =	shalt  }
0x6c: {  	_ =	shalt  }
0x6d: {  	_ =	shalt  }
0x6e: {  	_ =	shalt  }
0x6f: {  	_ =	shalt  }
0x70: {  	_ =	shalt  }
0x71: {  	_ =	shalt  }
0x72: {  	_ =	shalt  }
0x73: {  	_ =	shalt  }
0x74: {  	_ =	shalt  }
0x75: {  	_ =	shalt  }
0x76: {  	_ =	shalt  }
0x77: {  	_ =	shalt  }
0x78: {  	_ =	shalt  }
0x79: {  	_ =	shalt  }
0x7a: {  	_ =	shalt  }
0x7b: {  	_ =	shalt  }
0x7c: {  	_ =	shalt  }
0x7d: {  	_ =	shalt  }
0x7e: {  	_ =	shalt  }
0x7f: {  	_ =	shalt  }
0x80: {  	_ =	shalt  }
0x81: {  	_ =	shalt  }
0x82: {  	_ =	shalt  }
0x83: {  	_ =	shalt  }
0x84: {  	_ =	shalt  }
0x85: {  	_ =	shalt  }
0x86: {  	_ =	shalt  }
0x87: {  	_ =	shalt  }
.Lfunc_end0:
.L_simem_size_0:
called_computation_lowered:
.L_overlay_start_0:
0x88: {  	s2 =	sld [smem:$0x3FD9]  }
0x89: {  	s3 =	sld [smem:$0x3FFE];
	_ =	sdelay $0x1  }
0x8a: {  	s1 =	srdreg.scid  }
0x8b: {  	s0 =	sand.u32 $0x1, s1  }
0x8c: {  	s17 =	sshll.u32 s0, $0xA;
	s2 =	sadd.s32 s3, s2  }
0x8d: {  	s2 =	sadd.s32 s2, s17  }
0x8e: {  	[smem:$0x3FC2] =	sst s2  }
0x8f: {  	_ = 	snop  }
0x90: {  	s2 =	sld [smem:$0x3FD0];
	(tm) =	ssettm $0x1  }
0x91: {  	s18 =	sld [smem:$0x3FFB];
	_ =	sdelay $0x3  }
0x92: {  	_ =	strace s18  }
0x93: {  	s3 =	sld [smem:$0x3FFC];
	_ =	sdelay $0x3  }
0x94: {  	_ =	strace s3  }
0x95: {  	s3 =	sld [smem:$0x3FFD];
	_ =	sdelay $0x3  }
0x96: {  	_ =	strace s3  }
0x97: {  	_ =	strace $0x8FFFFFFF  }
0x98: {  	s19 =	sld [smem:$0x3FDB];
	_ =	sdelay $0x1  }
0x99: {  	s4 =	simm.s32 $_scs_section_size  }
0x9a: {  	s5 =	simm.s32 $_size__tile_overlayer_lowered;
	s6 =	simm.s32 $_tile_overlayer_lowered  }
0x9b: {  	s22 =	simm.s32 $0x1BFF;
	s21 =	sshll.u32 s6, $0x1;
	s3 =	sadd.s32 s4, s19  }
0x9c: {  	s7 =	simm.s32 $0x0;
	s20 =	sshll.u32 s5, $0x1;
	s5 =	sadd.s32 s21, s3  }
0x9d: {  	[timem:s7], [sflag:s22] =	dma.local [hbm:s5], s20  }
0x9e: {  	_ =	swait.ge [sflag:s22], s20  }
0x9f: {  	s4 =	ssub.s32 $0x0, s20;
	[sflag:s22] =	ssyncset.done $0x0  }
0xa0: {  	[sflag:s22] =	ssyncadd.s32 s4;
	_ =	sdelay $0x1  }
0xa1: {  	s23 =	simm.s32 $0x1B8B  }
0xa2: {  	_ =	swait.ge [sflag:s23], $0x1  }
0xa3: {  	[sflag:s23] =	ssyncset.done $0x0  }
0xa4: {  	s25 =	simm.s32 $0x1B8E;
	s24 =	sld [smem:$0x3FFE];
	[sflag:s23] =	ssyncadd.s32 $0xFFFFFFFF  }
0xa5: {  	s26 =	simm.s32 $execute0_lowered;
	[smem:$0x3FD2] =	sst s25  }
0xa6: {  	s5 =	sshll.u32 s26, $0x1;
	_ =	strace $0x80000046;
	[dreg:$0x1] =	wrdreg $0xFFFFFFFF  }
0xa7: {  	s28 =	simm.s32 $_size_execute0_lowered;
	s3 =	sadd.s32 s3, s5;
	[dreg:$0x0] =	wrdreg $0x0  }
0xa8: {  	s5 =	sshll.u32 s28, $0x1;
	[dreg:$0x2] =	wrdreg s3  }
0xa9: {  	[dreg:$0x3] =	wrdreg s5  }
0xaa: {  	[dreg:$0x4] =	wrdreg $0xC0  }
0xab: {  	_ =	task [dreg:s7], $0x5FFFF  }
0xac: {  	[dreg:$0x1] =	wrdreg $0xFFFFFFFF  }
0xad: {  	[dreg:$0x0] =	wrdreg $0x60  }
0xae: {  	[dreg:$0x2] =	wrdreg s24  }
0xaf: {  	[dreg:$0x3] =	wrdreg s2  }
0xb0: {  	[dreg:$0x4] =	wrdreg $0x2B000  }
0xb1: {  	[dreg:$0x5] =	wrdreg $0x9  }
0xb2: {  	_ =	task.clear_ibuf [dreg:s7], $0x6FFFF;
	_ =	strace $0x90000046  }
0xb3: {  	s29 =	simm.s32 $0x9;
	_ =	strace $0x80000048  }
0xb4: {  	_ =	swait.ge [sflag:s29], $0x1  }
0xb5: {  	[sflag:s29] =	ssyncadd.s32 $0xFFFFFFFF  }
0xb6: {  	_ =	strace $0x90000048  }
0xb7: {  	_ =	sfence  }
0xb8: {  	s30 =	sld [smem:$0x0];
	_ =	sdelay $0x2  }
0xb9: {  	s31 =	sshll.u32 s1, $0xD;
	s1 =	sshrl.u32 s1, $0x2  }
0xba: {  	s3 =	sand.u32 $0x4000, s31;
	s1 =	sadd.s32 s1, s30  }
0xbb: {  	s0 =	sor.u32 s3, s0;
	s1 =	sshll.u32 s1, $0x11  }
0xbc: {  	s0 =	sor.u32 s1, s0  }
0xbd: {  	s0 =	sadd.s32 $0x8F2B, s0  }
0xbe: {  	[sflag:s0] =	ssyncadd.remote.s32 $0x1  }
0xbf: {  	_ =	sfence.sel $0xFFFF  }
0xc0: {  	[dreg:$0x0] =	wrdreg $0xFFFFFFFF;
	(pc) =	sbr.abs _section_cstart, $3  }
0xc1: {  	[dreg:$0x1] =	wrdreg $0xFFFFFFFF  }
0xc2: {  	_ =	task.clear_ibuf [dreg:s7], $0x2FFFF;
	_ =	strace $0x9FFFFFFF  }
0xc3: {  	(tm) =	ssettm $0x7FFFFFFF  }
tec
execute0_lowered:
.L_overlay_start_1:
0x0: {  	(tag) =	ssettag $0x1  }
0x1: {  	s4 =	rddreg [dreg:$0x0]  }
0x2: {  	s6 =	rddreg [dreg:$0x1];
	s0 =	srdreg.scid  }
0x3: {  	s2 =	rddreg [dreg:$0x2];
	s1 =	stileid.u32;
	s3 =	simm.s32 $0x0  }
0x4: {  	s11 =	simm.s32 $0x2800;
	s12 =	simm.s32 $0x0;
	s5 =	sand.u32 $0x1, s0  }
0x5: {  	s0 =	rddreg [dreg:$0x3];
	s8 =	smul.u32 $0x280, s1;
	s7 =	sshll.u32 s5, $0x4  }
0x6: {  	s9 =	smul.u32 $0x2800, s5;
	s5 =	ssub.s32 $0x2, s5;
	s7 =	sor.u32 s1, s7  }
0x7: {  	[smem:$0x7FF] =	sst s3;
	s10 =	sshrl.u32 s5, $0x1;
	s7 =	smul.u32 $0x500, s7  }
0x8: {  	_ =	strace $0x80000047;
	s9 =	sadd.s32 s8, s9;
	s10 =	ssub.s32 s5, s10  }
0x9: {  	s9 =	sshrl.u32 s9, $0x3;
	s7 =	sadd.s32 s7, s4;
	s4 =	sadd.s32 s8, s2  }
0xa: {  	s6 =	sadd.s32 s6, s9;
	s8 =	simm.s32 $0x2880;
	s9 =	simm.s32 $0x1  }
0xb: {  	v0 =	vimm.f32 $0.0e+00;
	v1 =	vimm.f32 $1.000000000e+00;
	s5 =	sadd.s32 $0x1C00, s7;
	s7 =	smax.u32 s10, $0x1;
	s10 =	simm.s32 $0x80  }
.LBB2_1:
0xc: {  	[tilespmem:$0x2880] =	vst v0  }
0xd: {  	[tilespmem:$0x2890] =	vst v0  }
0xe: {  	[tilespmem:$0x28A0] =	vst v0  }
0xf: {  	[tilespmem:$0x28B0] =	vst v0  }
0x10: {  	[tilespmem:$0x28C0] =	vst v0  }
0x11: {  	[tilespmem:$0x28D0] =	vst v0  }
0x12: {  	[tilespmem:$0x28E0] =	vst v0  }
0x13: {  	[tilespmem:$0x28F0] =	vst v0  }
0x14: {  	[tilespmem:$0x2900] =	vst v0  }
0x15: {  	[tilespmem:$0x2910] =	vst v0  }
0x16: {  	[tilespmem:$0x2920] =	vst v0  }
0x17: {  	[tilespmem:$0x2930] =	vst v0  }
0x18: {  	[tilespmem:$0x2940] =	vst v0  }
0x19: {  	[tilespmem:$0x2950] =	vst v0  }
0x1a: {  	[tilespmem:$0x2960] =	vst v0  }
0x1b: {  	[tilespmem:$0x2970] =	vst v0  }
0x1c: {  	[tilespmem:$0x2980] =	vst v0  }
0x1d: {  	[tilespmem:$0x2990] =	vst v0  }
0x1e: {  	[tilespmem:$0x29A0] =	vst v0  }
0x1f: {  	[tilespmem:$0x29B0] =	vst v0  }
0x20: {  	[tilespmem:$0x29C0] =	vst v0  }
0x21: {  	[tilespmem:$0x29D0] =	vst v0  }
0x22: {  	[tilespmem:$0x29E0] =	vst v0  }
0x23: {  	[tilespmem:$0x29F0] =	vst v0  }
0x24: {  	[tilespmem:$0x2A00] =	vst v0  }
0x25: {  	[tilespmem:$0x2A10] =	vst v0  }
0x26: {  	[tilespmem:$0x2A20] =	vst v0  }
0x27: {  	[tilespmem:$0x2A30] =	vst v0  }
0x28: {  	[tilespmem:$0x2A40] =	vst v0  }
0x29: {  	[tilespmem:$0x2A50] =	vst v0  }
0x2a: {  	[tilespmem:$0x2A60] =	vst v0  }
0x2b: {  	[tilespmem:$0x2A70] =	vst v0  }
0x2c: {  	[tilespmem:$0x2A80] =	vst v0  }
0x2d: {  	[tilespmem:$0x2A90] =	vst v0  }
0x2e: {  	[tilespmem:$0x2AA0] =	vst v0  }
0x2f: {  	[tilespmem:$0x2AB0] =	vst v0  }
0x30: {  	[tilespmem:$0x2AC0] =	vst v0  }
0x31: {  	[tilespmem:$0x2AD0] =	vst v0  }
0x32: {  	[tilespmem:$0x2AE0] =	vst v0  }
0x33: {  	[tilespmem:$0x2AF0] =	vst v0  }
0x34: {  	[spmem:s4] =	stream.linear.scatter [tilespmem:s8], [sflag:$0x1], $0x280, $0x38;
	[tilespmem:$0x2D80] =	vst v63  }
0x35: {  	_ =	swait.ge [sflag:s9], $0x280  }
0x36: {  	[sflag:s9] =	ssyncset.done $0x0  }
0x37: {  	[sflag:s9] =	ssyncadd.s32 $0xFFFFFD80  }
0x38: {  	[bflag:$0x0] =	sbarrier.arrive $0xFFFF  }
0x39: {  	[tilespmem:$0x2800] =	vst v1  }
0x3a: {  	[tilespmem:$0x2810] =	vst v1  }
0x3b: {  	[tilespmem:$0x2820] =	vst v1  }
0x3c: {  	[tilespmem:$0x2830] =	vst v1  }
0x3d: {  	[tilespmem:$0x2840] =	vst v1  }
0x3e: {  	[tilespmem:$0x2850] =	vst v1  }
0x3f: {  	[tilespmem:$0x2860] =	vst v1  }
0x40: {  	[tilespmem:$0x2870] =	vst v1  }
0x41: {  	[tilespmem:s3], [sflag:$0x1] =	stream.linear.gather [hbm4b:s5+s3], $0x2800, $0x38;
	[tilespmem:$0x2D80] =	vst v63  }
0x42: {  	_ =	swait.ge [sflag:s9], $0x2800  }
0x43: {  	[sflag:s9] =	ssyncset.done $0x0  }
0x44: {  	s13 =	simm.s32 $0x0;
	[sflag:s9] =	ssyncadd.s32 $0xFFFFD800  }
0x45: {  	[spmem:s2] =	stream.indirect.scatter.add.f32 [tilespmem:s11], [sflag:$0x1], $0x1, s13, s10, $0xb8;
	[tilespmem:$0x2D80] =	vst v63  }
0x46: {  	_ =	swait.ge [sflag:s9], $0x80  }
0x47: {  	s13 =	simm.s32 $0x200;
	[sflag:s9] =	ssyncset.done $0x0  }
.LBB2_2:
0x48: {  	s14 =	sshra.s32 s13, $0x2;
	[sflag:s9] =	ssyncadd.s32 $0xFFFFFF80;
	p0 =	sne.s32 s13, $0x9E00  }
0x49: {  	[spmem:s2] =	stream.indirect.scatter.add.f32 [tilespmem:s11], [sflag:$0x1], $0x1, s14, s10, $0xb8;
	[tilespmem:$0x2D80] =	vst v63  }
.Ltmp0:
0x4a: {  	_ = 	snop;
	(pc) =	sbr.rel @p0 .LBB2_2-.Ltmp0, $4  }
0x4b: {  	_ = 	snop  }
0x4c: {  	s13 =	sadd.s32 $0x200, s13  }
0x4d: {  	_ =	swait.ge [sflag:s9], $0x80  }
0x4e: {  	[sflag:s9] =	ssyncset.done $0x0  }
0x4f: {  	[sflag:s9] =	ssyncadd.s32 $0xFFFFFF80  }
0x50: {  	[bflag:$0x0] =	sbarrier.arrive $0xFFFF  }
0x51: {  	[tilespmem:s8], [sflag:$0x1] =	stream.linear.gather [spmem:s4], $0x280, $0x38;
	[tilespmem:$0x2D80] =	vst v63  }
0x52: {  	s12 =	sadd.s32 $0x1, s12;
	_ =	swait.ge [sflag:s9], $0x280  }
0x53: {  	p0 =	sne.s32 s12, s7;
	[sflag:s9] =	ssyncset.done $0x0  }
.Ltmp1:
0x54: {  	[sflag:s9] =	ssyncadd.s32 $0xFFFFFD80;
	(pc) =	sbr.rel @p0 .LBB2_1-.Ltmp1, $4  }
0x55: {  	[hbm4b:s6+s3] =	stream.linear.scatter [tilespmem:s8], [sflag:$0x1], $0x280, $0x38;
	[tilespmem:$0x2D80] =	vst v63  }
0x56: {  	_ =	swait.ge [sflag:s9], $0x280  }
0x57: {  	[sflag:s9] =	ssyncset.done $0x0  }
0x58: {  	[sflag:s9] =	ssyncadd.s32 $0xFFFFFD80  }
0x59: {  	_ =	sfence.sel $0x180000  }
0x5a: {  	[bflag:$0x0] =	sbarrier.arrive $0xFFFF  }
0x5b: {  	p0 =	sne.s32 s1, $0x0;
	_ =	strace $0x90000047  }
0x5c: {  	s0 =	sadd.s32 @!p0 $0x100000, s0;
	[bflag:$0x2] =	sbarrier.arrive $0xFFFF  }
0x5d: {  	[sflag:s0] =	ssyncadd.tile.s32 @!p0 $0x1;
	_ =	shalt  }
.Lfunc_end2:
_tile_overlayer_lowered:
.L_overlay_start_2:
0x5e: {  	(tag) =	ssettag $0x2  }
0x5f: {  	s0 =	rddreg [dreg:$0x0];
	s2 =	stileid.u32  }
0x60: {  	s1 =	rddreg [dreg:$0x1];
	p0 =	sne.s32 s2, $0x0  }
0x61: {  	s3 =	rddreg [dreg:$0x2];
	[bflag:$0x3] =	sbarrier.arrive $0xFFFF;
	s2 =	simm.s32 @!p0 $0x1C01  }
0x62: {  	[timem:s3], [sflag:s2] =	dma.local @!p0 [hbm:s0], s1  }
0x63: {  	s0 =	simm.s32 @!p0 $0x1  }
0x64: {  	_ =	swait.ge @!p0 [sflag:s0], s1  }
0x65: {  	s1 =	ssub.s32 @!p0 $0x0, s1;
	[sflag:s0] =	ssyncset.done @!p0 $0x0  }
0x66: {  	[sflag:s0] =	ssyncadd.s32 @!p0 s1  }
0x67: {  	[bflag:$0x3] =	sbarrier.arrive $0xFFFF  }
0x68: {  	_ =	shalt  }

</sc_bundles>
